<compile_context>
chip_gen: v7x
topology: tpu7x:2x2x1
jax: 0.10.2.dev20260603
libtpu: 0.0.44.dev20260713+nightly
codegen_flags: <defaults>
</compile_context>

<pallas_src>
import functools

import jax
import jax.numpy as jnp
from jax import lax
from jax.experimental import pallas as pl
from jax.experimental.pallas import tpu as pltpu
from jax.experimental.pallas import tpu_sc as plsc

FEAT = 64
BATCH = 16384
NUM_ROWS = 1000000
NC = 2
NS = 16
L = 16
NW = NC * NS
BPW = BATCH // NW
NGROUPS = BPW // L
W = 1536
FBLK = 128
TAIL_START = (NUM_ROWS // FBLK) * FBLK
NTAIL = NUM_ROWS - TAIL_START
MAX_WS = ((NUM_ROWS - W) // 128) * 128
DONE = 0x40000000


def _make_kernel():
    mesh = plsc.VectorSubcoreMesh(core_axis_name="c", subcore_axis_name="s")

    @functools.partial(
        pl.kernel,
        mesh=mesh,
        compiler_params=pltpu.CompilerParams(needs_layout_passes=False),
        out_type=jax.ShapeDtypeStruct((NW, L), jnp.float32),
        scratch_types=[
            pltpu.VMEM((BPW,), jnp.int32),
            pltpu.VMEM((FEAT, FBLK), jnp.float32),
            pltpu.VMEM((FEAT, W), jnp.float32),
            pltpu.VMEM((FEAT, NTAIL), jnp.float32),
            pltpu.VMEM((L,), jnp.float32),
            pltpu.SMEM((1,), jnp.int32),
            pltpu.SemaphoreType.DMA,
            pltpu.SemaphoreType.DMA,
        ],
    )
    def center_loss_partial(feat_hbm, lab_hbm, cent_hbm, tail_hbm, out_hbm,
                            labs_v, feat_v, win_v, tail_v, out_v, ws_smem,
                            sem0, sem1):
        wid = lax.axis_index("s") * NC + lax.axis_index("c")
        base = wid * BPW
        pltpu.sync_copy(lab_hbm.at[pl.ds(base, BPW)], labs_v)
        pltpu.sync_copy(tail_hbm, tail_v)
        out_v[...] = jnp.zeros((L,), jnp.float32)
        ws_smem[0] = jnp.int32(-(2 * W))

        def sq_contrib(cols, pmask, table, goff):
            accs = [jnp.zeros((L,), jnp.float32) for _ in range(4)]
            for f in range(FEAT):
                cv = table(f, cols)
                d = feat_v[f, pl.ds(goff, L)] - cv
                accs[f % 4] = accs[f % 4] + d * d
            tot = (accs[0] + accs[1]) + (accs[2] + accs[3])
            return jnp.where(pmask, tot, jnp.float32(0.0))

        def group_body(g, _):
            @pl.when(lax.rem(g, 8) == 0)
            def _load_feat():
                pltpu.sync_copy(
                    feat_hbm.at[:, pl.ds(base + FBLK * (g // 8), FBLK)],
                    feat_v)

            goff = lax.rem(g, 8) * L
            labs16 = labs_v[pl.ds(g * L, L)]

            tmask = labs16 >= TAIL_START
            rem0 = jnp.where(tmask, DONE, labs16)

            @pl.when(jnp.max(labs16) >= TAIL_START)
            def _tail():
                cols_t = jnp.clip(labs16 - TAIL_START, 0, NTAIL - 1)

                def tail_at(f, cc):
                    return plsc.load_gather(
                        tail_v, [jnp.full((L,), f, jnp.int32), cc])

                out_v[...] += sq_contrib(cols_t, tmask, tail_at, goff)

            def cond(rem):
                return jnp.min(rem) < DONE

            def body(rem):
                m = jnp.min(rem)

                @pl.when(
                    jnp.logical_or(m < ws_smem[0], m >= ws_smem[0] + W))
                def _slide():
                    ws_smem[0] = jnp.minimum(
                        (m // 128) * 128, jnp.int32(MAX_WS))
                    start = pl.multiple_of(ws_smem[0], 128)
                    pltpu.sync_copy(cent_hbm.at[:, pl.ds(start, W)], win_v)

                ws = ws_smem[0]
                pmask = jnp.logical_and(rem >= ws, rem < ws + W)
                cols = jnp.clip(rem - ws, 0, W - 1)

                def win_at(f, cc):
                    return plsc.load_gather(
                        win_v, [jnp.full((L,), f, jnp.int32), cc])

                out_v[...] += sq_contrib(cols, pmask, win_at, goff)
                return jnp.where(pmask, DONE, rem)

            lax.while_loop(cond, body, rem0)
            return 0

        lax.fori_loop(0, NGROUPS, group_body, 0)
        inv = jnp.float32(1.0 / (BATCH * FEAT))
        out_v[...] = out_v[...] * inv
        pltpu.sync_copy(out_v, out_hbm.at[wid])

    return center_loss_partial


_center_loss_call = _make_kernel()


def kernel(features, labels, centers):
    lab = labels.astype(jnp.int32)
    order = jnp.argsort(lab)
    lab_sorted = lab[order]
    feat_t = features[order].T
    cent_t = centers.T
    tail_t = centers[TAIL_START:].T
    partial = _center_loss_call(feat_t, lab_sorted, cent_t, tail_t)
    return jnp.sum(partial)

# --- scband reference (transcript-rebuilt; emitter-appended) ---
"""Pipeline reference for scband-center-loss-39333310497043 (READ-ONLY COPY).

The authoritative reference and input builder live on the scoring server;
editing this copy changes nothing except your own understanding.
"""

import jax, jax.numpy as jnp
import numpy as np

NUM_CLASSES = 1000000
FEAT_DIM = 64
BATCH = 16384

def setup_inputs(seed: int = 0) -> dict:
    key = jax.random.key(seed)
    k1, k2, k3 = jax.random.split(key, 3)
    features = jax.random.normal(k1, (BATCH, FEAT_DIM), dtype=jnp.float32)
    labels = jax.random.randint(k2, (BATCH,), 0, NUM_CLASSES, dtype=jnp.int64)
    centers = jax.random.normal(k3, (NUM_CLASSES, FEAT_DIM), dtype=jnp.float32)
    return {"features": features, "labels": labels, "centers": centers}

def reference(features, labels, centers):
    # centers_batch = self.centers[labels]  -> gather rows of the centers table
    centers_batch = jnp.take(centers, labels, axis=0)
    # F.mse_loss default reduction='mean'
    loss = jnp.mean((features - centers_batch) ** 2)
    return loss

if __name__ == "__main__":
    import jax
    _d = setup_inputs()
    print(jax.jit(kernel)(*tuple(_d.values())))

</pallas_src>

<mosaic_0001>
#map = affine_map<(d0, d1) -> (0, 0)>
#map1 = affine_map<(d0, d1) -> (0)>
module attributes {stable_mosaic.version = 14 : i64} {
  func.func @center_loss_partial(%arg0: i32, %arg1: i32, %arg2: memref<64x16384xf32, #tpu.memory_space<hbm>>, %arg3: memref<16384xi32, #tpu.memory_space<hbm>>, %arg4: memref<64x1000000xf32, #tpu.memory_space<hbm>>, %arg5: memref<64x64xf32, #tpu.memory_space<hbm>>, %arg6: memref<32x16xf32, #tpu.memory_space<hbm>>, %arg7: memref<512xi32, #tpu.memory_space<vmem>>, %arg8: memref<64x128xf32, #tpu.memory_space<vmem>>, %arg9: memref<64x1536xf32, #tpu.memory_space<vmem>>, %arg10: memref<64x64xf32, #tpu.memory_space<vmem>>, %arg11: memref<16xf32, #tpu.memory_space<vmem>>, %arg12: memref<1xi32, #tpu.memory_space<smem>>, %arg13: memref<!tpu.dma_semaphore, #tpu.memory_space<semaphore_mem>>, %arg14: memref<!tpu.dma_semaphore, #tpu.memory_space<semaphore_mem>>) attributes {dimension_semantics = [#tpu.dimension_semantics<core_parallel>, #tpu.dimension_semantics<subcore_parallel>], iteration_bounds = array<i64: 2, 16>, scalar_prefetch = 0 : i64, scratch_operands = 8 : i64, tpu.core_type = #tpu.core_type<sc_vector_subcore>, window_params = [{transform_indices = #map}, {transform_indices = #map1}, {transform_indices = #map}, {transform_indices = #map}, {transform_indices = #map}]} {
    %mul3A = arith.constant 2 : i32
    %mul3A_0 = arith.muli %arg1, %mul3A : i32
    %add3A = arith.addi %mul3A_0, %arg0 : i32
    %mul3A_1 = arith.constant 512 : i32
    %mul3A_2 = arith.muli %add3A, %mul3A_1 : i32
    "tpu.region"() ({
      %run_scoped3A = tpu.sem_alloc : memref<!tpu.dma_semaphore, #tpu.memory_space<semaphore_mem>>
      %dma_start3A = tpu.memref_slice %arg3[%mul3A_2] : memref<16384xi32, #tpu.memory_space<hbm>> -> memref<512xi32, #tpu.memory_space<hbm>>
      %dma_start3A_21 = tpu.memref_slice %arg3[%mul3A_2] : memref<16384xi32, #tpu.memory_space<hbm>> -> memref<512xi32, #tpu.memory_space<hbm>>
      tpu.enqueue_dma source(%dma_start3A_21 : memref<512xi32, #tpu.memory_space<hbm>>) target(%arg7 : memref<512xi32, #tpu.memory_space<vmem>>) target_semaphore(%run_scoped3A : memref<!tpu.dma_semaphore, #tpu.memory_space<semaphore_mem>>)
      %dma_wait3A = tpu.memref_slice %arg3[%mul3A_2] : memref<16384xi32, #tpu.memory_space<hbm>> -> memref<512xi32, #tpu.memory_space<hbm>>
      %dma_wait3A_22 = tpu.memref_slice %arg3[%mul3A_2] : memref<16384xi32, #tpu.memory_space<hbm>> -> memref<512xi32, #tpu.memory_space<hbm>>
      tpu.wait_dma2 semaphore(%run_scoped3A : memref<!tpu.dma_semaphore, #tpu.memory_space<semaphore_mem>>) src(%dma_wait3A_22 : memref<512xi32, #tpu.memory_space<hbm>>) dst(%arg7 : memref<512xi32, #tpu.memory_space<vmem>>)
      tpu.yield
    }) : () -> ()
    "tpu.region"() ({
      %run_scoped3A = tpu.sem_alloc : memref<!tpu.dma_semaphore, #tpu.memory_space<semaphore_mem>>
      tpu.enqueue_dma source(%arg5 : memref<64x64xf32, #tpu.memory_space<hbm>>) target(%arg10 : memref<64x64xf32, #tpu.memory_space<vmem>>) target_semaphore(%run_scoped3A : memref<!tpu.dma_semaphore, #tpu.memory_space<semaphore_mem>>)
      tpu.wait_dma2 semaphore(%run_scoped3A : memref<!tpu.dma_semaphore, #tpu.memory_space<semaphore_mem>>) src(%arg5 : memref<64x64xf32, #tpu.memory_space<hbm>>) dst(%arg10 : memref<64x64xf32, #tpu.memory_space<vmem>>)
      tpu.yield
    }) : () -> ()
    %broadcast_in_dim3A = arith.constant 0.000000e+00 : f32
    %broadcast_in_dim3A_3 = vector.broadcast %broadcast_in_dim3A : f32 to vector<16xf32>
    %swap3A = arith.constant 0 : index
    %swap3A_4 = tpu.vector_load %arg11[%swap3A] {strides = array<i32>} : memref<16xf32, #tpu.memory_space<vmem>>, vector<16xf32>,
    tpu.vector_store %arg11[%swap3A], %broadcast_in_dim3A_3 {strides = array<i32>} : memref<16xf32, #tpu.memory_space<vmem>>, vector<16xf32>,
    %swap3A_5 = arith.constant -3072 : i32
    %swap3A_6 = arith.constant 0 : i32
    %swap3A_7 = arith.index_cast %swap3A_6 : i32 to index
    %swap3A_8 = memref.load %arg12[%swap3A_7] : memref<1xi32, #tpu.memory_space<smem>>
    memref.store %swap3A_5, %arg12[%swap3A_7] : memref<1xi32, #tpu.memory_space<smem>>
    %scan3A = arith.constant 0 : i32
    %scan3A_9 = arith.constant 0 : i32
    %scan3A_10 = arith.constant 32 : i32
    %scan3A_11 = arith.addi %scan3A_9, %scan3A_10 : i32
    %scan3A_12 = arith.constant 1 : i32
    %scan3A_13 = scf.for %scan3A_21 = %scan3A_9 to %scan3A_11 step %scan3A_12 iter_args(%scan3A_22 = %scan3A) -> (i32)  : i32 {
      %rem3A = arith.constant 8 : i32
      %rem3A_23 = arith.remsi %scan3A_21, %rem3A : i32
      %eq3A = arith.constant 0 : i32
      %eq3A_24 = arith.cmpi eq, %rem3A_23, %eq3A : i32
      %convert_element_type3A = arith.extui %eq3A_24 : i1 to i32
      %cond3A = arith.constant 0 : i32
      %cond3A_25 = arith.cmpi ne, %convert_element_type3A, %cond3A : i32
      scf.if %cond3A_25 {
        %jit3A_50 = arith.constant 8 : i32
        %div3A = arith.divsi %scan3A_21, %jit3A_50 : i32
        %sign3A = arith.constant 0 : i32
        %sign3A_51 = arith.cmpi sgt, %scan3A_21, %sign3A : i32
        %sign3A_52 = arith.extui %sign3A_51 : i1 to i32
        %sign3A_53 = arith.constant 0 : i32
        %sign3A_54 = arith.cmpi slt, %scan3A_21, %sign3A_53 : i32
        %sign3A_55 = arith.extui %sign3A_54 : i1 to i32
        %sign3A_56 = arith.subi %sign3A_52, %sign3A_55 : i32
        %sign3A_57 = arith.constant 0 : i32
        %sign3A_58 = arith.cmpi sgt, %jit3A_50, %sign3A_57 : i32
        %sign3A_59 = arith.extui %sign3A_58 : i1 to i32
        %sign3A_60 = arith.constant 0 : i32
        %sign3A_61 = arith.cmpi slt, %jit3A_50, %sign3A_60 : i32
        %sign3A_62 = arith.extui %sign3A_61 : i1 to i32
        %sign3A_63 = arith.subi %sign3A_59, %sign3A_62 : i32
        %ne3A = arith.cmpi ne, %sign3A_56, %sign3A_63 : i32
        %rem3A_64 = arith.remsi %scan3A_21, %jit3A_50 : i32
        %ne3A_65 = arith.constant 0 : i32
        %ne3A_66 = arith.cmpi ne, %rem3A_64, %ne3A_65 : i32
        %and3A = arith.andi %ne3A, %ne3A_66 : i1
        %sub3A = arith.constant 1 : i32
        %sub3A_67 = arith.subi %div3A, %sub3A : i32
        %select_n3A_68 = arith.select %and3A, %sub3A_67, %div3A : i32
        %mul3A_69 = arith.constant 128 : i32
        %mul3A_70 = arith.muli %mul3A_69, %select_n3A_68 : i32
        %add3A_71 = arith.addi %mul3A_2, %mul3A_70 : i32
        "tpu.region"() ({
          %run_scoped3A = tpu.sem_alloc : memref<!tpu.dma_semaphore, #tpu.memory_space<semaphore_mem>>
          %dma_start3A = arith.constant 0 : i32
          %dma_start3A_72 = tpu.memref_slice %arg2[%dma_start3A, %add3A_71] : memref<64x16384xf32, #tpu.memory_space<hbm>> -> memref<64x128xf32, #tpu.memory_space<hbm>>
          %dma_start3A_73 = arith.constant 0 : i32
          %dma_start3A_74 = tpu.memref_slice %arg2[%dma_start3A_73, %add3A_71] : memref<64x16384xf32, #tpu.memory_space<hbm>> -> memref<64x128xf32, #tpu.memory_space<hbm>>
          tpu.enqueue_dma source(%dma_start3A_74 : memref<64x128xf32, #tpu.memory_space<hbm>>) target(%arg8 : memref<64x128xf32, #tpu.memory_space<vmem>>) target_semaphore(%run_scoped3A : memref<!tpu.dma_semaphore, #tpu.memory_space<semaphore_mem>>)
          %dma_wait3A = arith.constant 0 : i32
          %dma_wait3A_75 = tpu.memref_slice %arg2[%dma_wait3A, %add3A_71] : memref<64x16384xf32, #tpu.memory_space<hbm>> -> memref<64x128xf32, #tpu.memory_space<hbm>>
          %dma_wait3A_76 = arith.constant 0 : i32
          %dma_wait3A_77 = tpu.memref_slice %arg2[%dma_wait3A_76, %add3A_71] : memref<64x16384xf32, #tpu.memory_space<hbm>> -> memref<64x128xf32, #tpu.memory_space<hbm>>
          tpu.wait_dma2 semaphore(%run_scoped3A : memref<!tpu.dma_semaphore, #tpu.memory_space<semaphore_mem>>) src(%dma_wait3A_77 : memref<64x128xf32, #tpu.memory_space<hbm>>) dst(%arg8 : memref<64x128xf32, #tpu.memory_space<vmem>>)
          tpu.yield
        }) : () -> ()
      } else {
      }
      %rem3A_26 = arith.constant 8 : i32
      %rem3A_27 = arith.remsi %scan3A_21, %rem3A_26 : i32
      %mul3A_28 = arith.constant 16 : i32
      %mul3A_29 = arith.muli %rem3A_27, %mul3A_28 : i32
      %mul3A_30 = arith.constant 16 : i32
      %mul3A_31 = arith.muli %scan3A_21, %mul3A_30 : i32
      %get3A_32 = arith.index_cast %mul3A_31 : i32 to index
      %get3A_33 = tpu.vector_load %arg7[%get3A_32] {strides = array<i32>} : memref<512xi32, #tpu.memory_space<vmem>>, vector<16xi32>,
      %ge3A = arith.constant 999936 : i32
      %ge3A_34 = vector.broadcast %ge3A : i32 to vector<16xi32>
      %ge3A_35 = arith.cmpi sge, %get3A_33, %ge3A_34 : vector<16xi32>
      %jit3A = arith.constant 1073741824 : i32
      %broadcast_in_dim3A_36 = vector.broadcast %jit3A : i32 to vector<16xi32>
      %select_n3A = arith.select %ge3A_35, %broadcast_in_dim3A_36, %get3A_33 : vector<16xi1>, vector<16xi32>
      %reduce_max3A = arith.constant true
      %reduce_max3A_37 = vector.broadcast %reduce_max3A : i1 to vector<16xi1>
      %reduce_max3A_38 = arith.constant -2147483648 : i32
      %reduce_max3A_39 = vector.broadcast %reduce_max3A_38 : i32 to vector<16xi32>
      %reduce_max3A_40 = arith.xori %get3A_33, %reduce_max3A_39 : vector<16xi32>
      %reduce_max3A_41 = tpu.scan <max>, %reduce_max3A_40 masked %reduce_max3A_37 : vector<16xi32>, vector<16xi1> -> vector<16xi32>
      %reduce_max3A_42 = arith.xori %reduce_max3A_41, %reduce_max3A_39 : vector<16xi32>
      %reduce_max3A_43 = vector.extract %reduce_max3A_42[15] : i32 from vector<16xi32>
      %ge3A_44 = arith.constant 999936 : i32
      %ge3A_45 = arith.cmpi sge, %reduce_max3A_43, %ge3A_44 : i32
      %convert_element_type3A_46 = arith.extui %ge3A_45 : i1 to i32
      %cond3A_47 = arith.constant 0 : i32
      %cond3A_48 = arith.cmpi ne, %convert_element_type3A_46, %cond3A_47 : i32
      scf.if %cond3A_48 {
        %sub3A = arith.constant 999936 : i32
        %sub3A_50 = vector.broadcast %sub3A : i32 to vector<16xi32>
        %sub3A_51 = arith.subi %get3A_33, %sub3A_50 : vector<16xi32>
        %jit3A_52 = arith.constant 0 : i32
        %jit3A_53 = arith.constant 63 : i32
        %max3A = vector.broadcast %jit3A_52 : i32 to vector<16xi32>
        %max3A_54 = arith.maxsi %max3A, %sub3A_51 : vector<16xi32>
        %min3A = vector.broadcast %jit3A_53 : i32 to vector<16xi32>
        %min3A_55 = arith.minsi %min3A, %max3A_54 : vector<16xi32>
        %get3A_56 = arith.constant 0 : index
        %get3A_57 = tpu.vector_load %arg11[%get3A_56] {strides = array<i32>} : memref<16xf32, #tpu.memory_space<vmem>>, vector<16xf32>,
        %broadcast_in_dim3A_58 = arith.constant 0.000000e+00 : f32
        %broadcast_in_dim3A_59 = vector.broadcast %broadcast_in_dim3A_58 : f32 to vector<16xf32>
        %broadcast_in_dim3A_60 = arith.constant 0.000000e+00 : f32
        %broadcast_in_dim3A_61 = vector.broadcast %broadcast_in_dim3A_60 : f32 to vector<16xf32>
        %broadcast_in_dim3A_62 = arith.constant 0.000000e+00 : f32
        %broadcast_in_dim3A_63 = vector.broadcast %broadcast_in_dim3A_62 : f32 to vector<16xf32>
        %broadcast_in_dim3A_64 = arith.constant 0.000000e+00 : f32
        %broadcast_in_dim3A_65 = vector.broadcast %broadcast_in_dim3A_64 : f32 to vector<16xf32>
        %broadcast_in_dim3A_66 = arith.constant 0 : i32
        %broadcast_in_dim3A_67 = vector.broadcast %broadcast_in_dim3A_66 : i32 to vector<16xi32>
        %gather3A = tpu.vector_load_idx %arg10[%broadcast_in_dim3A_67, %min3A_55] : memref<64x64xf32, #tpu.memory_space<vmem>>[vector<16xi32>, vector<16xi32>], vector<16xf32>,
        %get3A_68 = arith.constant 0 : i32
        %get3A_69 = arith.index_cast %get3A_68 : i32 to index
        %get3A_70 = arith.index_cast %mul3A_29 : i32 to index
        %get3A_71 = tpu.vector_load %arg8[%get3A_69, %get3A_70] {strides = array<i32>} : memref<64x128xf32, #tpu.memory_space<vmem>>, vector<16xf32>,
        %sub3A_72 = arith.subf %get3A_71, %gather3A : vector<16xf32>
        %mul3A_73 = arith.mulf %sub3A_72, %sub3A_72 : vector<16xf32>
        %add3A_74 = arith.addf %broadcast_in_dim3A_59, %mul3A_73 : vector<16xf32>
        %broadcast_in_dim3A_75 = arith.constant 1 : i32
        %broadcast_in_dim3A_76 = vector.broadcast %broadcast_in_dim3A_75 : i32 to vector<16xi32>
        %gather3A_77 = tpu.vector_load_idx %arg10[%broadcast_in_dim3A_76, %min3A_55] : memref<64x64xf32, #tpu.memory_space<vmem>>[vector<16xi32>, vector<16xi32>], vector<16xf32>,
        %get3A_78 = arith.constant 1 : i32
        %get3A_79 = arith.index_cast %get3A_78 : i32 to index
        %get3A_80 = arith.index_cast %mul3A_29 : i32 to index
        %get3A_81 = tpu.vector_load %arg8[%get3A_79, %get3A_80] {strides = array<i32>} : memref<64x128xf32, #tpu.memory_space<vmem>>, vector<16xf32>,
        %sub3A_82 = arith.subf %get3A_81, %gather3A_77 : vector<16xf32>
        %mul3A_83 = arith.mulf %sub3A_82, %sub3A_82 : vector<16xf32>
        %add3A_84 = arith.addf %broadcast_in_dim3A_61, %mul3A_83 : vector<16xf32>
        %broadcast_in_dim3A_85 = arith.constant 2 : i32
        %broadcast_in_dim3A_86 = vector.broadcast %broadcast_in_dim3A_85 : i32 to vector<16xi32>
        %gather3A_87 = tpu.vector_load_idx %arg10[%broadcast_in_dim3A_86, %min3A_55] : memref<64x64xf32, #tpu.memory_space<vmem>>[vector<16xi32>, vector<16xi32>], vector<16xf32>,
        %get3A_88 = arith.constant 2 : i32
        %get3A_89 = arith.index_cast %get3A_88 : i32 to index
        %get3A_90 = arith.index_cast %mul3A_29 : i32 to index
        %get3A_91 = tpu.vector_load %arg8[%get3A_89, %get3A_90] {strides = array<i32>} : memref<64x128xf32, #tpu.memory_space<vmem>>, vector<16xf32>,
        %sub3A_92 = arith.subf %get3A_91, %gather3A_87 : vector<16xf32>
        %mul3A_93 = arith.mulf %sub3A_92, %sub3A_92 : vector<16xf32>
        %add3A_94 = arith.addf %broadcast_in_dim3A_63, %mul3A_93 : vector<16xf32>
        %broadcast_in_dim3A_95 = arith.constant 3 : i32
        %broadcast_in_dim3A_96 = vector.broadcast %broadcast_in_dim3A_95 : i32 to vector<16xi32>
        %gather3A_97 = tpu.vector_load_idx %arg10[%broadcast_in_dim3A_96, %min3A_55] : memref<64x64xf32, #tpu.memory_space<vmem>>[vector<16xi32>, vector<16xi32>], vector<16xf32>,
        %get3A_98 = arith.constant 3 : i32
        %get3A_99 = arith.index_cast %get3A_98 : i32 to index
        %get3A_100 = arith.index_cast %mul3A_29 : i32 to index
        %get3A_101 = tpu.vector_load %arg8[%get3A_99, %get3A_100] {strides = array<i32>} : memref<64x128xf32, #tpu.memory_space<vmem>>, vector<16xf32>,
        %sub3A_102 = arith.subf %get3A_101, %gather3A_97 : vector<16xf32>
        %mul3A_103 = arith.mulf %sub3A_102, %sub3A_102 : vector<16xf32>
        %add3A_104 = arith.addf %broadcast_in_dim3A_65, %mul3A_103 : vector<16xf32>
        %broadcast_in_dim3A_105 = arith.constant 4 : i32
        %broadcast_in_dim3A_106 = vector.broadcast %broadcast_in_dim3A_105 : i32 to vector<16xi32>
        %gather3A_107 = tpu.vector_load_idx %arg10[%broadcast_in_dim3A_106, %min3A_55] : memref<64x64xf32, #tpu.memory_space<vmem>>[vector<16xi32>, vector<16xi32>], vector<16xf32>,
        %get3A_108 = arith.constant 4 : i32
        %get3A_109 = arith.index_cast %get3A_108 : i32 to index
        %get3A_110 = arith.index_cast %mul3A_29 : i32 to index
        %get3A_111 = tpu.vector_load %arg8[%get3A_109, %get3A_110] {strides = array<i32>} : memref<64x128xf32, #tpu.memory_space<vmem>>, vector<16xf32>,
        %sub3A_112 = arith.subf %get3A_111, %gather3A_107 : vector<16xf32>
        %mul3A_113 = arith.mulf %sub3A_112, %sub3A_112 : vector<16xf32>
        %add3A_114 = arith.addf %add3A_74, %mul3A_113 : vector<16xf32>
        %broadcast_in_dim3A_115 = arith.constant 5 : i32
        %broadcast_in_dim3A_116 = vector.broadcast %broadcast_in_dim3A_115 : i32 to vector<16xi32>
        %gather3A_117 = tpu.vector_load_idx %arg10[%broadcast_in_dim3A_116, %min3A_55] : memref<64x64xf32, #tpu.memory_space<vmem>>[vector<16xi32>, vector<16xi32>], vector<16xf32>,
        %get3A_118 = arith.constant 5 : i32
        %get3A_119 = arith.index_cast %get3A_118 : i32 to index
        %get3A_120 = arith.index_cast %mul3A_29 : i32 to index
        %get3A_121 = tpu.vector_load %arg8[%get3A_119, %get3A_120] {strides = array<i32>} : memref<64x128xf32, #tpu.memory_space<vmem>>, vector<16xf32>,
        %sub3A_122 = arith.subf %get3A_121, %gather3A_117 : vector<16xf32>
        %mul3A_123 = arith.mulf %sub3A_122, %sub3A_122 : vector<16xf32>
        %add3A_124 = arith.addf %add3A_84, %mul3A_123 : vector<16xf32>
        %broadcast_in_dim3A_125 = arith.constant 6 : i32
        %broadcast_in_dim3A_126 = vector.broadcast %broadcast_in_dim3A_125 : i32 to vector<16xi32>
        %gather3A_127 = tpu.vector_load_idx %arg10[%broadcast_in_dim3A_126, %min3A_55] : memref<64x64xf32, #tpu.memory_space<vmem>>[vector<16xi32>, vector<16xi32>], vector<16xf32>,
        %get3A_128 = arith.constant 6 : i32
        %get3A_129 = arith.index_cast %get3A_128 : i32 to index
        %get3A_130 = arith.index_cast %mul3A_29 : i32 to index
        %get3A_131 = tpu.vector_load %arg8[%get3A_129, %get3A_130] {strides = array<i32>} : memref<64x128xf32, #tpu.memory_space<vmem>>, vector<16xf32>,
        %sub3A_132 = arith.subf %get3A_131, %gather3A_127 : vector<16xf32>
        %mul3A_133 = arith.mulf %sub3A_132, %sub3A_132 : vector<16xf32>
        %add3A_134 = arith.addf %add3A_94, %mul3A_133 : vector<16xf32>
        %broadcast_in_dim3A_135 = arith.constant 7 : i32
        %broadcast_in_dim3A_136 = vector.broadcast %broadcast_in_dim3A_135 : i32 to vector<16xi32>
        %gather3A_137 = tpu.vector_load_idx %arg10[%broadcast_in_dim3A_136, %min3A_55] : memref<64x64xf32, #tpu.memory_space<vmem>>[vector<16xi32>, vector<16xi32>], vector<16xf32>,
        %get3A_138 = arith.constant 7 : i32
        %get3A_139 = arith.index_cast %get3A_138 : i32 to index
        %get3A_140 = arith.index_cast %mul3A_29 : i32 to index
        %get3A_141 = tpu.vector_load %arg8[%get3A_139, %get3A_140] {strides = array<i32>} : memref<64x128xf32, #tpu.memory_space<vmem>>, vector<16xf32>,
        %sub3A_142 = arith.subf %get3A_141, %gather3A_137 : vector<16xf32>
        %mul3A_143 = arith.mulf %sub3A_142, %sub3A_142 : vector<16xf32>
        %add3A_144 = arith.addf %add3A_104, %mul3A_143 : vector<16xf32>
        %broadcast_in_dim3A_145 = arith.constant 8 : i32
        %broadcast_in_dim3A_146 = vector.broadcast %broadcast_in_dim3A_145 : i32 to vector<16xi32>
        %gather3A_147 = tpu.vector_load_idx %arg10[%broadcast_in_dim3A_146, %min3A_55] : memref<64x64xf32, #tpu.memory_space<vmem>>[vector<16xi32>, vector<16xi32>], vector<16xf32>,
        %get3A_148 = arith.constant 8 : i32
        %get3A_149 = arith.index_cast %get3A_148 : i32 to index
        %get3A_150 = arith.index_cast %mul3A_29 : i32 to index
        %get3A_151 = tpu.vector_load %arg8[%get3A_149, %get3A_150] {strides = array<i32>} : memref<64x128xf32, #tpu.memory_space<vmem>>, vector<16xf32>,
        %sub3A_152 = arith.subf %get3A_151, %gather3A_147 : vector<16xf32>
        %mul3A_153 = arith.mulf %sub3A_152, %sub3A_152 : vector<16xf32>
        %add3A_154 = arith.addf %add3A_114, %mul3A_153 : vector<16xf32>
        %broadcast_in_dim3A_155 = arith.constant 9 : i32
        %broadcast_in_dim3A_156 = vector.broadcast %broadcast_in_dim3A_155 : i32 to vector<16xi32>
        %gather3A_157 = tpu.vector_load_idx %arg10[%broadcast_in_dim3A_156, %min3A_55] : memref<64x64xf32, #tpu.memory_space<vmem>>[vector<16xi32>, vector<16xi32>], vector<16xf32>,
        %get3A_158 = arith.constant 9 : i32
        %get3A_159 = arith.index_cast %get3A_158 : i32 to index
        %get3A_160 = arith.index_cast %mul3A_29 : i32 to index
        %get3A_161 = tpu.vector_load %arg8[%get3A_159, %get3A_160] {strides = array<i32>} : memref<64x128xf32, #tpu.memory_space<vmem>>, vector<16xf32>,
        %sub3A_162 = arith.subf %get3A_161, %gather3A_157 : vector<16xf32>
        %mul3A_163 = arith.mulf %sub3A_162, %sub3A_162 : vector<16xf32>
        %add3A_164 = arith.addf %add3A_124, %mul3A_163 : vector<16xf32>
        %broadcast_in_dim3A_165 = arith.constant 10 : i32
        %broadcast_in_dim3A_166 = vector.broadcast %broadcast_in_dim3A_165 : i32 to vector<16xi32>
        %gather3A_167 = tpu.vector_load_idx %arg10[%broadcast_in_dim3A_166, %min3A_55] : memref<64x64xf32, #tpu.memory_space<vmem>>[vector<16xi32>, vector<16xi32>], vector<16xf32>,
        %get3A_168 = arith.constant 10 : i32
        %get3A_169 = arith.index_cast %get3A_168 : i32 to index
        %get3A_170 = arith.index_cast %mul3A_29 : i32 to index
        %get3A_171 = tpu.vector_load %arg8[%get3A_169, %get3A_170] {strides = array<i32>} : memref<64x128xf32, #tpu.memory_space<vmem>>, vector<16xf32>,
        %sub3A_172 = arith.subf %get3A_171, %gather3A_167 : vector<16xf32>
        %mul3A_173 = arith.mulf %sub3A_172, %sub3A_172 : vector<16xf32>
        %add3A_174 = arith.addf %add3A_134, %mul3A_173 : vector<16xf32>
        %broadcast_in_dim3A_175 = arith.constant 11 : i32
        %broadcast_in_dim3A_176 = vector.broadcast %broadcast_in_dim3A_175 : i32 to vector<16xi32>
        %gather3A_177 = tpu.vector_load_idx %arg10[%broadcast_in_dim3A_176, %min3A_55] : memref<64x64xf32, #tpu.memory_space<vmem>>[vector<16xi32>, vector<16xi32>], vector<16xf32>,
        %get3A_178 = arith.constant 11 : i32
        %get3A_179 = arith.index_cast %get3A_178 : i32 to index
        %get3A_180 = arith.index_cast %mul3A_29 : i32 to index
        %get3A_181 = tpu.vector_load %arg8[%get3A_179, %get3A_180] {strides = array<i32>} : memref<64x128xf32, #tpu.memory_space<vmem>>, vector<16xf32>,
        %sub3A_182 = arith.subf %get3A_181, %gather3A_177 : vector<16xf32>
        %mul3A_183 = arith.mulf %sub3A_182, %sub3A_182 : vector<16xf32>
        %add3A_184 = arith.addf %add3A_144, %mul3A_183 : vector<16xf32>
        %broadcast_in_dim3A_185 = arith.constant 12 : i32
        %broadcast_in_dim3A_186 = vector.broadcast %broadcast_in_dim3A_185 : i32 to vector<16xi32>
        %gather3A_187 = tpu.vector_load_idx %arg10[%broadcast_in_dim3A_186, %min3A_55] : memref<64x64xf32, #tpu.memory_space<vmem>>[vector<16xi32>, vector<16xi32>], vector<16xf32>,
        %get3A_188 = arith.constant 12 : i32
        %get3A_189 = arith.index_cast %get3A_188 : i32 to index
        %get3A_190 = arith.index_cast %mul3A_29 : i32 to index
        %get3A_191 = tpu.vector_load %arg8[%get3A_189, %get3A_190] {strides = array<i32>} : memref<64x128xf32, #tpu.memory_space<vmem>>, vector<16xf32>,
        %sub3A_192 = arith.subf %get3A_191, %gather3A_187 : vector<16xf32>
        %mul3A_193 = arith.mulf %sub3A_192, %sub3A_192 : vector<16xf32>
        %add3A_194 = arith.addf %add3A_154, %mul3A_193 : vector<16xf32>
        %broadcast_in_dim3A_195 = arith.constant 13 : i32
        %broadcast_in_dim3A_196 = vector.broadcast %broadcast_in_dim3A_195 : i32 to vector<16xi32>
        %gather3A_197 = tpu.vector_load_idx %arg10[%broadcast_in_dim3A_196, %min3A_55] : memref<64x64xf32, #tpu.memory_space<vmem>>[vector<16xi32>, vector<16xi32>], vector<16xf32>,
        %get3A_198 = arith.constant 13 : i32
        %get3A_199 = arith.index_cast %get3A_198 : i32 to index
        %get3A_200 = arith.index_cast %mul3A_29 : i32 to index
        %get3A_201 = tpu.vector_load %arg8[%get3A_199, %get3A_200] {strides = array<i32>} : memref<64x128xf32, #tpu.memory_space<vmem>>, vector<16xf32>,
        %sub3A_202 = arith.subf %get3A_201, %gather3A_197 : vector<16xf32>
        %mul3A_203 = arith.mulf %sub3A_202, %sub3A_202 : vector<16xf32>
        %add3A_204 = arith.addf %add3A_164, %mul3A_203 : vector<16xf32>
        %broadcast_in_dim3A_205 = arith.constant 14 : i32
        %broadcast_in_dim3A_206 = vector.broadcast %broadcast_in_dim3A_205 : i32 to vector<16xi32>
        %gather3A_207 = tpu.vector_load_idx %arg10[%broadcast_in_dim3A_206, %min3A_55] : memref<64x64xf32, #tpu.memory_space<vmem>>[vector<16xi32>, vector<16xi32>], vector<16xf32>,
        %get3A_208 = arith.constant 14 : i32
        %get3A_209 = arith.index_cast %get3A_208 : i32 to index
        %get3A_210 = arith.index_cast %mul3A_29 : i32 to index
        %get3A_211 = tpu.vector_load %arg8[%get3A_209, %get3A_210] {strides = array<i32>} : memref<64x128xf32, #tpu.memory_space<vmem>>, vector<16xf32>,
        %sub3A_212 = arith.subf %get3A_211, %gather3A_207 : vector<16xf32>
        %mul3A_213 = arith.mulf %sub3A_212, %sub3A_212 : vector<16xf32>
        %add3A_214 = arith.addf %add3A_174, %mul3A_213 : vector<16xf32>
        %broadcast_in_dim3A_215 = arith.constant 15 : i32
        %broadcast_in_dim3A_216 = vector.broadcast %broadcast_in_dim3A_215 : i32 to vector<16xi32>
        %gather3A_217 = tpu.vector_load_idx %arg10[%broadcast_in_dim3A_216, %min3A_55] : memref<64x64xf32, #tpu.memory_space<vmem>>[vector<16xi32>, vector<16xi32>], vector<16xf32>,
        %get3A_218 = arith.constant 15 : i32
        %get3A_219 = arith.index_cast %get3A_218 : i32 to index
        %get3A_220 = arith.index_cast %mul3A_29 : i32 to index
        %get3A_221 = tpu.vector_load %arg8[%get3A_219, %get3A_220] {strides = array<i32>} : memref<64x128xf32, #tpu.memory_space<vmem>>, vector<16xf32>,
        %sub3A_222 = arith.subf %get3A_221, %gather3A_217 : vector<16xf32>
        %mul3A_223 = arith.mulf %sub3A_222, %sub3A_222 : vector<16xf32>
        %add3A_224 = arith.addf %add3A_184, %mul3A_223 : vector<16xf32>
        %broadcast_in_dim3A_225 = arith.constant 16 : i32
        %broadcast_in_dim3A_226 = vector.broadcast %broadcast_in_dim3A_225 : i32 to vector<16xi32>
        %gather3A_227 = tpu.vector_load_idx %arg10[%broadcast_in_dim3A_226, %min3A_55] : memref<64x64xf32, #tpu.memory_space<vmem>>[vector<16xi32>, vector<16xi32>], vector<16xf32>,
        %get3A_228 = arith.constant 16 : i32
        %get3A_229 = arith.index_cast %get3A_228 : i32 to index
        %get3A_230 = arith.index_cast %mul3A_29 : i32 to index
        %get3A_231 = tpu.vector_load %arg8[%get3A_229, %get3A_230] {strides = array<i32>} : memref<64x128xf32, #tpu.memory_space<vmem>>, vector<16xf32>,
        %sub3A_232 = arith.subf %get3A_231, %gather3A_227 : vector<16xf32>
        %mul3A_233 = arith.mulf %sub3A_232, %sub3A_232 : vector<16xf32>
        %add3A_234 = arith.addf %add3A_194, %mul3A_233 : vector<16xf32>
        %broadcast_in_dim3A_235 = arith.constant 17 : i32
        %broadcast_in_dim3A_236 = vector.broadcast %broadcast_in_dim3A_235 : i32 to vector<16xi32>
        %gather3A_237 = tpu.vector_load_idx %arg10[%broadcast_in_dim3A_236, %min3A_55] : memref<64x64xf32, #tpu.memory_space<vmem>>[vector<16xi32>, vector<16xi32>], vector<16xf32>,
        %get3A_238 = arith.constant 17 : i32
        %get3A_239 = arith.index_cast %get3A_238 : i32 to index
        %get3A_240 = arith.index_cast %mul3A_29 : i32 to index
        %get3A_241 = tpu.vector_load %arg8[%get3A_239, %get3A_240] {strides = array<i32>} : memref<64x128xf32, #tpu.memory_space<vmem>>, vector<16xf32>,
        %sub3A_242 = arith.subf %get3A_241, %gather3A_237 : vector<16xf32>
        %mul3A_243 = arith.mulf %sub3A_242, %sub3A_242 : vector<16xf32>
        %add3A_244 = arith.addf %add3A_204, %mul3A_243 : vector<16xf32>
        %broadcast_in_dim3A_245 = arith.constant 18 : i32
        %broadcast_in_dim3A_246 = vector.broadcast %broadcast_in_dim3A_245 : i32 to vector<16xi32>
        %gather3A_247 = tpu.vector_load_idx %arg10[%broadcast_in_dim3A_246, %min3A_55] : memref<64x64xf32, #tpu.memory_space<vmem>>[vector<16xi32>, vector<16xi32>], vector<16xf32>,
        %get3A_248 = arith.constant 18 : i32
        %get3A_249 = arith.index_cast %get3A_248 : i32 to index
        %get3A_250 = arith.index_cast %mul3A_29 : i32 to index
        %get3A_251 = tpu.vector_load %arg8[%get3A_249, %get3A_250] {strides = array<i32>} : memref<64x128xf32, #tpu.memory_space<vmem>>, vector<16xf32>,
        %sub3A_252 = arith.subf %get3A_251, %gather3A_247 : vector<16xf32>
        %mul3A_253 = arith.mulf %sub3A_252, %sub3A_252 : vector<16xf32>
        %add3A_254 = arith.addf %add3A_214, %mul3A_253 : vector<16xf32>
        %broadcast_in_dim3A_255 = arith.constant 19 : i32
        %broadcast_in_dim3A_256 = vector.broadcast %broadcast_in_dim3A_255 : i32 to vector<16xi32>
        %gather3A_257 = tpu.vector_load_idx %arg10[%broadcast_in_dim3A_256, %min3A_55] : memref<64x64xf32, #tpu.memory_space<vmem>>[vector<16xi32>, vector<16xi32>], vector<16xf32>,
        %get3A_258 = arith.constant 19 : i32
        %get3A_259 = arith.index_cast %get3A_258 : i32 to index
        %get3A_260 = arith.index_cast %mul3A_29 : i32 to index
        %get3A_261 = tpu.vector_load %arg8[%get3A_259, %get3A_260] {strides = array<i32>} : memref<64x128xf32, #tpu.memory_space<vmem>>, vector<16xf32>,
        %sub3A_262 = arith.subf %get3A_261, %gather3A_257 : vector<16xf32>
        %mul3A_263 = arith.mulf %sub3A_262, %sub3A_262 : vector<16xf32>
        %add3A_264 = arith.addf %add3A_224, %mul3A_263 : vector<16xf32>
        %broadcast_in_dim3A_265 = arith.constant 20 : i32
        %broadcast_in_dim3A_266 = vector.broadcast %broadcast_in_dim3A_265 : i32 to vector<16xi32>
        %gather3A_267 = tpu.vector_load_idx %arg10[%broadcast_in_dim3A_266, %min3A_55] : memref<64x64xf32, #tpu.memory_space<vmem>>[vector<16xi32>, vector<16xi32>], vector<16xf32>,
        %get3A_268 = arith.constant 20 : i32
        %get3A_269 = arith.index_cast %get3A_268 : i32 to index
        %get3A_270 = arith.index_cast %mul3A_29 : i32 to index
        %get3A_271 = tpu.vector_load %arg8[%get3A_269, %get3A_270] {strides = array<i32>} : memref<64x128xf32, #tpu.memory_space<vmem>>, vector<16xf32>,
        %sub3A_272 = arith.subf %get3A_271, %gather3A_267 : vector<16xf32>
        %mul3A_273 = arith.mulf %sub3A_272, %sub3A_272 : vector<16xf32>
        %add3A_274 = arith.addf %add3A_234, %mul3A_273 : vector<16xf32>
        %broadcast_in_dim3A_275 = arith.constant 21 : i32
        %broadcast_in_dim3A_276 = vector.broadcast %broadcast_in_dim3A_275 : i32 to vector<16xi32>
        %gather3A_277 = tpu.vector_load_idx %arg10[%broadcast_in_dim3A_276, %min3A_55] : memref<64x64xf32, #tpu.memory_space<vmem>>[vector<16xi32>, vector<16xi32>], vector<16xf32>,
        %get3A_278 = arith.constant 21 : i32
        %get3A_279 = arith.index_cast %get3A_278 : i32 to index
        %get3A_280 = arith.index_cast %mul3A_29 : i32 to index
        %get3A_281 = tpu.vector_load %arg8[%get3A_279, %get3A_280] {strides = array<i32>} : memref<64x128xf32, #tpu.memory_space<vmem>>, vector<16xf32>,
        %sub3A_282 = arith.subf %get3A_281, %gather3A_277 : vector<16xf32>
        %mul3A_283 = arith.mulf %sub3A_282, %sub3A_282 : vector<16xf32>
        %add3A_284 = arith.addf %add3A_244, %mul3A_283 : vector<16xf32>
        %broadcast_in_dim3A_285 = arith.constant 22 : i32
        %broadcast_in_dim3A_286 = vector.broadcast %broadcast_in_dim3A_285 : i32 to vector<16xi32>
        %gather3A_287 = tpu.vector_load_idx %arg10[%broadcast_in_dim3A_286, %min3A_55] : memref<64x64xf32, #tpu.memory_space<vmem>>[vector<16xi32>, vector<16xi32>], vector<16xf32>,
        %get3A_288 = arith.constant 22 : i32
        %get3A_289 = arith.index_cast %get3A_288 : i32 to index
        %get3A_290 = arith.index_cast %mul3A_29 : i32 to index
        %get3A_291 = tpu.vector_load %arg8[%get3A_289, %get3A_290] {strides = array<i32>} : memref<64x128xf32, #tpu.memory_space<vmem>>, vector<16xf32>,
        %sub3A_292 = arith.subf %get3A_291, %gather3A_287 : vector<16xf32>
        %mul3A_293 = arith.mulf %sub3A_292, %sub3A_292 : vector<16xf32>
        %add3A_294 = arith.addf %add3A_254, %mul3A_293 : vector<16xf32>
        %broadcast_in_dim3A_295 = arith.constant 23 : i32
        %broadcast_in_dim3A_296 = vector.broadcast %broadcast_in_dim3A_295 : i32 to vector<16xi32>
        %gather3A_297 = tpu.vector_load_idx %arg10[%broadcast_in_dim3A_296, %min3A_55] : memref<64x64xf32, #tpu.memory_space<vmem>>[vector<16xi32>, vector<16xi32>], vector<16xf32>,
        %get3A_298 = arith.constant 23 : i32
        %get3A_299 = arith.index_cast %get3A_298 : i32 to index
        %get3A_300 = arith.index_cast %mul3A_29 : i32 to index
        %get3A_301 = tpu.vector_load %arg8[%get3A_299, %get3A_300] {strides = array<i32>} : memref<64x128xf32, #tpu.memory_space<vmem>>, vector<16xf32>,
        %sub3A_302 = arith.subf %get3A_301, %gather3A_297 : vector<16xf32>
        %mul3A_303 = arith.mulf %sub3A_302, %sub3A_302 : vector<16xf32>
        %add3A_304 = arith.addf %add3A_264, %mul3A_303 : vector<16xf32>
        %broadcast_in_dim3A_305 = arith.constant 24 : i32
        %broadcast_in_dim3A_306 = vector.broadcast %broadcast_in_dim3A_305 : i32 to vector<16xi32>
        %gather3A_307 = tpu.vector_load_idx %arg10[%broadcast_in_dim3A_306, %min3A_55] : memref<64x64xf32, #tpu.memory_space<vmem>>[vector<16xi32>, vector<16xi32>], vector<16xf32>,
        %get3A_308 = arith.constant 24 : i32
        %get3A_309 = arith.index_cast %get3A_308 : i32 to index
        %get3A_310 = arith.index_cast %mul3A_29 : i32 to index
        %get3A_311 = tpu.vector_load %arg8[%get3A_309, %get3A_310] {strides = array<i32>} : memref<64x128xf32, #tpu.memory_space<vmem>>, vector<16xf32>,
        %sub3A_312 = arith.subf %get3A_311, %gather3A_307 : vector<16xf32>
        %mul3A_313 = arith.mulf %sub3A_312, %sub3A_312 : vector<16xf32>
        %add3A_314 = arith.addf %add3A_274, %mul3A_313 : vector<16xf32>
        %broadcast_in_dim3A_315 = arith.constant 25 : i32
        %broadcast_in_dim3A_316 = vector.broadcast %broadcast_in_dim3A_315 : i32 to vector<16xi32>
        %gather3A_317 = tpu.vector_load_idx %arg10[%broadcast_in_dim3A_316, %min3A_55] : memref<64x64xf32, #tpu.memory_space<vmem>>[vector<16xi32>, vector<16xi32>], vector<16xf32>,
        %get3A_318 = arith.constant 25 : i32
        %get3A_319 = arith.index_cast %get3A_318 : i32 to index
        %get3A_320 = arith.index_cast %mul3A_29 : i32 to index
        %get3A_321 = tpu.vector_load %arg8[%get3A_319, %get3A_320] {strides = array<i32>} : memref<64x128xf32, #tpu.memory_space<vmem>>, vector<16xf32>,
        %sub3A_322 = arith.subf %get3A_321, %gather3A_317 : vector<16xf32>
        %mul3A_323 = arith.mulf %sub3A_322, %sub3A_322 : vector<16xf32>
        %add3A_324 = arith.addf %add3A_284, %mul3A_323 : vector<16xf32>
        %broadcast_in_dim3A_325 = arith.constant 26 : i32
        %broadcast_in_dim3A_326 = vector.broadcast %broadcast_in_dim3A_325 : i32 to vector<16xi32>
        %gather3A_327 = tpu.vector_load_idx %arg10[%broadcast_in_dim3A_326, %min3A_55] : memref<64x64xf32, #tpu.memory_space<vmem>>[vector<16xi32>, vector<16xi32>], vector<16xf32>,
        %get3A_328 = arith.constant 26 : i32
        %get3A_329 = arith.index_cast %get3A_328 : i32 to index
        %get3A_330 = arith.index_cast %mul3A_29 : i32 to index
        %get3A_331 = tpu.vector_load %arg8[%get3A_329, %get3A_330] {strides = array<i32>} : memref<64x128xf32, #tpu.memory_space<vmem>>, vector<16xf32>,
        %sub3A_332 = arith.subf %get3A_331, %gather3A_327 : vector<16xf32>
        %mul3A_333 = arith.mulf %sub3A_332, %sub3A_332 : vector<16xf32>
        %add3A_334 = arith.addf %add3A_294, %mul3A_333 : vector<16xf32>
        %broadcast_in_dim3A_335 = arith.constant 27 : i32
        %broadcast_in_dim3A_336 = vector.broadcast %broadcast_in_dim3A_335 : i32 to vector<16xi32>
        %gather3A_337 = tpu.vector_load_idx %arg10[%broadcast_in_dim3A_336, %min3A_55] : memref<64x64xf32, #tpu.memory_space<vmem>>[vector<16xi32>, vector<16xi32>], vector<16xf32>,
        %get3A_338 = arith.constant 27 : i32
        %get3A_339 = arith.index_cast %get3A_338 : i32 to index
        %get3A_340 = arith.index_cast %mul3A_29 : i32 to index
        %get3A_341 = tpu.vector_load %arg8[%get3A_339, %get3A_340] {strides = array<i32>} : memref<64x128xf32, #tpu.memory_space<vmem>>, vector<16xf32>,
        %sub3A_342 = arith.subf %get3A_341, %gather3A_337 : vector<16xf32>
        %mul3A_343 = arith.mulf %sub3A_342, %sub3A_342 : vector<16xf32>
        %add3A_344 = arith.addf %add3A_304, %mul3A_343 : vector<16xf32>
        %broadcast_in_dim3A_345 = arith.constant 28 : i32
        %broadcast_in_dim3A_346 = vector.broadcast %broadcast_in_dim3A_345 : i32 to vector<16xi32>
        %gather3A_347 = tpu.vector_load_idx %arg10[%broadcast_in_dim3A_346, %min3A_55] : memref<64x64xf32, #tpu.memory_space<vmem>>[vector<16xi32>, vector<16xi32>], vector<16xf32>,
        %get3A_348 = arith.constant 28 : i32
        %get3A_349 = arith.index_cast %get3A_348 : i32 to index
        %get3A_350 = arith.index_cast %mul3A_29 : i32 to index
        %get3A_351 = tpu.vector_load %arg8[%get3A_349, %get3A_350] {strides = array<i32>} : memref<64x128xf32, #tpu.memory_space<vmem>>, vector<16xf32>,
        %sub3A_352 = arith.subf %get3A_351, %gather3A_347 : vector<16xf32>
        %mul3A_353 = arith.mulf %sub3A_352, %sub3A_352 : vector<16xf32>
        %add3A_354 = arith.addf %add3A_314, %mul3A_353 : vector<16xf32>
        %broadcast_in_dim3A_355 = arith.constant 29 : i32
        %broadcast_in_dim3A_356 = vector.broadcast %broadcast_in_dim3A_355 : i32 to vector<16xi32>
        %gather3A_357 = tpu.vector_load_idx %arg10[%broadcast_in_dim3A_356, %min3A_55] : memref<64x64xf32, #tpu.memory_space<vmem>>[vector<16xi32>, vector<16xi32>], vector<16xf32>,
        %get3A_358 = arith.constant 29 : i32
        %get3A_359 = arith.index_cast %get3A_358 : i32 to index
        %get3A_360 = arith.index_cast %mul3A_29 : i32 to index
        %get3A_361 = tpu.vector_load %arg8[%get3A_359, %get3A_360] {strides = array<i32>} : memref<64x128xf32, #tpu.memory_space<vmem>>, vector<16xf32>,
        %sub3A_362 = arith.subf %get3A_361, %gather3A_357 : vector<16xf32>
        %mul3A_363 = arith.mulf %sub3A_362, %sub3A_362 : vector<16xf32>
        %add3A_364 = arith.addf %add3A_324, %mul3A_363 : vector<16xf32>
        %broadcast_in_dim3A_365 = arith.constant 30 : i32
        %broadcast_in_dim3A_366 = vector.broadcast %broadcast_in_dim3A_365 : i32 to vector<16xi32>
        %gather3A_367 = tpu.vector_load_idx %arg10[%broadcast_in_dim3A_366, %min3A_55] : memref<64x64xf32, #tpu.memory_space<vmem>>[vector<16xi32>, vector<16xi32>], vector<16xf32>,
        %get3A_368 = arith.constant 30 : i32
        %get3A_369 = arith.index_cast %get3A_368 : i32 to index
        %get3A_370 = arith.index_cast %mul3A_29 : i32 to index
        %get3A_371 = tpu.vector_load %arg8[%get3A_369, %get3A_370] {strides = array<i32>} : memref<64x128xf32, #tpu.memory_space<vmem>>, vector<16xf32>,
        %sub3A_372 = arith.subf %get3A_371, %gather3A_367 : vector<16xf32>
        %mul3A_373 = arith.mulf %sub3A_372, %sub3A_372 : vector<16xf32>
        %add3A_374 = arith.addf %add3A_334, %mul3A_373 : vector<16xf32>
        %broadcast_in_dim3A_375 = arith.constant 31 : i32
        %broadcast_in_dim3A_376 = vector.broadcast %broadcast_in_dim3A_375 : i32 to vector<16xi32>
        %gather3A_377 = tpu.vector_load_idx %arg10[%broadcast_in_dim3A_376, %min3A_55] : memref<64x64xf32, #tpu.memory_space<vmem>>[vector<16xi32>, vector<16xi32>], vector<16xf32>,
        %get3A_378 = arith.constant 31 : i32
        %get3A_379 = arith.index_cast %get3A_378 : i32 to index
        %get3A_380 = arith.index_cast %mul3A_29 : i32 to index
        %get3A_381 = tpu.vector_load %arg8[%get3A_379, %get3A_380] {strides = array<i32>} : memref<64x128xf32, #tpu.memory_space<vmem>>, vector<16xf32>,
        %sub3A_382 = arith.subf %get3A_381, %gather3A_377 : vector<16xf32>
        %mul3A_383 = arith.mulf %sub3A_382, %sub3A_382 : vector<16xf32>
        %add3A_384 = arith.addf %add3A_344, %mul3A_383 : vector<16xf32>
        %broadcast_in_dim3A_385 = arith.constant 32 : i32
        %broadcast_in_dim3A_386 = vector.broadcast %broadcast_in_dim3A_385 : i32 to vector<16xi32>
        %gather3A_387 = tpu.vector_load_idx %arg10[%broadcast_in_dim3A_386, %min3A_55] : memref<64x64xf32, #tpu.memory_space<vmem>>[vector<16xi32>, vector<16xi32>], vector<16xf32>,
        %get3A_388 = arith.constant 32 : i32
        %get3A_389 = arith.index_cast %get3A_388 : i32 to index
        %get3A_390 = arith.index_cast %mul3A_29 : i32 to index
        %get3A_391 = tpu.vector_load %arg8[%get3A_389, %get3A_390] {strides = array<i32>} : memref<64x128xf32, #tpu.memory_space<vmem>>, vector<16xf32>,
        %sub3A_392 = arith.subf %get3A_391, %gather3A_387 : vector<16xf32>
        %mul3A_393 = arith.mulf %sub3A_392, %sub3A_392 : vector<16xf32>
        %add3A_394 = arith.addf %add3A_354, %mul3A_393 : vector<16xf32>
        %broadcast_in_dim3A_395 = arith.constant 33 : i32
        %broadcast_in_dim3A_396 = vector.broadcast %broadcast_in_dim3A_395 : i32 to vector<16xi32>
        %gather3A_397 = tpu.vector_load_idx %arg10[%broadcast_in_dim3A_396, %min3A_55] : memref<64x64xf32, #tpu.memory_space<vmem>>[vector<16xi32>, vector<16xi32>], vector<16xf32>,
        %get3A_398 = arith.constant 33 : i32
        %get3A_399 = arith.index_cast %get3A_398 : i32 to index
        %get3A_400 = arith.index_cast %mul3A_29 : i32 to index
        %get3A_401 = tpu.vector_load %arg8[%get3A_399, %get3A_400] {strides = array<i32>} : memref<64x128xf32, #tpu.memory_space<vmem>>, vector<16xf32>,
        %sub3A_402 = arith.subf %get3A_401, %gather3A_397 : vector<16xf32>
        %mul3A_403 = arith.mulf %sub3A_402, %sub3A_402 : vector<16xf32>
        %add3A_404 = arith.addf %add3A_364, %mul3A_403 : vector<16xf32>
        %broadcast_in_dim3A_405 = arith.constant 34 : i32
        %broadcast_in_dim3A_406 = vector.broadcast %broadcast_in_dim3A_405 : i32 to vector<16xi32>
        %gather3A_407 = tpu.vector_load_idx %arg10[%broadcast_in_dim3A_406, %min3A_55] : memref<64x64xf32, #tpu.memory_space<vmem>>[vector<16xi32>, vector<16xi32>], vector<16xf32>,
        %get3A_408 = arith.constant 34 : i32
        %get3A_409 = arith.index_cast %get3A_408 : i32 to index
        %get3A_410 = arith.index_cast %mul3A_29 : i32 to index
        %get3A_411 = tpu.vector_load %arg8[%get3A_409, %get3A_410] {strides = array<i32>} : memref<64x128xf32, #tpu.memory_space<vmem>>, vector<16xf32>,
        %sub3A_412 = arith.subf %get3A_411, %gather3A_407 : vector<16xf32>
        %mul3A_413 = arith.mulf %sub3A_412, %sub3A_412 : vector<16xf32>
        %add3A_414 = arith.addf %add3A_374, %mul3A_413 : vector<16xf32>
        %broadcast_in_dim3A_415 = arith.constant 35 : i32
        %broadcast_in_dim3A_416 = vector.broadcast %broadcast_in_dim3A_415 : i32 to vector<16xi32>
        %gather3A_417 = tpu.vector_load_idx %arg10[%broadcast_in_dim3A_416, %min3A_55] : memref<64x64xf32, #tpu.memory_space<vmem>>[vector<16xi32>, vector<16xi32>], vector<16xf32>,
        %get3A_418 = arith.constant 35 : i32
        %get3A_419 = arith.index_cast %get3A_418 : i32 to index
        %get3A_420 = arith.index_cast %mul3A_29 : i32 to index
        %get3A_421 = tpu.vector_load %arg8[%get3A_419, %get3A_420] {strides = array<i32>} : memref<64x128xf32, #tpu.memory_space<vmem>>, vector<16xf32>,
        %sub3A_422 = arith.subf %get3A_421, %gather3A_417 : vector<16xf32>
        %mul3A_423 = arith.mulf %sub3A_422, %sub3A_422 : vector<16xf32>
        %add3A_424 = arith.addf %add3A_384, %mul3A_423 : vector<16xf32>
        %broadcast_in_dim3A_425 = arith.constant 36 : i32
        %broadcast_in_dim3A_426 = vector.broadcast %broadcast_in_dim3A_425 : i32 to vector<16xi32>
        %gather3A_427 = tpu.vector_load_idx %arg10[%broadcast_in_dim3A_426, %min3A_55] : memref<64x64xf32, #tpu.memory_space<vmem>>[vector<16xi32>, vector<16xi32>], vector<16xf32>,
        %get3A_428 = arith.constant 36 : i32
        %get3A_429 = arith.index_cast %get3A_428 : i32 to index
        %get3A_430 = arith.index_cast %mul3A_29 : i32 to index
        %get3A_431 = tpu.vector_load %arg8[%get3A_429, %get3A_430] {strides = array<i32>} : memref<64x128xf32, #tpu.memory_space<vmem>>, vector<16xf32>,
        %sub3A_432 = arith.subf %get3A_431, %gather3A_427 : vector<16xf32>
        %mul3A_433 = arith.mulf %sub3A_432, %sub3A_432 : vector<16xf32>
        %add3A_434 = arith.addf %add3A_394, %mul3A_433 : vector<16xf32>
        %broadcast_in_dim3A_435 = arith.constant 37 : i32
        %broadcast_in_dim3A_436 = vector.broadcast %broadcast_in_dim3A_435 : i32 to vector<16xi32>
        %gather3A_437 = tpu.vector_load_idx %arg10[%broadcast_in_dim3A_436, %min3A_55] : memref<64x64xf32, #tpu.memory_space<vmem>>[vector<16xi32>, vector<16xi32>], vector<16xf32>,
        %get3A_438 = arith.constant 37 : i32
        %get3A_439 = arith.index_cast %get3A_438 : i32 to index
        %get3A_440 = arith.index_cast %mul3A_29 : i32 to index
        %get3A_441 = tpu.vector_load %arg8[%get3A_439, %get3A_440] {strides = array<i32>} : memref<64x128xf32, #tpu.memory_space<vmem>>, vector<16xf32>,
        %sub3A_442 = arith.subf %get3A_441, %gather3A_437 : vector<16xf32>
        %mul3A_443 = arith.mulf %sub3A_442, %sub3A_442 : vector<16xf32>
        %add3A_444 = arith.addf %add3A_404, %mul3A_443 : vector<16xf32>
        %broadcast_in_dim3A_445 = arith.constant 38 : i32
        %broadcast_in_dim3A_446 = vector.broadcast %broadcast_in_dim3A_445 : i32 to vector<16xi32>
        %gather3A_447 = tpu.vector_load_idx %arg10[%broadcast_in_dim3A_446, %min3A_55] : memref<64x64xf32, #tpu.memory_space<vmem>>[vector<16xi32>, vector<16xi32>], vector<16xf32>,
        %get3A_448 = arith.constant 38 : i32
        %get3A_449 = arith.index_cast %get3A_448 : i32 to index
        %get3A_450 = arith.index_cast %mul3A_29 : i32 to index
        %get3A_451 = tpu.vector_load %arg8[%get3A_449, %get3A_450] {strides = array<i32>} : memref<64x128xf32, #tpu.memory_space<vmem>>, vector<16xf32>,
        %sub3A_452 = arith.subf %get3A_451, %gather3A_447 : vector<16xf32>
        %mul3A_453 = arith.mulf %sub3A_452, %sub3A_452 : vector<16xf32>
        %add3A_454 = arith.addf %add3A_414, %mul3A_453 : vector<16xf32>
        %broadcast_in_dim3A_455 = arith.constant 39 : i32
        %broadcast_in_dim3A_456 = vector.broadcast %broadcast_in_dim3A_455 : i32 to vector<16xi32>
        %gather3A_457 = tpu.vector_load_idx %arg10[%broadcast_in_dim3A_456, %min3A_55] : memref<64x64xf32, #tpu.memory_space<vmem>>[vector<16xi32>, vector<16xi32>], vector<16xf32>,
        %get3A_458 = arith.constant 39 : i32
        %get3A_459 = arith.index_cast %get3A_458 : i32 to index
        %get3A_460 = arith.index_cast %mul3A_29 : i32 to index
        %get3A_461 = tpu.vector_load %arg8[%get3A_459, %get3A_460] {strides = array<i32>} : memref<64x128xf32, #tpu.memory_space<vmem>>, vector<16xf32>,
        %sub3A_462 = arith.subf %get3A_461, %gather3A_457 : vector<16xf32>
        %mul3A_463 = arith.mulf %sub3A_462, %sub3A_462 : vector<16xf32>
        %add3A_464 = arith.addf %add3A_424, %mul3A_463 : vector<16xf32>
        %broadcast_in_dim3A_465 = arith.constant 40 : i32
        %broadcast_in_dim3A_466 = vector.broadcast %broadcast_in_dim3A_465 : i32 to vector<16xi32>
        %gather3A_467 = tpu.vector_load_idx %arg10[%broadcast_in_dim3A_466, %min3A_55] : memref<64x64xf32, #tpu.memory_space<vmem>>[vector<16xi32>, vector<16xi32>], vector<16xf32>,
        %get3A_468 = arith.constant 40 : i32
        %get3A_469 = arith.index_cast %get3A_468 : i32 to index
        %get3A_470 = arith.index_cast %mul3A_29 : i32 to index
        %get3A_471 = tpu.vector_load %arg8[%get3A_469, %get3A_470] {strides = array<i32>} : memref<64x128xf32, #tpu.memory_space<vmem>>, vector<16xf32>,
        %sub3A_472 = arith.subf %get3A_471, %gather3A_467 : vector<16xf32>
        %mul3A_473 = arith.mulf %sub3A_472, %sub3A_472 : vector<16xf32>
        %add3A_474 = arith.addf %add3A_434, %mul3A_473 : vector<16xf32>
        %broadcast_in_dim3A_475 = arith.constant 41 : i32
        %broadcast_in_dim3A_476 = vector.broadcast %broadcast_in_dim3A_475 : i32 to vector<16xi32>
        %gather3A_477 = tpu.vector_load_idx %arg10[%broadcast_in_dim3A_476, %min3A_55] : memref<64x64xf32, #tpu.memory_space<vmem>>[vector<16xi32>, vector<16xi32>], vector<16xf32>,
        %get3A_478 = arith.constant 41 : i32
        %get3A_479 = arith.index_cast %get3A_478 : i32 to index
        %get3A_480 = arith.index_cast %mul3A_29 : i32 to index
        %get3A_481 = tpu.vector_load %arg8[%get3A_479, %get3A_480] {strides = array<i32>} : memref<64x128xf32, #tpu.memory_space<vmem>>, vector<16xf32>,
        %sub3A_482 = arith.subf %get3A_481, %gather3A_477 : vector<16xf32>
        %mul3A_483 = arith.mulf %sub3A_482, %sub3A_482 : vector<16xf32>
        %add3A_484 = arith.addf %add3A_444, %mul3A_483 : vector<16xf32>
        %broadcast_in_dim3A_485 = arith.constant 42 : i32
        %broadcast_in_dim3A_486 = vector.broadcast %broadcast_in_dim3A_485 : i32 to vector<16xi32>
        %gather3A_487 = tpu.vector_load_idx %arg10[%broadcast_in_dim3A_486, %min3A_55] : memref<64x64xf32, #tpu.memory_space<vmem>>[vector<16xi32>, vector<16xi32>], vector<16xf32>,
        %get3A_488 = arith.constant 42 : i32
        %get3A_489 = arith.index_cast %get3A_488 : i32 to index
        %get3A_490 = arith.index_cast %mul3A_29 : i32 to index
        %get3A_491 = tpu.vector_load %arg8[%get3A_489, %get3A_490] {strides = array<i32>} : memref<64x128xf32, #tpu.memory_space<vmem>>, vector<16xf32>,
        %sub3A_492 = arith.subf %get3A_491, %gather3A_487 : vector<16xf32>
        %mul3A_493 = arith.mulf %sub3A_492, %sub3A_492 : vector<16xf32>
        %add3A_494 = arith.addf %add3A_454, %mul3A_493 : vector<16xf32>
        %broadcast_in_dim3A_495 = arith.constant 43 : i32
        %broadcast_in_dim3A_496 = vector.broadcast %broadcast_in_dim3A_495 : i32 to vector<16xi32>
        %gather3A_497 = tpu.vector_load_idx %arg10[%broadcast_in_dim3A_496, %min3A_55] : memref<64x64xf32, #tpu.memory_space<vmem>>[vector<16xi32>, vector<16xi32>], vector<16xf32>,
        %get3A_498 = arith.constant 43 : i32
        %get3A_499 = arith.index_cast %get3A_498 : i32 to index
        %get3A_500 = arith.index_cast %mul3A_29 : i32 to index
        %get3A_501 = tpu.vector_load %arg8[%get3A_499, %get3A_500] {strides = array<i32>} : memref<64x128xf32, #tpu.memory_space<vmem>>, vector<16xf32>,
        %sub3A_502 = arith.subf %get3A_501, %gather3A_497 : vector<16xf32>
        %mul3A_503 = arith.mulf %sub3A_502, %sub3A_502 : vector<16xf32>
        %add3A_504 = arith.addf %add3A_464, %mul3A_503 : vector<16xf32>
        %broadcast_in_dim3A_505 = arith.constant 44 : i32
        %broadcast_in_dim3A_506 = vector.broadcast %broadcast_in_dim3A_505 : i32 to vector<16xi32>
        %gather3A_507 = tpu.vector_load_idx %arg10[%broadcast_in_dim3A_506, %min3A_55] : memref<64x64xf32, #tpu.memory_space<vmem>>[vector<16xi32>, vector<16xi32>], vector<16xf32>,
        %get3A_508 = arith.constant 44 : i32
        %get3A_509 = arith.index_cast %get3A_508 : i32 to index
        %get3A_510 = arith.index_cast %mul3A_29 : i32 to index
        %get3A_511 = tpu.vector_load %arg8[%get3A_509, %get3A_510] {strides = array<i32>} : memref<64x128xf32, #tpu.memory_space<vmem>>, vector<16xf32>,
        %sub3A_512 = arith.subf %get3A_511, %gather3A_507 : vector<16xf32>
        %mul3A_513 = arith.mulf %sub3A_512, %sub3A_512 : vector<16xf32>
        %add3A_514 = arith.addf %add3A_474, %mul3A_513 : vector<16xf32>
        %broadcast_in_dim3A_515 = arith.constant 45 : i32
        %broadcast_in_dim3A_516 = vector.broadcast %broadcast_in_dim3A_515 : i32 to vector<16xi32>
        %gather3A_517 = tpu.vector_load_idx %arg10[%broadcast_in_dim3A_516, %min3A_55] : memref<64x64xf32, #tpu.memory_space<vmem>>[vector<16xi32>, vector<16xi32>], vector<16xf32>,
        %get3A_518 = arith.constant 45 : i32
        %get3A_519 = arith.index_cast %get3A_518 : i32 to index
        %get3A_520 = arith.index_cast %mul3A_29 : i32 to index
        %get3A_521 = tpu.vector_load %arg8[%get3A_519, %get3A_520] {strides = array<i32>} : memref<64x128xf32, #tpu.memory_space<vmem>>, vector<16xf32>,
        %sub3A_522 = arith.subf %get3A_521, %gather3A_517 : vector<16xf32>
        %mul3A_523 = arith.mulf %sub3A_522, %sub3A_522 : vector<16xf32>
        %add3A_524 = arith.addf %add3A_484, %mul3A_523 : vector<16xf32>
        %broadcast_in_dim3A_525 = arith.constant 46 : i32
        %broadcast_in_dim3A_526 = vector.broadcast %broadcast_in_dim3A_525 : i32 to vector<16xi32>
        %gather3A_527 = tpu.vector_load_idx %arg10[%broadcast_in_dim3A_526, %min3A_55] : memref<64x64xf32, #tpu.memory_space<vmem>>[vector<16xi32>, vector<16xi32>], vector<16xf32>,
        %get3A_528 = arith.constant 46 : i32
        %get3A_529 = arith.index_cast %get3A_528 : i32 to index
        %get3A_530 = arith.index_cast %mul3A_29 : i32 to index
        %get3A_531 = tpu.vector_load %arg8[%get3A_529, %get3A_530] {strides = array<i32>} : memref<64x128xf32, #tpu.memory_space<vmem>>, vector<16xf32>,
        %sub3A_532 = arith.subf %get3A_531, %gather3A_527 : vector<16xf32>
        %mul3A_533 = arith.mulf %sub3A_532, %sub3A_532 : vector<16xf32>
        %add3A_534 = arith.addf %add3A_494, %mul3A_533 : vector<16xf32>
        %broadcast_in_dim3A_535 = arith.constant 47 : i32
        %broadcast_in_dim3A_536 = vector.broadcast %broadcast_in_dim3A_535 : i32 to vector<16xi32>
        %gather3A_537 = tpu.vector_load_idx %arg10[%broadcast_in_dim3A_536, %min3A_55] : memref<64x64xf32, #tpu.memory_space<vmem>>[vector<16xi32>, vector<16xi32>], vector<16xf32>,
        %get3A_538 = arith.constant 47 : i32
        %get3A_539 = arith.index_cast %get3A_538 : i32 to index
        %get3A_540 = arith.index_cast %mul3A_29 : i32 to index
        %get3A_541 = tpu.vector_load %arg8[%get3A_539, %get3A_540] {strides = array<i32>} : memref<64x128xf32, #tpu.memory_space<vmem>>, vector<16xf32>,
        %sub3A_542 = arith.subf %get3A_541, %gather3A_537 : vector<16xf32>
        %mul3A_543 = arith.mulf %sub3A_542, %sub3A_542 : vector<16xf32>
        %add3A_544 = arith.addf %add3A_504, %mul3A_543 : vector<16xf32>
        %broadcast_in_dim3A_545 = arith.constant 48 : i32
        %broadcast_in_dim3A_546 = vector.broadcast %broadcast_in_dim3A_545 : i32 to vector<16xi32>
        %gather3A_547 = tpu.vector_load_idx %arg10[%broadcast_in_dim3A_546, %min3A_55] : memref<64x64xf32, #tpu.memory_space<vmem>>[vector<16xi32>, vector<16xi32>], vector<16xf32>,
        %get3A_548 = arith.constant 48 : i32
        %get3A_549 = arith.index_cast %get3A_548 : i32 to index
        %get3A_550 = arith.index_cast %mul3A_29 : i32 to index
        %get3A_551 = tpu.vector_load %arg8[%get3A_549, %get3A_550] {strides = array<i32>} : memref<64x128xf32, #tpu.memory_space<vmem>>, vector<16xf32>,
        %sub3A_552 = arith.subf %get3A_551, %gather3A_547 : vector<16xf32>
        %mul3A_553 = arith.mulf %sub3A_552, %sub3A_552 : vector<16xf32>
        %add3A_554 = arith.addf %add3A_514, %mul3A_553 : vector<16xf32>
        %broadcast_in_dim3A_555 = arith.constant 49 : i32
        %broadcast_in_dim3A_556 = vector.broadcast %broadcast_in_dim3A_555 : i32 to vector<16xi32>
        %gather3A_557 = tpu.vector_load_idx %arg10[%broadcast_in_dim3A_556, %min3A_55] : memref<64x64xf32, #tpu.memory_space<vmem>>[vector<16xi32>, vector<16xi32>], vector<16xf32>,
        %get3A_558 = arith.constant 49 : i32
        %get3A_559 = arith.index_cast %get3A_558 : i32 to index
        %get3A_560 = arith.index_cast %mul3A_29 : i32 to index
        %get3A_561 = tpu.vector_load %arg8[%get3A_559, %get3A_560] {strides = array<i32>} : memref<64x128xf32, #tpu.memory_space<vmem>>, vector<16xf32>,
        %sub3A_562 = arith.subf %get3A_561, %gather3A_557 : vector<16xf32>
        %mul3A_563 = arith.mulf %sub3A_562, %sub3A_562 : vector<16xf32>
        %add3A_564 = arith.addf %add3A_524, %mul3A_563 : vector<16xf32>
        %broadcast_in_dim3A_565 = arith.constant 50 : i32
        %broadcast_in_dim3A_566 = vector.broadcast %broadcast_in_dim3A_565 : i32 to vector<16xi32>
        %gather3A_567 = tpu.vector_load_idx %arg10[%broadcast_in_dim3A_566, %min3A_55] : memref<64x64xf32, #tpu.memory_space<vmem>>[vector<16xi32>, vector<16xi32>], vector<16xf32>,
        %get3A_568 = arith.constant 50 : i32
        %get3A_569 = arith.index_cast %get3A_568 : i32 to index
        %get3A_570 = arith.index_cast %mul3A_29 : i32 to index
        %get3A_571 = tpu.vector_load %arg8[%get3A_569, %get3A_570] {strides = array<i32>} : memref<64x128xf32, #tpu.memory_space<vmem>>, vector<16xf32>,
        %sub3A_572 = arith.subf %get3A_571, %gather3A_567 : vector<16xf32>
        %mul3A_573 = arith.mulf %sub3A_572, %sub3A_572 : vector<16xf32>
        %add3A_574 = arith.addf %add3A_534, %mul3A_573 : vector<16xf32>
        %broadcast_in_dim3A_575 = arith.constant 51 : i32
        %broadcast_in_dim3A_576 = vector.broadcast %broadcast_in_dim3A_575 : i32 to vector<16xi32>
        %gather3A_577 = tpu.vector_load_idx %arg10[%broadcast_in_dim3A_576, %min3A_55] : memref<64x64xf32, #tpu.memory_space<vmem>>[vector<16xi32>, vector<16xi32>], vector<16xf32>,
        %get3A_578 = arith.constant 51 : i32
        %get3A_579 = arith.index_cast %get3A_578 : i32 to index
        %get3A_580 = arith.index_cast %mul3A_29 : i32 to index
        %get3A_581 = tpu.vector_load %arg8[%get3A_579, %get3A_580] {strides = array<i32>} : memref<64x128xf32, #tpu.memory_space<vmem>>, vector<16xf32>,
        %sub3A_582 = arith.subf %get3A_581, %gather3A_577 : vector<16xf32>
        %mul3A_583 = arith.mulf %sub3A_582, %sub3A_582 : vector<16xf32>
        %add3A_584 = arith.addf %add3A_544, %mul3A_583 : vector<16xf32>
        %broadcast_in_dim3A_585 = arith.constant 52 : i32
        %broadcast_in_dim3A_586 = vector.broadcast %broadcast_in_dim3A_585 : i32 to vector<16xi32>
        %gather3A_587 = tpu.vector_load_idx %arg10[%broadcast_in_dim3A_586, %min3A_55] : memref<64x64xf32, #tpu.memory_space<vmem>>[vector<16xi32>, vector<16xi32>], vector<16xf32>,
        %get3A_588 = arith.constant 52 : i32
        %get3A_589 = arith.index_cast %get3A_588 : i32 to index
        %get3A_590 = arith.index_cast %mul3A_29 : i32 to index
        %get3A_591 = tpu.vector_load %arg8[%get3A_589, %get3A_590] {strides = array<i32>} : memref<64x128xf32, #tpu.memory_space<vmem>>, vector<16xf32>,
        %sub3A_592 = arith.subf %get3A_591, %gather3A_587 : vector<16xf32>
        %mul3A_593 = arith.mulf %sub3A_592, %sub3A_592 : vector<16xf32>
        %add3A_594 = arith.addf %add3A_554, %mul3A_593 : vector<16xf32>
        %broadcast_in_dim3A_595 = arith.constant 53 : i32
        %broadcast_in_dim3A_596 = vector.broadcast %broadcast_in_dim3A_595 : i32 to vector<16xi32>
        %gather3A_597 = tpu.vector_load_idx %arg10[%broadcast_in_dim3A_596, %min3A_55] : memref<64x64xf32, #tpu.memory_space<vmem>>[vector<16xi32>, vector<16xi32>], vector<16xf32>,
        %get3A_598 = arith.constant 53 : i32
        %get3A_599 = arith.index_cast %get3A_598 : i32 to index
        %get3A_600 = arith.index_cast %mul3A_29 : i32 to index
        %get3A_601 = tpu.vector_load %arg8[%get3A_599, %get3A_600] {strides = array<i32>} : memref<64x128xf32, #tpu.memory_space<vmem>>, vector<16xf32>,
        %sub3A_602 = arith.subf %get3A_601, %gather3A_597 : vector<16xf32>
        %mul3A_603 = arith.mulf %sub3A_602, %sub3A_602 : vector<16xf32>
        %add3A_604 = arith.addf %add3A_564, %mul3A_603 : vector<16xf32>
        %broadcast_in_dim3A_605 = arith.constant 54 : i32
        %broadcast_in_dim3A_606 = vector.broadcast %broadcast_in_dim3A_605 : i32 to vector<16xi32>
        %gather3A_607 = tpu.vector_load_idx %arg10[%broadcast_in_dim3A_606, %min3A_55] : memref<64x64xf32, #tpu.memory_space<vmem>>[vector<16xi32>, vector<16xi32>], vector<16xf32>,
        %get3A_608 = arith.constant 54 : i32
        %get3A_609 = arith.index_cast %get3A_608 : i32 to index
        %get3A_610 = arith.index_cast %mul3A_29 : i32 to index
        %get3A_611 = tpu.vector_load %arg8[%get3A_609, %get3A_610] {strides = array<i32>} : memref<64x128xf32, #tpu.memory_space<vmem>>, vector<16xf32>,
        %sub3A_612 = arith.subf %get3A_611, %gather3A_607 : vector<16xf32>
        %mul3A_613 = arith.mulf %sub3A_612, %sub3A_612 : vector<16xf32>
        %add3A_614 = arith.addf %add3A_574, %mul3A_613 : vector<16xf32>
        %broadcast_in_dim3A_615 = arith.constant 55 : i32
        %broadcast_in_dim3A_616 = vector.broadcast %broadcast_in_dim3A_615 : i32 to vector<16xi32>
        %gather3A_617 = tpu.vector_load_idx %arg10[%broadcast_in_dim3A_616, %min3A_55] : memref<64x64xf32, #tpu.memory_space<vmem>>[vector<16xi32>, vector<16xi32>], vector<16xf32>,
        %get3A_618 = arith.constant 55 : i32
        %get3A_619 = arith.index_cast %get3A_618 : i32 to index
        %get3A_620 = arith.index_cast %mul3A_29 : i32 to index
        %get3A_621 = tpu.vector_load %arg8[%get3A_619, %get3A_620] {strides = array<i32>} : memref<64x128xf32, #tpu.memory_space<vmem>>, vector<16xf32>,
        %sub3A_622 = arith.subf %get3A_621, %gather3A_617 : vector<16xf32>
        %mul3A_623 = arith.mulf %sub3A_622, %sub3A_622 : vector<16xf32>
        %add3A_624 = arith.addf %add3A_584, %mul3A_623 : vector<16xf32>
        %broadcast_in_dim3A_625 = arith.constant 56 : i32
        %broadcast_in_dim3A_626 = vector.broadcast %broadcast_in_dim3A_625 : i32 to vector<16xi32>
        %gather3A_627 = tpu.vector_load_idx %arg10[%broadcast_in_dim3A_626, %min3A_55] : memref<64x64xf32, #tpu.memory_space<vmem>>[vector<16xi32>, vector<16xi32>], vector<16xf32>,
        %get3A_628 = arith.constant 56 : i32
        %get3A_629 = arith.index_cast %get3A_628 : i32 to index
        %get3A_630 = arith.index_cast %mul3A_29 : i32 to index
        %get3A_631 = tpu.vector_load %arg8[%get3A_629, %get3A_630] {strides = array<i32>} : memref<64x128xf32, #tpu.memory_space<vmem>>, vector<16xf32>,
        %sub3A_632 = arith.subf %get3A_631, %gather3A_627 : vector<16xf32>
        %mul3A_633 = arith.mulf %sub3A_632, %sub3A_632 : vector<16xf32>
        %add3A_634 = arith.addf %add3A_594, %mul3A_633 : vector<16xf32>
        %broadcast_in_dim3A_635 = arith.constant 57 : i32
        %broadcast_in_dim3A_636 = vector.broadcast %broadcast_in_dim3A_635 : i32 to vector<16xi32>
        %gather3A_637 = tpu.vector_load_idx %arg10[%broadcast_in_dim3A_636, %min3A_55] : memref<64x64xf32, #tpu.memory_space<vmem>>[vector<16xi32>, vector<16xi32>], vector<16xf32>,
        %get3A_638 = arith.constant 57 : i32
        %get3A_639 = arith.index_cast %get3A_638 : i32 to index
        %get3A_640 = arith.index_cast %mul3A_29 : i32 to index
        %get3A_641 = tpu.vector_load %arg8[%get3A_639, %get3A_640] {strides = array<i32>} : memref<64x128xf32, #tpu.memory_space<vmem>>, vector<16xf32>,
        %sub3A_642 = arith.subf %get3A_641, %gather3A_637 : vector<16xf32>
        %mul3A_643 = arith.mulf %sub3A_642, %sub3A_642 : vector<16xf32>
        %add3A_644 = arith.addf %add3A_604, %mul3A_643 : vector<16xf32>
        %broadcast_in_dim3A_645 = arith.constant 58 : i32
        %broadcast_in_dim3A_646 = vector.broadcast %broadcast_in_dim3A_645 : i32 to vector<16xi32>
        %gather3A_647 = tpu.vector_load_idx %arg10[%broadcast_in_dim3A_646, %min3A_55] : memref<64x64xf32, #tpu.memory_space<vmem>>[vector<16xi32>, vector<16xi32>], vector<16xf32>,
        %get3A_648 = arith.constant 58 : i32
        %get3A_649 = arith.index_cast %get3A_648 : i32 to index
        %get3A_650 = arith.index_cast %mul3A_29 : i32 to index
        %get3A_651 = tpu.vector_load %arg8[%get3A_649, %get3A_650] {strides = array<i32>} : memref<64x128xf32, #tpu.memory_space<vmem>>, vector<16xf32>,
        %sub3A_652 = arith.subf %get3A_651, %gather3A_647 : vector<16xf32>
        %mul3A_653 = arith.mulf %sub3A_652, %sub3A_652 : vector<16xf32>
        %add3A_654 = arith.addf %add3A_614, %mul3A_653 : vector<16xf32>
        %broadcast_in_dim3A_655 = arith.constant 59 : i32
        %broadcast_in_dim3A_656 = vector.broadcast %broadcast_in_dim3A_655 : i32 to vector<16xi32>
        %gather3A_657 = tpu.vector_load_idx %arg10[%broadcast_in_dim3A_656, %min3A_55] : memref<64x64xf32, #tpu.memory_space<vmem>>[vector<16xi32>, vector<16xi32>], vector<16xf32>,
        %get3A_658 = arith.constant 59 : i32
        %get3A_659 = arith.index_cast %get3A_658 : i32 to index
        %get3A_660 = arith.index_cast %mul3A_29 : i32 to index
        %get3A_661 = tpu.vector_load %arg8[%get3A_659, %get3A_660] {strides = array<i32>} : memref<64x128xf32, #tpu.memory_space<vmem>>, vector<16xf32>,
        %sub3A_662 = arith.subf %get3A_661, %gather3A_657 : vector<16xf32>
        %mul3A_663 = arith.mulf %sub3A_662, %sub3A_662 : vector<16xf32>
        %add3A_664 = arith.addf %add3A_624, %mul3A_663 : vector<16xf32>
        %broadcast_in_dim3A_665 = arith.constant 60 : i32
        %broadcast_in_dim3A_666 = vector.broadcast %broadcast_in_dim3A_665 : i32 to vector<16xi32>
        %gather3A_667 = tpu.vector_load_idx %arg10[%broadcast_in_dim3A_666, %min3A_55] : memref<64x64xf32, #tpu.memory_space<vmem>>[vector<16xi32>, vector<16xi32>], vector<16xf32>,
        %get3A_668 = arith.constant 60 : i32
        %get3A_669 = arith.index_cast %get3A_668 : i32 to index
        %get3A_670 = arith.index_cast %mul3A_29 : i32 to index
        %get3A_671 = tpu.vector_load %arg8[%get3A_669, %get3A_670] {strides = array<i32>} : memref<64x128xf32, #tpu.memory_space<vmem>>, vector<16xf32>,
        %sub3A_672 = arith.subf %get3A_671, %gather3A_667 : vector<16xf32>
        %mul3A_673 = arith.mulf %sub3A_672, %sub3A_672 : vector<16xf32>
        %add3A_674 = arith.addf %add3A_634, %mul3A_673 : vector<16xf32>
        %broadcast_in_dim3A_675 = arith.constant 61 : i32
        %broadcast_in_dim3A_676 = vector.broadcast %broadcast_in_dim3A_675 : i32 to vector<16xi32>
        %gather3A_677 = tpu.vector_load_idx %arg10[%broadcast_in_dim3A_676, %min3A_55] : memref<64x64xf32, #tpu.memory_space<vmem>>[vector<16xi32>, vector<16xi32>], vector<16xf32>,
        %get3A_678 = arith.constant 61 : i32
        %get3A_679 = arith.index_cast %get3A_678 : i32 to index
        %get3A_680 = arith.index_cast %mul3A_29 : i32 to index
        %get3A_681 = tpu.vector_load %arg8[%get3A_679, %get3A_680] {strides = array<i32>} : memref<64x128xf32, #tpu.memory_space<vmem>>, vector<16xf32>,
        %sub3A_682 = arith.subf %get3A_681, %gather3A_677 : vector<16xf32>
        %mul3A_683 = arith.mulf %sub3A_682, %sub3A_682 : vector<16xf32>
        %add3A_684 = arith.addf %add3A_644, %mul3A_683 : vector<16xf32>
        %broadcast_in_dim3A_685 = arith.constant 62 : i32
        %broadcast_in_dim3A_686 = vector.broadcast %broadcast_in_dim3A_685 : i32 to vector<16xi32>
        %gather3A_687 = tpu.vector_load_idx %arg10[%broadcast_in_dim3A_686, %min3A_55] : memref<64x64xf32, #tpu.memory_space<vmem>>[vector<16xi32>, vector<16xi32>], vector<16xf32>,
        %get3A_688 = arith.constant 62 : i32
        %get3A_689 = arith.index_cast %get3A_688 : i32 to index
        %get3A_690 = arith.index_cast %mul3A_29 : i32 to index
        %get3A_691 = tpu.vector_load %arg8[%get3A_689, %get3A_690] {strides = array<i32>} : memref<64x128xf32, #tpu.memory_space<vmem>>, vector<16xf32>,
        %sub3A_692 = arith.subf %get3A_691, %gather3A_687 : vector<16xf32>
        %mul3A_693 = arith.mulf %sub3A_692, %sub3A_692 : vector<16xf32>
        %add3A_694 = arith.addf %add3A_654, %mul3A_693 : vector<16xf32>
        %broadcast_in_dim3A_695 = arith.constant 63 : i32
        %broadcast_in_dim3A_696 = vector.broadcast %broadcast_in_dim3A_695 : i32 to vector<16xi32>
        %gather3A_697 = tpu.vector_load_idx %arg10[%broadcast_in_dim3A_696, %min3A_55] : memref<64x64xf32, #tpu.memory_space<vmem>>[vector<16xi32>, vector<16xi32>], vector<16xf32>,
        %get3A_698 = arith.constant 63 : i32
        %get3A_699 = arith.index_cast %get3A_698 : i32 to index
        %get3A_700 = arith.index_cast %mul3A_29 : i32 to index
        %get3A_701 = tpu.vector_load %arg8[%get3A_699, %get3A_700] {strides = array<i32>} : memref<64x128xf32, #tpu.memory_space<vmem>>, vector<16xf32>,
        %sub3A_702 = arith.subf %get3A_701, %gather3A_697 : vector<16xf32>
        %mul3A_703 = arith.mulf %sub3A_702, %sub3A_702 : vector<16xf32>
        %add3A_704 = arith.addf %add3A_664, %mul3A_703 : vector<16xf32>
        %add3A_705 = arith.addf %add3A_674, %add3A_684 : vector<16xf32>
        %add3A_706 = arith.addf %add3A_694, %add3A_704 : vector<16xf32>
        %add3A_707 = arith.addf %add3A_705, %add3A_706 : vector<16xf32>
        %jit3A_708 = arith.constant 0.000000e+00 : f32
        %broadcast_in_dim3A_709 = vector.broadcast %jit3A_708 : f32 to vector<16xf32>
        %select_n3A_710 = arith.select %ge3A_35, %add3A_707, %broadcast_in_dim3A_709 : vector<16xi1>, vector<16xf32>
        %add3A_711 = arith.addf %get3A_57, %select_n3A_710 : vector<16xf32>
        %swap3A_712 = arith.constant 0 : index
        %swap3A_713 = tpu.vector_load %arg11[%swap3A_712] {strides = array<i32>} : memref<16xf32, #tpu.memory_space<vmem>>, vector<16xf32>,
        tpu.vector_store %arg11[%swap3A_712], %add3A_711 {strides = array<i32>} : memref<16xf32, #tpu.memory_space<vmem>>, vector<16xf32>,
      } else {
      }
      %while3A = scf.while (%while3A_50 = %select_n3A) : (vector<16xi32>) -> vector<16xi32> {
        %reduce_min3A = arith.constant true
        %reduce_min3A_51 = vector.broadcast %reduce_min3A : i1 to vector<16xi1>
        %reduce_min3A_52 = arith.constant -2147483648 : i32
        %reduce_min3A_53 = vector.broadcast %reduce_min3A_52 : i32 to vector<16xi32>
        %reduce_min3A_54 = arith.xori %while3A_50, %reduce_min3A_53 : vector<16xi32>
        %reduce_min3A_55 = tpu.scan <min>, %reduce_min3A_54 masked %reduce_min3A_51 : vector<16xi32>, vector<16xi1> -> vector<16xi32>
        %reduce_min3A_56 = arith.xori %reduce_min3A_55, %reduce_min3A_53 : vector<16xi32>
        %reduce_min3A_57 = vector.extract %reduce_min3A_56[15] : i32 from vector<16xi32>
        %lt3A = arith.constant 1073741824 : i32
        %lt3A_58 = arith.cmpi slt, %reduce_min3A_57, %lt3A : i32
        scf.condition(%lt3A_58) %while3A_50 : vector<16xi32>
      } do {
      ^bb0(%while3A_50: vector<16xi32>):
        %reduce_min3A = arith.constant true
        %reduce_min3A_51 = vector.broadcast %reduce_min3A : i1 to vector<16xi1>
        %reduce_min3A_52 = arith.constant -2147483648 : i32
        %reduce_min3A_53 = vector.broadcast %reduce_min3A_52 : i32 to vector<16xi32>
        %reduce_min3A_54 = arith.xori %while3A_50, %reduce_min3A_53 : vector<16xi32>
        %reduce_min3A_55 = tpu.scan <min>, %reduce_min3A_54 masked %reduce_min3A_51 : vector<16xi32>, vector<16xi1> -> vector<16xi32>
        %reduce_min3A_56 = arith.xori %reduce_min3A_55, %reduce_min3A_53 : vector<16xi32>
        %reduce_min3A_57 = vector.extract %reduce_min3A_56[15] : i32 from vector<16xi32>
        %get3A_58 = arith.constant 0 : i32
        %get3A_59 = arith.index_cast %get3A_58 : i32 to index
        %get3A_60 = memref.load %arg12[%get3A_59] : memref<1xi32, #tpu.memory_space<smem>>
        %lt3A = arith.cmpi slt, %reduce_min3A_57, %get3A_60 : i32
        %get3A_61 = arith.constant 0 : i32
        %get3A_62 = arith.index_cast %get3A_61 : i32 to index
        %get3A_63 = memref.load %arg12[%get3A_62] : memref<1xi32, #tpu.memory_space<smem>>
        %add3A_64 = arith.constant 1536 : i32
        %add3A_65 = arith.addi %get3A_63, %add3A_64 : i32
        %ge3A_66 = arith.cmpi sge, %reduce_min3A_57, %add3A_65 : i32
        %or3A = arith.ori %lt3A, %ge3A_66 : i1
        %convert_element_type3A_67 = arith.extui %or3A : i1 to i32
        %cond3A_68 = arith.constant 0 : i32
        %cond3A_69 = arith.cmpi ne, %convert_element_type3A_67, %cond3A_68 : i32
        scf.if %cond3A_69 {
          %jit3A_745 = arith.constant 128 : i32
          %div3A = arith.divsi %reduce_min3A_57, %jit3A_745 : i32
          %sign3A = arith.constant 0 : i32
          %sign3A_746 = arith.cmpi sgt, %reduce_min3A_57, %sign3A : i32
          %sign3A_747 = arith.extui %sign3A_746 : i1 to i32
          %sign3A_748 = arith.constant 0 : i32
          %sign3A_749 = arith.cmpi slt, %reduce_min3A_57, %sign3A_748 : i32
          %sign3A_750 = arith.extui %sign3A_749 : i1 to i32
          %sign3A_751 = arith.subi %sign3A_747, %sign3A_750 : i32
          %sign3A_752 = arith.constant 0 : i32
          %sign3A_753 = arith.cmpi sgt, %jit3A_745, %sign3A_752 : i32
          %sign3A_754 = arith.extui %sign3A_753 : i1 to i32
          %sign3A_755 = arith.constant 0 : i32
          %sign3A_756 = arith.cmpi slt, %jit3A_745, %sign3A_755 : i32
          %sign3A_757 = arith.extui %sign3A_756 : i1 to i32
          %sign3A_758 = arith.subi %sign3A_754, %sign3A_757 : i32
          %ne3A = arith.cmpi ne, %sign3A_751, %sign3A_758 : i32
          %rem3A_759 = arith.remsi %reduce_min3A_57, %jit3A_745 : i32
          %ne3A_760 = arith.constant 0 : i32
          %ne3A_761 = arith.cmpi ne, %rem3A_759, %ne3A_760 : i32
          %and3A_762 = arith.andi %ne3A, %ne3A_761 : i1
          %sub3A_763 = arith.constant 1 : i32
          %sub3A_764 = arith.subi %div3A, %sub3A_763 : i32
          %select_n3A_765 = arith.select %and3A_762, %sub3A_764, %div3A : i32
          %mul3A_766 = arith.constant 128 : i32
          %mul3A_767 = arith.muli %select_n3A_765, %mul3A_766 : i32
          %min3A_768 = arith.constant 998400 : i32
          %min3A_769 = arith.minsi %mul3A_767, %min3A_768 : i32
          %swap3A_770 = arith.constant 0 : i32
          %swap3A_771 = arith.index_cast %swap3A_770 : i32 to index
          %swap3A_772 = memref.load %arg12[%swap3A_771] : memref<1xi32, #tpu.memory_space<smem>>
          memref.store %min3A_769, %arg12[%swap3A_771] : memref<1xi32, #tpu.memory_space<smem>>
          %get3A_773 = arith.constant 0 : i32
          %get3A_774 = arith.index_cast %get3A_773 : i32 to index
          %get3A_775 = memref.load %arg12[%get3A_774] : memref<1xi32, #tpu.memory_space<smem>>
          %multiple_of3A = tpu.assume_multiple %get3A_775, 128 : i32
          "tpu.region"() ({
            %run_scoped3A = tpu.sem_alloc : memref<!tpu.dma_semaphore, #tpu.memory_space<semaphore_mem>>
            %dma_start3A = arith.constant 0 : i32
            %dma_start3A_776 = tpu.memref_slice %arg4[%dma_start3A, %multiple_of3A] : memref<64x1000000xf32, #tpu.memory_space<hbm>> -> memref<64x1536xf32, #tpu.memory_space<hbm>>
            %dma_start3A_777 = arith.constant 0 : i32
            %dma_start3A_778 = tpu.memref_slice %arg4[%dma_start3A_777, %multiple_of3A] : memref<64x1000000xf32, #tpu.memory_space<hbm>> -> memref<64x1536xf32, #tpu.memory_space<hbm>>
            tpu.enqueue_dma source(%dma_start3A_778 : memref<64x1536xf32, #tpu.memory_space<hbm>>) target(%arg9 : memref<64x1536xf32, #tpu.memory_space<vmem>>) target_semaphore(%run_scoped3A : memref<!tpu.dma_semaphore, #tpu.memory_space<semaphore_mem>>)
            %dma_wait3A = arith.constant 0 : i32
            %dma_wait3A_779 = tpu.memref_slice %arg4[%dma_wait3A, %multiple_of3A] : memref<64x1000000xf32, #tpu.memory_space<hbm>> -> memref<64x1536xf32, #tpu.memory_space<hbm>>
            %dma_wait3A_780 = arith.constant 0 : i32
            %dma_wait3A_781 = tpu.memref_slice %arg4[%dma_wait3A_780, %multiple_of3A] : memref<64x1000000xf32, #tpu.memory_space<hbm>> -> memref<64x1536xf32, #tpu.memory_space<hbm>>
            tpu.wait_dma2 semaphore(%run_scoped3A : memref<!tpu.dma_semaphore, #tpu.memory_space<semaphore_mem>>) src(%dma_wait3A_781 : memref<64x1536xf32, #tpu.memory_space<hbm>>) dst(%arg9 : memref<64x1536xf32, #tpu.memory_space<vmem>>)
            tpu.yield
          }) : () -> ()
        } else {
        }
        %get3A_70 = arith.constant 0 : i32
        %get3A_71 = arith.index_cast %get3A_70 : i32 to index
        %get3A_72 = memref.load %arg12[%get3A_71] : memref<1xi32, #tpu.memory_space<smem>>
        %ge3A_73 = vector.broadcast %get3A_72 : i32 to vector<16xi32>
        %ge3A_74 = arith.cmpi sge, %while3A_50, %ge3A_73 : vector<16xi32>
        %add3A_75 = arith.constant 1536 : i32
        %add3A_76 = arith.addi %get3A_72, %add3A_75 : i32
        %lt3A_77 = vector.broadcast %add3A_76 : i32 to vector<16xi32>
        %lt3A_78 = arith.cmpi slt, %while3A_50, %lt3A_77 : vector<16xi32>
        %and3A = arith.andi %ge3A_74, %lt3A_78 : vector<16xi1>
        %sub3A = vector.broadcast %get3A_72 : i32 to vector<16xi32>
        %sub3A_79 = arith.subi %while3A_50, %sub3A : vector<16xi32>
        %jit3A_80 = arith.constant 0 : i32
        %jit3A_81 = arith.constant 1535 : i32
        %max3A = vector.broadcast %jit3A_80 : i32 to vector<16xi32>
        %max3A_82 = arith.maxsi %max3A, %sub3A_79 : vector<16xi32>
        %min3A = vector.broadcast %jit3A_81 : i32 to vector<16xi32>
        %min3A_83 = arith.minsi %min3A, %max3A_82 : vector<16xi32>
        %get3A_84 = arith.constant 0 : index
        %get3A_85 = tpu.vector_load %arg11[%get3A_84] {strides = array<i32>} : memref<16xf32, #tpu.memory_space<vmem>>, vector<16xf32>,
        %broadcast_in_dim3A_86 = arith.constant 0.000000e+00 : f32
        %broadcast_in_dim3A_87 = vector.broadcast %broadcast_in_dim3A_86 : f32 to vector<16xf32>
        %broadcast_in_dim3A_88 = arith.constant 0.000000e+00 : f32
        %broadcast_in_dim3A_89 = vector.broadcast %broadcast_in_dim3A_88 : f32 to vector<16xf32>
        %broadcast_in_dim3A_90 = arith.constant 0.000000e+00 : f32
        %broadcast_in_dim3A_91 = vector.broadcast %broadcast_in_dim3A_90 : f32 to vector<16xf32>
        %broadcast_in_dim3A_92 = arith.constant 0.000000e+00 : f32
        %broadcast_in_dim3A_93 = vector.broadcast %broadcast_in_dim3A_92 : f32 to vector<16xf32>
        %broadcast_in_dim3A_94 = arith.constant 0 : i32
        %broadcast_in_dim3A_95 = vector.broadcast %broadcast_in_dim3A_94 : i32 to vector<16xi32>
        %gather3A = tpu.vector_load_idx %arg9[%broadcast_in_dim3A_95, %min3A_83] : memref<64x1536xf32, #tpu.memory_space<vmem>>[vector<16xi32>, vector<16xi32>], vector<16xf32>,
        %get3A_96 = arith.constant 0 : i32
        %get3A_97 = arith.index_cast %get3A_96 : i32 to index
        %get3A_98 = arith.index_cast %mul3A_29 : i32 to index
        %get3A_99 = tpu.vector_load %arg8[%get3A_97, %get3A_98] {strides = array<i32>} : memref<64x128xf32, #tpu.memory_space<vmem>>, vector<16xf32>,
        %sub3A_100 = arith.subf %get3A_99, %gather3A : vector<16xf32>
        %mul3A_101 = arith.mulf %sub3A_100, %sub3A_100 : vector<16xf32>
        %add3A_102 = arith.addf %broadcast_in_dim3A_87, %mul3A_101 : vector<16xf32>
        %broadcast_in_dim3A_103 = arith.constant 1 : i32
        %broadcast_in_dim3A_104 = vector.broadcast %broadcast_in_dim3A_103 : i32 to vector<16xi32>
        %gather3A_105 = tpu.vector_load_idx %arg9[%broadcast_in_dim3A_104, %min3A_83] : memref<64x1536xf32, #tpu.memory_space<vmem>>[vector<16xi32>, vector<16xi32>], vector<16xf32>,
        %get3A_106 = arith.constant 1 : i32
        %get3A_107 = arith.index_cast %get3A_106 : i32 to index
        %get3A_108 = arith.index_cast %mul3A_29 : i32 to index
        %get3A_109 = tpu.vector_load %arg8[%get3A_107, %get3A_108] {strides = array<i32>} : memref<64x128xf32, #tpu.memory_space<vmem>>, vector<16xf32>,
        %sub3A_110 = arith.subf %get3A_109, %gather3A_105 : vector<16xf32>
        %mul3A_111 = arith.mulf %sub3A_110, %sub3A_110 : vector<16xf32>
        %add3A_112 = arith.addf %broadcast_in_dim3A_89, %mul3A_111 : vector<16xf32>
        %broadcast_in_dim3A_113 = arith.constant 2 : i32
        %broadcast_in_dim3A_114 = vector.broadcast %broadcast_in_dim3A_113 : i32 to vector<16xi32>
        %gather3A_115 = tpu.vector_load_idx %arg9[%broadcast_in_dim3A_114, %min3A_83] : memref<64x1536xf32, #tpu.memory_space<vmem>>[vector<16xi32>, vector<16xi32>], vector<16xf32>,
        %get3A_116 = arith.constant 2 : i32
        %get3A_117 = arith.index_cast %get3A_116 : i32 to index
        %get3A_118 = arith.index_cast %mul3A_29 : i32 to index
        %get3A_119 = tpu.vector_load %arg8[%get3A_117, %get3A_118] {strides = array<i32>} : memref<64x128xf32, #tpu.memory_space<vmem>>, vector<16xf32>,
        %sub3A_120 = arith.subf %get3A_119, %gather3A_115 : vector<16xf32>
        %mul3A_121 = arith.mulf %sub3A_120, %sub3A_120 : vector<16xf32>
        %add3A_122 = arith.addf %broadcast_in_dim3A_91, %mul3A_121 : vector<16xf32>
        %broadcast_in_dim3A_123 = arith.constant 3 : i32
        %broadcast_in_dim3A_124 = vector.broadcast %broadcast_in_dim3A_123 : i32 to vector<16xi32>
        %gather3A_125 = tpu.vector_load_idx %arg9[%broadcast_in_dim3A_124, %min3A_83] : memref<64x1536xf32, #tpu.memory_space<vmem>>[vector<16xi32>, vector<16xi32>], vector<16xf32>,
        %get3A_126 = arith.constant 3 : i32
        %get3A_127 = arith.index_cast %get3A_126 : i32 to index
        %get3A_128 = arith.index_cast %mul3A_29 : i32 to index
        %get3A_129 = tpu.vector_load %arg8[%get3A_127, %get3A_128] {strides = array<i32>} : memref<64x128xf32, #tpu.memory_space<vmem>>, vector<16xf32>,
        %sub3A_130 = arith.subf %get3A_129, %gather3A_125 : vector<16xf32>
        %mul3A_131 = arith.mulf %sub3A_130, %sub3A_130 : vector<16xf32>
        %add3A_132 = arith.addf %broadcast_in_dim3A_93, %mul3A_131 : vector<16xf32>
        %broadcast_in_dim3A_133 = arith.constant 4 : i32
        %broadcast_in_dim3A_134 = vector.broadcast %broadcast_in_dim3A_133 : i32 to vector<16xi32>
        %gather3A_135 = tpu.vector_load_idx %arg9[%broadcast_in_dim3A_134, %min3A_83] : memref<64x1536xf32, #tpu.memory_space<vmem>>[vector<16xi32>, vector<16xi32>], vector<16xf32>,
        %get3A_136 = arith.constant 4 : i32
        %get3A_137 = arith.index_cast %get3A_136 : i32 to index
        %get3A_138 = arith.index_cast %mul3A_29 : i32 to index
        %get3A_139 = tpu.vector_load %arg8[%get3A_137, %get3A_138] {strides = array<i32>} : memref<64x128xf32, #tpu.memory_space<vmem>>, vector<16xf32>,
        %sub3A_140 = arith.subf %get3A_139, %gather3A_135 : vector<16xf32>
        %mul3A_141 = arith.mulf %sub3A_140, %sub3A_140 : vector<16xf32>
        %add3A_142 = arith.addf %add3A_102, %mul3A_141 : vector<16xf32>
        %broadcast_in_dim3A_143 = arith.constant 5 : i32
        %broadcast_in_dim3A_144 = vector.broadcast %broadcast_in_dim3A_143 : i32 to vector<16xi32>
        %gather3A_145 = tpu.vector_load_idx %arg9[%broadcast_in_dim3A_144, %min3A_83] : memref<64x1536xf32, #tpu.memory_space<vmem>>[vector<16xi32>, vector<16xi32>], vector<16xf32>,
        %get3A_146 = arith.constant 5 : i32
        %get3A_147 = arith.index_cast %get3A_146 : i32 to index
        %get3A_148 = arith.index_cast %mul3A_29 : i32 to index
        %get3A_149 = tpu.vector_load %arg8[%get3A_147, %get3A_148] {strides = array<i32>} : memref<64x128xf32, #tpu.memory_space<vmem>>, vector<16xf32>,
        %sub3A_150 = arith.subf %get3A_149, %gather3A_145 : vector<16xf32>
        %mul3A_151 = arith.mulf %sub3A_150, %sub3A_150 : vector<16xf32>
        %add3A_152 = arith.addf %add3A_112, %mul3A_151 : vector<16xf32>
        %broadcast_in_dim3A_153 = arith.constant 6 : i32
        %broadcast_in_dim3A_154 = vector.broadcast %broadcast_in_dim3A_153 : i32 to vector<16xi32>
        %gather3A_155 = tpu.vector_load_idx %arg9[%broadcast_in_dim3A_154, %min3A_83] : memref<64x1536xf32, #tpu.memory_space<vmem>>[vector<16xi32>, vector<16xi32>], vector<16xf32>,
        %get3A_156 = arith.constant 6 : i32
        %get3A_157 = arith.index_cast %get3A_156 : i32 to index
        %get3A_158 = arith.index_cast %mul3A_29 : i32 to index
        %get3A_159 = tpu.vector_load %arg8[%get3A_157, %get3A_158] {strides = array<i32>} : memref<64x128xf32, #tpu.memory_space<vmem>>, vector<16xf32>,
        %sub3A_160 = arith.subf %get3A_159, %gather3A_155 : vector<16xf32>
        %mul3A_161 = arith.mulf %sub3A_160, %sub3A_160 : vector<16xf32>
        %add3A_162 = arith.addf %add3A_122, %mul3A_161 : vector<16xf32>
        %broadcast_in_dim3A_163 = arith.constant 7 : i32
        %broadcast_in_dim3A_164 = vector.broadcast %broadcast_in_dim3A_163 : i32 to vector<16xi32>
        %gather3A_165 = tpu.vector_load_idx %arg9[%broadcast_in_dim3A_164, %min3A_83] : memref<64x1536xf32, #tpu.memory_space<vmem>>[vector<16xi32>, vector<16xi32>], vector<16xf32>,
        %get3A_166 = arith.constant 7 : i32
        %get3A_167 = arith.index_cast %get3A_166 : i32 to index
        %get3A_168 = arith.index_cast %mul3A_29 : i32 to index
        %get3A_169 = tpu.vector_load %arg8[%get3A_167, %get3A_168] {strides = array<i32>} : memref<64x128xf32, #tpu.memory_space<vmem>>, vector<16xf32>,
        %sub3A_170 = arith.subf %get3A_169, %gather3A_165 : vector<16xf32>
        %mul3A_171 = arith.mulf %sub3A_170, %sub3A_170 : vector<16xf32>
        %add3A_172 = arith.addf %add3A_132, %mul3A_171 : vector<16xf32>
        %broadcast_in_dim3A_173 = arith.constant 8 : i32
        %broadcast_in_dim3A_174 = vector.broadcast %broadcast_in_dim3A_173 : i32 to vector<16xi32>
        %gather3A_175 = tpu.vector_load_idx %arg9[%broadcast_in_dim3A_174, %min3A_83] : memref<64x1536xf32, #tpu.memory_space<vmem>>[vector<16xi32>, vector<16xi32>], vector<16xf32>,
        %get3A_176 = arith.constant 8 : i32
        %get3A_177 = arith.index_cast %get3A_176 : i32 to index
        %get3A_178 = arith.index_cast %mul3A_29 : i32 to index
        %get3A_179 = tpu.vector_load %arg8[%get3A_177, %get3A_178] {strides = array<i32>} : memref<64x128xf32, #tpu.memory_space<vmem>>, vector<16xf32>,
        %sub3A_180 = arith.subf %get3A_179, %gather3A_175 : vector<16xf32>
        %mul3A_181 = arith.mulf %sub3A_180, %sub3A_180 : vector<16xf32>
        %add3A_182 = arith.addf %add3A_142, %mul3A_181 : vector<16xf32>
        %broadcast_in_dim3A_183 = arith.constant 9 : i32
        %broadcast_in_dim3A_184 = vector.broadcast %broadcast_in_dim3A_183 : i32 to vector<16xi32>
        %gather3A_185 = tpu.vector_load_idx %arg9[%broadcast_in_dim3A_184, %min3A_83] : memref<64x1536xf32, #tpu.memory_space<vmem>>[vector<16xi32>, vector<16xi32>], vector<16xf32>,
        %get3A_186 = arith.constant 9 : i32
        %get3A_187 = arith.index_cast %get3A_186 : i32 to index
        %get3A_188 = arith.index_cast %mul3A_29 : i32 to index
        %get3A_189 = tpu.vector_load %arg8[%get3A_187, %get3A_188] {strides = array<i32>} : memref<64x128xf32, #tpu.memory_space<vmem>>, vector<16xf32>,
        %sub3A_190 = arith.subf %get3A_189, %gather3A_185 : vector<16xf32>
        %mul3A_191 = arith.mulf %sub3A_190, %sub3A_190 : vector<16xf32>
        %add3A_192 = arith.addf %add3A_152, %mul3A_191 : vector<16xf32>
        %broadcast_in_dim3A_193 = arith.constant 10 : i32
        %broadcast_in_dim3A_194 = vector.broadcast %broadcast_in_dim3A_193 : i32 to vector<16xi32>
        %gather3A_195 = tpu.vector_load_idx %arg9[%broadcast_in_dim3A_194, %min3A_83] : memref<64x1536xf32, #tpu.memory_space<vmem>>[vector<16xi32>, vector<16xi32>], vector<16xf32>,
        %get3A_196 = arith.constant 10 : i32
        %get3A_197 = arith.index_cast %get3A_196 : i32 to index
        %get3A_198 = arith.index_cast %mul3A_29 : i32 to index
        %get3A_199 = tpu.vector_load %arg8[%get3A_197, %get3A_198] {strides = array<i32>} : memref<64x128xf32, #tpu.memory_space<vmem>>, vector<16xf32>,
        %sub3A_200 = arith.subf %get3A_199, %gather3A_195 : vector<16xf32>
        %mul3A_201 = arith.mulf %sub3A_200, %sub3A_200 : vector<16xf32>
        %add3A_202 = arith.addf %add3A_162, %mul3A_201 : vector<16xf32>
        %broadcast_in_dim3A_203 = arith.constant 11 : i32
        %broadcast_in_dim3A_204 = vector.broadcast %broadcast_in_dim3A_203 : i32 to vector<16xi32>
        %gather3A_205 = tpu.vector_load_idx %arg9[%broadcast_in_dim3A_204, %min3A_83] : memref<64x1536xf32, #tpu.memory_space<vmem>>[vector<16xi32>, vector<16xi32>], vector<16xf32>,
        %get3A_206 = arith.constant 11 : i32
        %get3A_207 = arith.index_cast %get3A_206 : i32 to index
        %get3A_208 = arith.index_cast %mul3A_29 : i32 to index
        %get3A_209 = tpu.vector_load %arg8[%get3A_207, %get3A_208] {strides = array<i32>} : memref<64x128xf32, #tpu.memory_space<vmem>>, vector<16xf32>,
        %sub3A_210 = arith.subf %get3A_209, %gather3A_205 : vector<16xf32>
        %mul3A_211 = arith.mulf %sub3A_210, %sub3A_210 : vector<16xf32>
        %add3A_212 = arith.addf %add3A_172, %mul3A_211 : vector<16xf32>
        %broadcast_in_dim3A_213 = arith.constant 12 : i32
        %broadcast_in_dim3A_214 = vector.broadcast %broadcast_in_dim3A_213 : i32 to vector<16xi32>
        %gather3A_215 = tpu.vector_load_idx %arg9[%broadcast_in_dim3A_214, %min3A_83] : memref<64x1536xf32, #tpu.memory_space<vmem>>[vector<16xi32>, vector<16xi32>], vector<16xf32>,
        %get3A_216 = arith.constant 12 : i32
        %get3A_217 = arith.index_cast %get3A_216 : i32 to index
        %get3A_218 = arith.index_cast %mul3A_29 : i32 to index
        %get3A_219 = tpu.vector_load %arg8[%get3A_217, %get3A_218] {strides = array<i32>} : memref<64x128xf32, #tpu.memory_space<vmem>>, vector<16xf32>,
        %sub3A_220 = arith.subf %get3A_219, %gather3A_215 : vector<16xf32>
        %mul3A_221 = arith.mulf %sub3A_220, %sub3A_220 : vector<16xf32>
        %add3A_222 = arith.addf %add3A_182, %mul3A_221 : vector<16xf32>
        %broadcast_in_dim3A_223 = arith.constant 13 : i32
        %broadcast_in_dim3A_224 = vector.broadcast %broadcast_in_dim3A_223 : i32 to vector<16xi32>
        %gather3A_225 = tpu.vector_load_idx %arg9[%broadcast_in_dim3A_224, %min3A_83] : memref<64x1536xf32, #tpu.memory_space<vmem>>[vector<16xi32>, vector<16xi32>], vector<16xf32>,
        %get3A_226 = arith.constant 13 : i32
        %get3A_227 = arith.index_cast %get3A_226 : i32 to index
        %get3A_228 = arith.index_cast %mul3A_29 : i32 to index
        %get3A_229 = tpu.vector_load %arg8[%get3A_227, %get3A_228] {strides = array<i32>} : memref<64x128xf32, #tpu.memory_space<vmem>>, vector<16xf32>,
        %sub3A_230 = arith.subf %get3A_229, %gather3A_225 : vector<16xf32>
        %mul3A_231 = arith.mulf %sub3A_230, %sub3A_230 : vector<16xf32>
        %add3A_232 = arith.addf %add3A_192, %mul3A_231 : vector<16xf32>
        %broadcast_in_dim3A_233 = arith.constant 14 : i32
        %broadcast_in_dim3A_234 = vector.broadcast %broadcast_in_dim3A_233 : i32 to vector<16xi32>
        %gather3A_235 = tpu.vector_load_idx %arg9[%broadcast_in_dim3A_234, %min3A_83] : memref<64x1536xf32, #tpu.memory_space<vmem>>[vector<16xi32>, vector<16xi32>], vector<16xf32>,
        %get3A_236 = arith.constant 14 : i32
        %get3A_237 = arith.index_cast %get3A_236 : i32 to index
        %get3A_238 = arith.index_cast %mul3A_29 : i32 to index
        %get3A_239 = tpu.vector_load %arg8[%get3A_237, %get3A_238] {strides = array<i32>} : memref<64x128xf32, #tpu.memory_space<vmem>>, vector<16xf32>,
        %sub3A_240 = arith.subf %get3A_239, %gather3A_235 : vector<16xf32>
        %mul3A_241 = arith.mulf %sub3A_240, %sub3A_240 : vector<16xf32>
        %add3A_242 = arith.addf %add3A_202, %mul3A_241 : vector<16xf32>
        %broadcast_in_dim3A_243 = arith.constant 15 : i32
        %broadcast_in_dim3A_244 = vector.broadcast %broadcast_in_dim3A_243 : i32 to vector<16xi32>
        %gather3A_245 = tpu.vector_load_idx %arg9[%broadcast_in_dim3A_244, %min3A_83] : memref<64x1536xf32, #tpu.memory_space<vmem>>[vector<16xi32>, vector<16xi32>], vector<16xf32>,
        %get3A_246 = arith.constant 15 : i32
        %get3A_247 = arith.index_cast %get3A_246 : i32 to index
        %get3A_248 = arith.index_cast %mul3A_29 : i32 to index
        %get3A_249 = tpu.vector_load %arg8[%get3A_247, %get3A_248] {strides = array<i32>} : memref<64x128xf32, #tpu.memory_space<vmem>>, vector<16xf32>,
        %sub3A_250 = arith.subf %get3A_249, %gather3A_245 : vector<16xf32>
        %mul3A_251 = arith.mulf %sub3A_250, %sub3A_250 : vector<16xf32>
        %add3A_252 = arith.addf %add3A_212, %mul3A_251 : vector<16xf32>
        %broadcast_in_dim3A_253 = arith.constant 16 : i32
        %broadcast_in_dim3A_254 = vector.broadcast %broadcast_in_dim3A_253 : i32 to vector<16xi32>
        %gather3A_255 = tpu.vector_load_idx %arg9[%broadcast_in_dim3A_254, %min3A_83] : memref<64x1536xf32, #tpu.memory_space<vmem>>[vector<16xi32>, vector<16xi32>], vector<16xf32>,
        %get3A_256 = arith.constant 16 : i32
        %get3A_257 = arith.index_cast %get3A_256 : i32 to index
        %get3A_258 = arith.index_cast %mul3A_29 : i32 to index
        %get3A_259 = tpu.vector_load %arg8[%get3A_257, %get3A_258] {strides = array<i32>} : memref<64x128xf32, #tpu.memory_space<vmem>>, vector<16xf32>,
        %sub3A_260 = arith.subf %get3A_259, %gather3A_255 : vector<16xf32>
        %mul3A_261 = arith.mulf %sub3A_260, %sub3A_260 : vector<16xf32>
        %add3A_262 = arith.addf %add3A_222, %mul3A_261 : vector<16xf32>
        %broadcast_in_dim3A_263 = arith.constant 17 : i32
        %broadcast_in_dim3A_264 = vector.broadcast %broadcast_in_dim3A_263 : i32 to vector<16xi32>
        %gather3A_265 = tpu.vector_load_idx %arg9[%broadcast_in_dim3A_264, %min3A_83] : memref<64x1536xf32, #tpu.memory_space<vmem>>[vector<16xi32>, vector<16xi32>], vector<16xf32>,
        %get3A_266 = arith.constant 17 : i32
        %get3A_267 = arith.index_cast %get3A_266 : i32 to index
        %get3A_268 = arith.index_cast %mul3A_29 : i32 to index
        %get3A_269 = tpu.vector_load %arg8[%get3A_267, %get3A_268] {strides = array<i32>} : memref<64x128xf32, #tpu.memory_space<vmem>>, vector<16xf32>,
        %sub3A_270 = arith.subf %get3A_269, %gather3A_265 : vector<16xf32>
        %mul3A_271 = arith.mulf %sub3A_270, %sub3A_270 : vector<16xf32>
        %add3A_272 = arith.addf %add3A_232, %mul3A_271 : vector<16xf32>
        %broadcast_in_dim3A_273 = arith.constant 18 : i32
        %broadcast_in_dim3A_274 = vector.broadcast %broadcast_in_dim3A_273 : i32 to vector<16xi32>
        %gather3A_275 = tpu.vector_load_idx %arg9[%broadcast_in_dim3A_274, %min3A_83] : memref<64x1536xf32, #tpu.memory_space<vmem>>[vector<16xi32>, vector<16xi32>], vector<16xf32>,
        %get3A_276 = arith.constant 18 : i32
        %get3A_277 = arith.index_cast %get3A_276 : i32 to index
        %get3A_278 = arith.index_cast %mul3A_29 : i32 to index
        %get3A_279 = tpu.vector_load %arg8[%get3A_277, %get3A_278] {strides = array<i32>} : memref<64x128xf32, #tpu.memory_space<vmem>>, vector<16xf32>,
        %sub3A_280 = arith.subf %get3A_279, %gather3A_275 : vector<16xf32>
        %mul3A_281 = arith.mulf %sub3A_280, %sub3A_280 : vector<16xf32>
        %add3A_282 = arith.addf %add3A_242, %mul3A_281 : vector<16xf32>
        %broadcast_in_dim3A_283 = arith.constant 19 : i32
        %broadcast_in_dim3A_284 = vector.broadcast %broadcast_in_dim3A_283 : i32 to vector<16xi32>
        %gather3A_285 = tpu.vector_load_idx %arg9[%broadcast_in_dim3A_284, %min3A_83] : memref<64x1536xf32, #tpu.memory_space<vmem>>[vector<16xi32>, vector<16xi32>], vector<16xf32>,
        %get3A_286 = arith.constant 19 : i32
        %get3A_287 = arith.index_cast %get3A_286 : i32 to index
        %get3A_288 = arith.index_cast %mul3A_29 : i32 to index
        %get3A_289 = tpu.vector_load %arg8[%get3A_287, %get3A_288] {strides = array<i32>} : memref<64x128xf32, #tpu.memory_space<vmem>>, vector<16xf32>,
        %sub3A_290 = arith.subf %get3A_289, %gather3A_285 : vector<16xf32>
        %mul3A_291 = arith.mulf %sub3A_290, %sub3A_290 : vector<16xf32>
        %add3A_292 = arith.addf %add3A_252, %mul3A_291 : vector<16xf32>
        %broadcast_in_dim3A_293 = arith.constant 20 : i32
        %broadcast_in_dim3A_294 = vector.broadcast %broadcast_in_dim3A_293 : i32 to vector<16xi32>
        %gather3A_295 = tpu.vector_load_idx %arg9[%broadcast_in_dim3A_294, %min3A_83] : memref<64x1536xf32, #tpu.memory_space<vmem>>[vector<16xi32>, vector<16xi32>], vector<16xf32>,
        %get3A_296 = arith.constant 20 : i32
        %get3A_297 = arith.index_cast %get3A_296 : i32 to index
        %get3A_298 = arith.index_cast %mul3A_29 : i32 to index
        %get3A_299 = tpu.vector_load %arg8[%get3A_297, %get3A_298] {strides = array<i32>} : memref<64x128xf32, #tpu.memory_space<vmem>>, vector<16xf32>,
        %sub3A_300 = arith.subf %get3A_299, %gather3A_295 : vector<16xf32>
        %mul3A_301 = arith.mulf %sub3A_300, %sub3A_300 : vector<16xf32>
        %add3A_302 = arith.addf %add3A_262, %mul3A_301 : vector<16xf32>
        %broadcast_in_dim3A_303 = arith.constant 21 : i32
        %broadcast_in_dim3A_304 = vector.broadcast %broadcast_in_dim3A_303 : i32 to vector<16xi32>
        %gather3A_305 = tpu.vector_load_idx %arg9[%broadcast_in_dim3A_304, %min3A_83] : memref<64x1536xf32, #tpu.memory_space<vmem>>[vector<16xi32>, vector<16xi32>], vector<16xf32>,
        %get3A_306 = arith.constant 21 : i32
        %get3A_307 = arith.index_cast %get3A_306 : i32 to index
        %get3A_308 = arith.index_cast %mul3A_29 : i32 to index
        %get3A_309 = tpu.vector_load %arg8[%get3A_307, %get3A_308] {strides = array<i32>} : memref<64x128xf32, #tpu.memory_space<vmem>>, vector<16xf32>,
        %sub3A_310 = arith.subf %get3A_309, %gather3A_305 : vector<16xf32>
        %mul3A_311 = arith.mulf %sub3A_310, %sub3A_310 : vector<16xf32>
        %add3A_312 = arith.addf %add3A_272, %mul3A_311 : vector<16xf32>
        %broadcast_in_dim3A_313 = arith.constant 22 : i32
        %broadcast_in_dim3A_314 = vector.broadcast %broadcast_in_dim3A_313 : i32 to vector<16xi32>
        %gather3A_315 = tpu.vector_load_idx %arg9[%broadcast_in_dim3A_314, %min3A_83] : memref<64x1536xf32, #tpu.memory_space<vmem>>[vector<16xi32>, vector<16xi32>], vector<16xf32>,
        %get3A_316 = arith.constant 22 : i32
        %get3A_317 = arith.index_cast %get3A_316 : i32 to index
        %get3A_318 = arith.index_cast %mul3A_29 : i32 to index
        %get3A_319 = tpu.vector_load %arg8[%get3A_317, %get3A_318] {strides = array<i32>} : memref<64x128xf32, #tpu.memory_space<vmem>>, vector<16xf32>,
        %sub3A_320 = arith.subf %get3A_319, %gather3A_315 : vector<16xf32>
        %mul3A_321 = arith.mulf %sub3A_320, %sub3A_320 : vector<16xf32>
        %add3A_322 = arith.addf %add3A_282, %mul3A_321 : vector<16xf32>
        %broadcast_in_dim3A_323 = arith.constant 23 : i32
        %broadcast_in_dim3A_324 = vector.broadcast %broadcast_in_dim3A_323 : i32 to vector<16xi32>
        %gather3A_325 = tpu.vector_load_idx %arg9[%broadcast_in_dim3A_324, %min3A_83] : memref<64x1536xf32, #tpu.memory_space<vmem>>[vector<16xi32>, vector<16xi32>], vector<16xf32>,
        %get3A_326 = arith.constant 23 : i32
        %get3A_327 = arith.index_cast %get3A_326 : i32 to index
        %get3A_328 = arith.index_cast %mul3A_29 : i32 to index
        %get3A_329 = tpu.vector_load %arg8[%get3A_327, %get3A_328] {strides = array<i32>} : memref<64x128xf32, #tpu.memory_space<vmem>>, vector<16xf32>,
        %sub3A_330 = arith.subf %get3A_329, %gather3A_325 : vector<16xf32>
        %mul3A_331 = arith.mulf %sub3A_330, %sub3A_330 : vector<16xf32>
        %add3A_332 = arith.addf %add3A_292, %mul3A_331 : vector<16xf32>
        %broadcast_in_dim3A_333 = arith.constant 24 : i32
        %broadcast_in_dim3A_334 = vector.broadcast %broadcast_in_dim3A_333 : i32 to vector<16xi32>
        %gather3A_335 = tpu.vector_load_idx %arg9[%broadcast_in_dim3A_334, %min3A_83] : memref<64x1536xf32, #tpu.memory_space<vmem>>[vector<16xi32>, vector<16xi32>], vector<16xf32>,
        %get3A_336 = arith.constant 24 : i32
        %get3A_337 = arith.index_cast %get3A_336 : i32 to index
        %get3A_338 = arith.index_cast %mul3A_29 : i32 to index
        %get3A_339 = tpu.vector_load %arg8[%get3A_337, %get3A_338] {strides = array<i32>} : memref<64x128xf32, #tpu.memory_space<vmem>>, vector<16xf32>,
        %sub3A_340 = arith.subf %get3A_339, %gather3A_335 : vector<16xf32>
        %mul3A_341 = arith.mulf %sub3A_340, %sub3A_340 : vector<16xf32>
        %add3A_342 = arith.addf %add3A_302, %mul3A_341 : vector<16xf32>
        %broadcast_in_dim3A_343 = arith.constant 25 : i32
        %broadcast_in_dim3A_344 = vector.broadcast %broadcast_in_dim3A_343 : i32 to vector<16xi32>
        %gather3A_345 = tpu.vector_load_idx %arg9[%broadcast_in_dim3A_344, %min3A_83] : memref<64x1536xf32, #tpu.memory_space<vmem>>[vector<16xi32>, vector<16xi32>], vector<16xf32>,
        %get3A_346 = arith.constant 25 : i32
        %get3A_347 = arith.index_cast %get3A_346 : i32 to index
        %get3A_348 = arith.index_cast %mul3A_29 : i32 to index
        %get3A_349 = tpu.vector_load %arg8[%get3A_347, %get3A_348] {strides = array<i32>} : memref<64x128xf32, #tpu.memory_space<vmem>>, vector<16xf32>,
        %sub3A_350 = arith.subf %get3A_349, %gather3A_345 : vector<16xf32>
        %mul3A_351 = arith.mulf %sub3A_350, %sub3A_350 : vector<16xf32>
        %add3A_352 = arith.addf %add3A_312, %mul3A_351 : vector<16xf32>
        %broadcast_in_dim3A_353 = arith.constant 26 : i32
        %broadcast_in_dim3A_354 = vector.broadcast %broadcast_in_dim3A_353 : i32 to vector<16xi32>
        %gather3A_355 = tpu.vector_load_idx %arg9[%broadcast_in_dim3A_354, %min3A_83] : memref<64x1536xf32, #tpu.memory_space<vmem>>[vector<16xi32>, vector<16xi32>], vector<16xf32>,
        %get3A_356 = arith.constant 26 : i32
        %get3A_357 = arith.index_cast %get3A_356 : i32 to index
        %get3A_358 = arith.index_cast %mul3A_29 : i32 to index
        %get3A_359 = tpu.vector_load %arg8[%get3A_357, %get3A_358] {strides = array<i32>} : memref<64x128xf32, #tpu.memory_space<vmem>>, vector<16xf32>,
        %sub3A_360 = arith.subf %get3A_359, %gather3A_355 : vector<16xf32>
        %mul3A_361 = arith.mulf %sub3A_360, %sub3A_360 : vector<16xf32>
        %add3A_362 = arith.addf %add3A_322, %mul3A_361 : vector<16xf32>
        %broadcast_in_dim3A_363 = arith.constant 27 : i32
        %broadcast_in_dim3A_364 = vector.broadcast %broadcast_in_dim3A_363 : i32 to vector<16xi32>
        %gather3A_365 = tpu.vector_load_idx %arg9[%broadcast_in_dim3A_364, %min3A_83] : memref<64x1536xf32, #tpu.memory_space<vmem>>[vector<16xi32>, vector<16xi32>], vector<16xf32>,
        %get3A_366 = arith.constant 27 : i32
        %get3A_367 = arith.index_cast %get3A_366 : i32 to index
        %get3A_368 = arith.index_cast %mul3A_29 : i32 to index
        %get3A_369 = tpu.vector_load %arg8[%get3A_367, %get3A_368] {strides = array<i32>} : memref<64x128xf32, #tpu.memory_space<vmem>>, vector<16xf32>,
        %sub3A_370 = arith.subf %get3A_369, %gather3A_365 : vector<16xf32>
        %mul3A_371 = arith.mulf %sub3A_370, %sub3A_370 : vector<16xf32>
        %add3A_372 = arith.addf %add3A_332, %mul3A_371 : vector<16xf32>
        %broadcast_in_dim3A_373 = arith.constant 28 : i32
        %broadcast_in_dim3A_374 = vector.broadcast %broadcast_in_dim3A_373 : i32 to vector<16xi32>
        %gather3A_375 = tpu.vector_load_idx %arg9[%broadcast_in_dim3A_374, %min3A_83] : memref<64x1536xf32, #tpu.memory_space<vmem>>[vector<16xi32>, vector<16xi32>], vector<16xf32>,
        %get3A_376 = arith.constant 28 : i32
        %get3A_377 = arith.index_cast %get3A_376 : i32 to index
        %get3A_378 = arith.index_cast %mul3A_29 : i32 to index
        %get3A_379 = tpu.vector_load %arg8[%get3A_377, %get3A_378] {strides = array<i32>} : memref<64x128xf32, #tpu.memory_space<vmem>>, vector<16xf32>,
        %sub3A_380 = arith.subf %get3A_379, %gather3A_375 : vector<16xf32>
        %mul3A_381 = arith.mulf %sub3A_380, %sub3A_380 : vector<16xf32>
        %add3A_382 = arith.addf %add3A_342, %mul3A_381 : vector<16xf32>
        %broadcast_in_dim3A_383 = arith.constant 29 : i32
        %broadcast_in_dim3A_384 = vector.broadcast %broadcast_in_dim3A_383 : i32 to vector<16xi32>
        %gather3A_385 = tpu.vector_load_idx %arg9[%broadcast_in_dim3A_384, %min3A_83] : memref<64x1536xf32, #tpu.memory_space<vmem>>[vector<16xi32>, vector<16xi32>], vector<16xf32>,
        %get3A_386 = arith.constant 29 : i32
        %get3A_387 = arith.index_cast %get3A_386 : i32 to index
        %get3A_388 = arith.index_cast %mul3A_29 : i32 to index
        %get3A_389 = tpu.vector_load %arg8[%get3A_387, %get3A_388] {strides = array<i32>} : memref<64x128xf32, #tpu.memory_space<vmem>>, vector<16xf32>,
        %sub3A_390 = arith.subf %get3A_389, %gather3A_385 : vector<16xf32>
        %mul3A_391 = arith.mulf %sub3A_390, %sub3A_390 : vector<16xf32>
        %add3A_392 = arith.addf %add3A_352, %mul3A_391 : vector<16xf32>
        %broadcast_in_dim3A_393 = arith.constant 30 : i32
        %broadcast_in_dim3A_394 = vector.broadcast %broadcast_in_dim3A_393 : i32 to vector<16xi32>
        %gather3A_395 = tpu.vector_load_idx %arg9[%broadcast_in_dim3A_394, %min3A_83] : memref<64x1536xf32, #tpu.memory_space<vmem>>[vector<16xi32>, vector<16xi32>], vector<16xf32>,
        %get3A_396 = arith.constant 30 : i32
        %get3A_397 = arith.index_cast %get3A_396 : i32 to index
        %get3A_398 = arith.index_cast %mul3A_29 : i32 to index
        %get3A_399 = tpu.vector_load %arg8[%get3A_397, %get3A_398] {strides = array<i32>} : memref<64x128xf32, #tpu.memory_space<vmem>>, vector<16xf32>,
        %sub3A_400 = arith.subf %get3A_399, %gather3A_395 : vector<16xf32>
        %mul3A_401 = arith.mulf %sub3A_400, %sub3A_400 : vector<16xf32>
        %add3A_402 = arith.addf %add3A_362, %mul3A_401 : vector<16xf32>
        %broadcast_in_dim3A_403 = arith.constant 31 : i32
        %broadcast_in_dim3A_404 = vector.broadcast %broadcast_in_dim3A_403 : i32 to vector<16xi32>
        %gather3A_405 = tpu.vector_load_idx %arg9[%broadcast_in_dim3A_404, %min3A_83] : memref<64x1536xf32, #tpu.memory_space<vmem>>[vector<16xi32>, vector<16xi32>], vector<16xf32>,
        %get3A_406 = arith.constant 31 : i32
        %get3A_407 = arith.index_cast %get3A_406 : i32 to index
        %get3A_408 = arith.index_cast %mul3A_29 : i32 to index
        %get3A_409 = tpu.vector_load %arg8[%get3A_407, %get3A_408] {strides = array<i32>} : memref<64x128xf32, #tpu.memory_space<vmem>>, vector<16xf32>,
        %sub3A_410 = arith.subf %get3A_409, %gather3A_405 : vector<16xf32>
        %mul3A_411 = arith.mulf %sub3A_410, %sub3A_410 : vector<16xf32>
        %add3A_412 = arith.addf %add3A_372, %mul3A_411 : vector<16xf32>
        %broadcast_in_dim3A_413 = arith.constant 32 : i32
        %broadcast_in_dim3A_414 = vector.broadcast %broadcast_in_dim3A_413 : i32 to vector<16xi32>
        %gather3A_415 = tpu.vector_load_idx %arg9[%broadcast_in_dim3A_414, %min3A_83] : memref<64x1536xf32, #tpu.memory_space<vmem>>[vector<16xi32>, vector<16xi32>], vector<16xf32>,
        %get3A_416 = arith.constant 32 : i32
        %get3A_417 = arith.index_cast %get3A_416 : i32 to index
        %get3A_418 = arith.index_cast %mul3A_29 : i32 to index
        %get3A_419 = tpu.vector_load %arg8[%get3A_417, %get3A_418] {strides = array<i32>} : memref<64x128xf32, #tpu.memory_space<vmem>>, vector<16xf32>,
        %sub3A_420 = arith.subf %get3A_419, %gather3A_415 : vector<16xf32>
        %mul3A_421 = arith.mulf %sub3A_420, %sub3A_420 : vector<16xf32>
        %add3A_422 = arith.addf %add3A_382, %mul3A_421 : vector<16xf32>
        %broadcast_in_dim3A_423 = arith.constant 33 : i32
        %broadcast_in_dim3A_424 = vector.broadcast %broadcast_in_dim3A_423 : i32 to vector<16xi32>
        %gather3A_425 = tpu.vector_load_idx %arg9[%broadcast_in_dim3A_424, %min3A_83] : memref<64x1536xf32, #tpu.memory_space<vmem>>[vector<16xi32>, vector<16xi32>], vector<16xf32>,
        %get3A_426 = arith.constant 33 : i32
        %get3A_427 = arith.index_cast %get3A_426 : i32 to index
        %get3A_428 = arith.index_cast %mul3A_29 : i32 to index
        %get3A_429 = tpu.vector_load %arg8[%get3A_427, %get3A_428] {strides = array<i32>} : memref<64x128xf32, #tpu.memory_space<vmem>>, vector<16xf32>,
        %sub3A_430 = arith.subf %get3A_429, %gather3A_425 : vector<16xf32>
        %mul3A_431 = arith.mulf %sub3A_430, %sub3A_430 : vector<16xf32>
        %add3A_432 = arith.addf %add3A_392, %mul3A_431 : vector<16xf32>
        %broadcast_in_dim3A_433 = arith.constant 34 : i32
        %broadcast_in_dim3A_434 = vector.broadcast %broadcast_in_dim3A_433 : i32 to vector<16xi32>
        %gather3A_435 = tpu.vector_load_idx %arg9[%broadcast_in_dim3A_434, %min3A_83] : memref<64x1536xf32, #tpu.memory_space<vmem>>[vector<16xi32>, vector<16xi32>], vector<16xf32>,
        %get3A_436 = arith.constant 34 : i32
        %get3A_437 = arith.index_cast %get3A_436 : i32 to index
        %get3A_438 = arith.index_cast %mul3A_29 : i32 to index
        %get3A_439 = tpu.vector_load %arg8[%get3A_437, %get3A_438] {strides = array<i32>} : memref<64x128xf32, #tpu.memory_space<vmem>>, vector<16xf32>,
        %sub3A_440 = arith.subf %get3A_439, %gather3A_435 : vector<16xf32>
        %mul3A_441 = arith.mulf %sub3A_440, %sub3A_440 : vector<16xf32>
        %add3A_442 = arith.addf %add3A_402, %mul3A_441 : vector<16xf32>
        %broadcast_in_dim3A_443 = arith.constant 35 : i32
        %broadcast_in_dim3A_444 = vector.broadcast %broadcast_in_dim3A_443 : i32 to vector<16xi32>
        %gather3A_445 = tpu.vector_load_idx %arg9[%broadcast_in_dim3A_444, %min3A_83] : memref<64x1536xf32, #tpu.memory_space<vmem>>[vector<16xi32>, vector<16xi32>], vector<16xf32>,
        %get3A_446 = arith.constant 35 : i32
        %get3A_447 = arith.index_cast %get3A_446 : i32 to index
        %get3A_448 = arith.index_cast %mul3A_29 : i32 to index
        %get3A_449 = tpu.vector_load %arg8[%get3A_447, %get3A_448] {strides = array<i32>} : memref<64x128xf32, #tpu.memory_space<vmem>>, vector<16xf32>,
        %sub3A_450 = arith.subf %get3A_449, %gather3A_445 : vector<16xf32>
        %mul3A_451 = arith.mulf %sub3A_450, %sub3A_450 : vector<16xf32>
        %add3A_452 = arith.addf %add3A_412, %mul3A_451 : vector<16xf32>
        %broadcast_in_dim3A_453 = arith.constant 36 : i32
        %broadcast_in_dim3A_454 = vector.broadcast %broadcast_in_dim3A_453 : i32 to vector<16xi32>
        %gather3A_455 = tpu.vector_load_idx %arg9[%broadcast_in_dim3A_454, %min3A_83] : memref<64x1536xf32, #tpu.memory_space<vmem>>[vector<16xi32>, vector<16xi32>], vector<16xf32>,
        %get3A_456 = arith.constant 36 : i32
        %get3A_457 = arith.index_cast %get3A_456 : i32 to index
        %get3A_458 = arith.index_cast %mul3A_29 : i32 to index
        %get3A_459 = tpu.vector_load %arg8[%get3A_457, %get3A_458] {strides = array<i32>} : memref<64x128xf32, #tpu.memory_space<vmem>>, vector<16xf32>,
        %sub3A_460 = arith.subf %get3A_459, %gather3A_455 : vector<16xf32>
        %mul3A_461 = arith.mulf %sub3A_460, %sub3A_460 : vector<16xf32>
        %add3A_462 = arith.addf %add3A_422, %mul3A_461 : vector<16xf32>
        %broadcast_in_dim3A_463 = arith.constant 37 : i32
        %broadcast_in_dim3A_464 = vector.broadcast %broadcast_in_dim3A_463 : i32 to vector<16xi32>
        %gather3A_465 = tpu.vector_load_idx %arg9[%broadcast_in_dim3A_464, %min3A_83] : memref<64x1536xf32, #tpu.memory_space<vmem>>[vector<16xi32>, vector<16xi32>], vector<16xf32>,
        %get3A_466 = arith.constant 37 : i32
        %get3A_467 = arith.index_cast %get3A_466 : i32 to index
        %get3A_468 = arith.index_cast %mul3A_29 : i32 to index
        %get3A_469 = tpu.vector_load %arg8[%get3A_467, %get3A_468] {strides = array<i32>} : memref<64x128xf32, #tpu.memory_space<vmem>>, vector<16xf32>,
        %sub3A_470 = arith.subf %get3A_469, %gather3A_465 : vector<16xf32>
        %mul3A_471 = arith.mulf %sub3A_470, %sub3A_470 : vector<16xf32>
        %add3A_472 = arith.addf %add3A_432, %mul3A_471 : vector<16xf32>
        %broadcast_in_dim3A_473 = arith.constant 38 : i32
        %broadcast_in_dim3A_474 = vector.broadcast %broadcast_in_dim3A_473 : i32 to vector<16xi32>
        %gather3A_475 = tpu.vector_load_idx %arg9[%broadcast_in_dim3A_474, %min3A_83] : memref<64x1536xf32, #tpu.memory_space<vmem>>[vector<16xi32>, vector<16xi32>], vector<16xf32>,
        %get3A_476 = arith.constant 38 : i32
        %get3A_477 = arith.index_cast %get3A_476 : i32 to index
        %get3A_478 = arith.index_cast %mul3A_29 : i32 to index
        %get3A_479 = tpu.vector_load %arg8[%get3A_477, %get3A_478] {strides = array<i32>} : memref<64x128xf32, #tpu.memory_space<vmem>>, vector<16xf32>,
        %sub3A_480 = arith.subf %get3A_479, %gather3A_475 : vector<16xf32>
        %mul3A_481 = arith.mulf %sub3A_480, %sub3A_480 : vector<16xf32>
        %add3A_482 = arith.addf %add3A_442, %mul3A_481 : vector<16xf32>
        %broadcast_in_dim3A_483 = arith.constant 39 : i32
        %broadcast_in_dim3A_484 = vector.broadcast %broadcast_in_dim3A_483 : i32 to vector<16xi32>
        %gather3A_485 = tpu.vector_load_idx %arg9[%broadcast_in_dim3A_484, %min3A_83] : memref<64x1536xf32, #tpu.memory_space<vmem>>[vector<16xi32>, vector<16xi32>], vector<16xf32>,
        %get3A_486 = arith.constant 39 : i32
        %get3A_487 = arith.index_cast %get3A_486 : i32 to index
        %get3A_488 = arith.index_cast %mul3A_29 : i32 to index
        %get3A_489 = tpu.vector_load %arg8[%get3A_487, %get3A_488] {strides = array<i32>} : memref<64x128xf32, #tpu.memory_space<vmem>>, vector<16xf32>,
        %sub3A_490 = arith.subf %get3A_489, %gather3A_485 : vector<16xf32>
        %mul3A_491 = arith.mulf %sub3A_490, %sub3A_490 : vector<16xf32>
        %add3A_492 = arith.addf %add3A_452, %mul3A_491 : vector<16xf32>
        %broadcast_in_dim3A_493 = arith.constant 40 : i32
        %broadcast_in_dim3A_494 = vector.broadcast %broadcast_in_dim3A_493 : i32 to vector<16xi32>
        %gather3A_495 = tpu.vector_load_idx %arg9[%broadcast_in_dim3A_494, %min3A_83] : memref<64x1536xf32, #tpu.memory_space<vmem>>[vector<16xi32>, vector<16xi32>], vector<16xf32>,
        %get3A_496 = arith.constant 40 : i32
        %get3A_497 = arith.index_cast %get3A_496 : i32 to index
        %get3A_498 = arith.index_cast %mul3A_29 : i32 to index
        %get3A_499 = tpu.vector_load %arg8[%get3A_497, %get3A_498] {strides = array<i32>} : memref<64x128xf32, #tpu.memory_space<vmem>>, vector<16xf32>,
        %sub3A_500 = arith.subf %get3A_499, %gather3A_495 : vector<16xf32>
        %mul3A_501 = arith.mulf %sub3A_500, %sub3A_500 : vector<16xf32>
        %add3A_502 = arith.addf %add3A_462, %mul3A_501 : vector<16xf32>
        %broadcast_in_dim3A_503 = arith.constant 41 : i32
        %broadcast_in_dim3A_504 = vector.broadcast %broadcast_in_dim3A_503 : i32 to vector<16xi32>
        %gather3A_505 = tpu.vector_load_idx %arg9[%broadcast_in_dim3A_504, %min3A_83] : memref<64x1536xf32, #tpu.memory_space<vmem>>[vector<16xi32>, vector<16xi32>], vector<16xf32>,
        %get3A_506 = arith.constant 41 : i32
        %get3A_507 = arith.index_cast %get3A_506 : i32 to index
        %get3A_508 = arith.index_cast %mul3A_29 : i32 to index
        %get3A_509 = tpu.vector_load %arg8[%get3A_507, %get3A_508] {strides = array<i32>} : memref<64x128xf32, #tpu.memory_space<vmem>>, vector<16xf32>,
        %sub3A_510 = arith.subf %get3A_509, %gather3A_505 : vector<16xf32>
        %mul3A_511 = arith.mulf %sub3A_510, %sub3A_510 : vector<16xf32>
        %add3A_512 = arith.addf %add3A_472, %mul3A_511 : vector<16xf32>
        %broadcast_in_dim3A_513 = arith.constant 42 : i32
        %broadcast_in_dim3A_514 = vector.broadcast %broadcast_in_dim3A_513 : i32 to vector<16xi32>
        %gather3A_515 = tpu.vector_load_idx %arg9[%broadcast_in_dim3A_514, %min3A_83] : memref<64x1536xf32, #tpu.memory_space<vmem>>[vector<16xi32>, vector<16xi32>], vector<16xf32>,
        %get3A_516 = arith.constant 42 : i32
        %get3A_517 = arith.index_cast %get3A_516 : i32 to index
        %get3A_518 = arith.index_cast %mul3A_29 : i32 to index
        %get3A_519 = tpu.vector_load %arg8[%get3A_517, %get3A_518] {strides = array<i32>} : memref<64x128xf32, #tpu.memory_space<vmem>>, vector<16xf32>,
        %sub3A_520 = arith.subf %get3A_519, %gather3A_515 : vector<16xf32>
        %mul3A_521 = arith.mulf %sub3A_520, %sub3A_520 : vector<16xf32>
        %add3A_522 = arith.addf %add3A_482, %mul3A_521 : vector<16xf32>
        %broadcast_in_dim3A_523 = arith.constant 43 : i32
        %broadcast_in_dim3A_524 = vector.broadcast %broadcast_in_dim3A_523 : i32 to vector<16xi32>
        %gather3A_525 = tpu.vector_load_idx %arg9[%broadcast_in_dim3A_524, %min3A_83] : memref<64x1536xf32, #tpu.memory_space<vmem>>[vector<16xi32>, vector<16xi32>], vector<16xf32>,
        %get3A_526 = arith.constant 43 : i32
        %get3A_527 = arith.index_cast %get3A_526 : i32 to index
        %get3A_528 = arith.index_cast %mul3A_29 : i32 to index
        %get3A_529 = tpu.vector_load %arg8[%get3A_527, %get3A_528] {strides = array<i32>} : memref<64x128xf32, #tpu.memory_space<vmem>>, vector<16xf32>,
        %sub3A_530 = arith.subf %get3A_529, %gather3A_525 : vector<16xf32>
        %mul3A_531 = arith.mulf %sub3A_530, %sub3A_530 : vector<16xf32>
        %add3A_532 = arith.addf %add3A_492, %mul3A_531 : vector<16xf32>
        %broadcast_in_dim3A_533 = arith.constant 44 : i32
        %broadcast_in_dim3A_534 = vector.broadcast %broadcast_in_dim3A_533 : i32 to vector<16xi32>
        %gather3A_535 = tpu.vector_load_idx %arg9[%broadcast_in_dim3A_534, %min3A_83] : memref<64x1536xf32, #tpu.memory_space<vmem>>[vector<16xi32>, vector<16xi32>], vector<16xf32>,
        %get3A_536 = arith.constant 44 : i32
        %get3A_537 = arith.index_cast %get3A_536 : i32 to index
        %get3A_538 = arith.index_cast %mul3A_29 : i32 to index
        %get3A_539 = tpu.vector_load %arg8[%get3A_537, %get3A_538] {strides = array<i32>} : memref<64x128xf32, #tpu.memory_space<vmem>>, vector<16xf32>,
        %sub3A_540 = arith.subf %get3A_539, %gather3A_535 : vector<16xf32>
        %mul3A_541 = arith.mulf %sub3A_540, %sub3A_540 : vector<16xf32>
        %add3A_542 = arith.addf %add3A_502, %mul3A_541 : vector<16xf32>
        %broadcast_in_dim3A_543 = arith.constant 45 : i32
        %broadcast_in_dim3A_544 = vector.broadcast %broadcast_in_dim3A_543 : i32 to vector<16xi32>
        %gather3A_545 = tpu.vector_load_idx %arg9[%broadcast_in_dim3A_544, %min3A_83] : memref<64x1536xf32, #tpu.memory_space<vmem>>[vector<16xi32>, vector<16xi32>], vector<16xf32>,
        %get3A_546 = arith.constant 45 : i32
        %get3A_547 = arith.index_cast %get3A_546 : i32 to index
        %get3A_548 = arith.index_cast %mul3A_29 : i32 to index
        %get3A_549 = tpu.vector_load %arg8[%get3A_547, %get3A_548] {strides = array<i32>} : memref<64x128xf32, #tpu.memory_space<vmem>>, vector<16xf32>,
        %sub3A_550 = arith.subf %get3A_549, %gather3A_545 : vector<16xf32>
        %mul3A_551 = arith.mulf %sub3A_550, %sub3A_550 : vector<16xf32>
        %add3A_552 = arith.addf %add3A_512, %mul3A_551 : vector<16xf32>
        %broadcast_in_dim3A_553 = arith.constant 46 : i32
        %broadcast_in_dim3A_554 = vector.broadcast %broadcast_in_dim3A_553 : i32 to vector<16xi32>
        %gather3A_555 = tpu.vector_load_idx %arg9[%broadcast_in_dim3A_554, %min3A_83] : memref<64x1536xf32, #tpu.memory_space<vmem>>[vector<16xi32>, vector<16xi32>], vector<16xf32>,
        %get3A_556 = arith.constant 46 : i32
        %get3A_557 = arith.index_cast %get3A_556 : i32 to index
        %get3A_558 = arith.index_cast %mul3A_29 : i32 to index
        %get3A_559 = tpu.vector_load %arg8[%get3A_557, %get3A_558] {strides = array<i32>} : memref<64x128xf32, #tpu.memory_space<vmem>>, vector<16xf32>,
        %sub3A_560 = arith.subf %get3A_559, %gather3A_555 : vector<16xf32>
        %mul3A_561 = arith.mulf %sub3A_560, %sub3A_560 : vector<16xf32>
        %add3A_562 = arith.addf %add3A_522, %mul3A_561 : vector<16xf32>
        %broadcast_in_dim3A_563 = arith.constant 47 : i32
        %broadcast_in_dim3A_564 = vector.broadcast %broadcast_in_dim3A_563 : i32 to vector<16xi32>
        %gather3A_565 = tpu.vector_load_idx %arg9[%broadcast_in_dim3A_564, %min3A_83] : memref<64x1536xf32, #tpu.memory_space<vmem>>[vector<16xi32>, vector<16xi32>], vector<16xf32>,
        %get3A_566 = arith.constant 47 : i32
        %get3A_567 = arith.index_cast %get3A_566 : i32 to index
        %get3A_568 = arith.index_cast %mul3A_29 : i32 to index
        %get3A_569 = tpu.vector_load %arg8[%get3A_567, %get3A_568] {strides = array<i32>} : memref<64x128xf32, #tpu.memory_space<vmem>>, vector<16xf32>,
        %sub3A_570 = arith.subf %get3A_569, %gather3A_565 : vector<16xf32>
        %mul3A_571 = arith.mulf %sub3A_570, %sub3A_570 : vector<16xf32>
        %add3A_572 = arith.addf %add3A_532, %mul3A_571 : vector<16xf32>
        %broadcast_in_dim3A_573 = arith.constant 48 : i32
        %broadcast_in_dim3A_574 = vector.broadcast %broadcast_in_dim3A_573 : i32 to vector<16xi32>
        %gather3A_575 = tpu.vector_load_idx %arg9[%broadcast_in_dim3A_574, %min3A_83] : memref<64x1536xf32, #tpu.memory_space<vmem>>[vector<16xi32>, vector<16xi32>], vector<16xf32>,
        %get3A_576 = arith.constant 48 : i32
        %get3A_577 = arith.index_cast %get3A_576 : i32 to index
        %get3A_578 = arith.index_cast %mul3A_29 : i32 to index
        %get3A_579 = tpu.vector_load %arg8[%get3A_577, %get3A_578] {strides = array<i32>} : memref<64x128xf32, #tpu.memory_space<vmem>>, vector<16xf32>,
        %sub3A_580 = arith.subf %get3A_579, %gather3A_575 : vector<16xf32>
        %mul3A_581 = arith.mulf %sub3A_580, %sub3A_580 : vector<16xf32>
        %add3A_582 = arith.addf %add3A_542, %mul3A_581 : vector<16xf32>
        %broadcast_in_dim3A_583 = arith.constant 49 : i32
        %broadcast_in_dim3A_584 = vector.broadcast %broadcast_in_dim3A_583 : i32 to vector<16xi32>
        %gather3A_585 = tpu.vector_load_idx %arg9[%broadcast_in_dim3A_584, %min3A_83] : memref<64x1536xf32, #tpu.memory_space<vmem>>[vector<16xi32>, vector<16xi32>], vector<16xf32>,
        %get3A_586 = arith.constant 49 : i32
        %get3A_587 = arith.index_cast %get3A_586 : i32 to index
        %get3A_588 = arith.index_cast %mul3A_29 : i32 to index
        %get3A_589 = tpu.vector_load %arg8[%get3A_587, %get3A_588] {strides = array<i32>} : memref<64x128xf32, #tpu.memory_space<vmem>>, vector<16xf32>,
        %sub3A_590 = arith.subf %get3A_589, %gather3A_585 : vector<16xf32>
        %mul3A_591 = arith.mulf %sub3A_590, %sub3A_590 : vector<16xf32>
        %add3A_592 = arith.addf %add3A_552, %mul3A_591 : vector<16xf32>
        %broadcast_in_dim3A_593 = arith.constant 50 : i32
        %broadcast_in_dim3A_594 = vector.broadcast %broadcast_in_dim3A_593 : i32 to vector<16xi32>
        %gather3A_595 = tpu.vector_load_idx %arg9[%broadcast_in_dim3A_594, %min3A_83] : memref<64x1536xf32, #tpu.memory_space<vmem>>[vector<16xi32>, vector<16xi32>], vector<16xf32>,
        %get3A_596 = arith.constant 50 : i32
        %get3A_597 = arith.index_cast %get3A_596 : i32 to index
        %get3A_598 = arith.index_cast %mul3A_29 : i32 to index
        %get3A_599 = tpu.vector_load %arg8[%get3A_597, %get3A_598] {strides = array<i32>} : memref<64x128xf32, #tpu.memory_space<vmem>>, vector<16xf32>,
        %sub3A_600 = arith.subf %get3A_599, %gather3A_595 : vector<16xf32>
        %mul3A_601 = arith.mulf %sub3A_600, %sub3A_600 : vector<16xf32>
        %add3A_602 = arith.addf %add3A_562, %mul3A_601 : vector<16xf32>
        %broadcast_in_dim3A_603 = arith.constant 51 : i32
        %broadcast_in_dim3A_604 = vector.broadcast %broadcast_in_dim3A_603 : i32 to vector<16xi32>
        %gather3A_605 = tpu.vector_load_idx %arg9[%broadcast_in_dim3A_604, %min3A_83] : memref<64x1536xf32, #tpu.memory_space<vmem>>[vector<16xi32>, vector<16xi32>], vector<16xf32>,
        %get3A_606 = arith.constant 51 : i32
        %get3A_607 = arith.index_cast %get3A_606 : i32 to index
        %get3A_608 = arith.index_cast %mul3A_29 : i32 to index
        %get3A_609 = tpu.vector_load %arg8[%get3A_607, %get3A_608] {strides = array<i32>} : memref<64x128xf32, #tpu.memory_space<vmem>>, vector<16xf32>,
        %sub3A_610 = arith.subf %get3A_609, %gather3A_605 : vector<16xf32>
        %mul3A_611 = arith.mulf %sub3A_610, %sub3A_610 : vector<16xf32>
        %add3A_612 = arith.addf %add3A_572, %mul3A_611 : vector<16xf32>
        %broadcast_in_dim3A_613 = arith.constant 52 : i32
        %broadcast_in_dim3A_614 = vector.broadcast %broadcast_in_dim3A_613 : i32 to vector<16xi32>
        %gather3A_615 = tpu.vector_load_idx %arg9[%broadcast_in_dim3A_614, %min3A_83] : memref<64x1536xf32, #tpu.memory_space<vmem>>[vector<16xi32>, vector<16xi32>], vector<16xf32>,
        %get3A_616 = arith.constant 52 : i32
        %get3A_617 = arith.index_cast %get3A_616 : i32 to index
        %get3A_618 = arith.index_cast %mul3A_29 : i32 to index
        %get3A_619 = tpu.vector_load %arg8[%get3A_617, %get3A_618] {strides = array<i32>} : memref<64x128xf32, #tpu.memory_space<vmem>>, vector<16xf32>,
        %sub3A_620 = arith.subf %get3A_619, %gather3A_615 : vector<16xf32>
        %mul3A_621 = arith.mulf %sub3A_620, %sub3A_620 : vector<16xf32>
        %add3A_622 = arith.addf %add3A_582, %mul3A_621 : vector<16xf32>
        %broadcast_in_dim3A_623 = arith.constant 53 : i32
        %broadcast_in_dim3A_624 = vector.broadcast %broadcast_in_dim3A_623 : i32 to vector<16xi32>
        %gather3A_625 = tpu.vector_load_idx %arg9[%broadcast_in_dim3A_624, %min3A_83] : memref<64x1536xf32, #tpu.memory_space<vmem>>[vector<16xi32>, vector<16xi32>], vector<16xf32>,
        %get3A_626 = arith.constant 53 : i32
        %get3A_627 = arith.index_cast %get3A_626 : i32 to index
        %get3A_628 = arith.index_cast %mul3A_29 : i32 to index
        %get3A_629 = tpu.vector_load %arg8[%get3A_627, %get3A_628] {strides = array<i32>} : memref<64x128xf32, #tpu.memory_space<vmem>>, vector<16xf32>,
        %sub3A_630 = arith.subf %get3A_629, %gather3A_625 : vector<16xf32>
        %mul3A_631 = arith.mulf %sub3A_630, %sub3A_630 : vector<16xf32>
        %add3A_632 = arith.addf %add3A_592, %mul3A_631 : vector<16xf32>
        %broadcast_in_dim3A_633 = arith.constant 54 : i32
        %broadcast_in_dim3A_634 = vector.broadcast %broadcast_in_dim3A_633 : i32 to vector<16xi32>
        %gather3A_635 = tpu.vector_load_idx %arg9[%broadcast_in_dim3A_634, %min3A_83] : memref<64x1536xf32, #tpu.memory_space<vmem>>[vector<16xi32>, vector<16xi32>], vector<16xf32>,
        %get3A_636 = arith.constant 54 : i32
        %get3A_637 = arith.index_cast %get3A_636 : i32 to index
        %get3A_638 = arith.index_cast %mul3A_29 : i32 to index
        %get3A_639 = tpu.vector_load %arg8[%get3A_637, %get3A_638] {strides = array<i32>} : memref<64x128xf32, #tpu.memory_space<vmem>>, vector<16xf32>,
        %sub3A_640 = arith.subf %get3A_639, %gather3A_635 : vector<16xf32>
        %mul3A_641 = arith.mulf %sub3A_640, %sub3A_640 : vector<16xf32>
        %add3A_642 = arith.addf %add3A_602, %mul3A_641 : vector<16xf32>
        %broadcast_in_dim3A_643 = arith.constant 55 : i32
        %broadcast_in_dim3A_644 = vector.broadcast %broadcast_in_dim3A_643 : i32 to vector<16xi32>
        %gather3A_645 = tpu.vector_load_idx %arg9[%broadcast_in_dim3A_644, %min3A_83] : memref<64x1536xf32, #tpu.memory_space<vmem>>[vector<16xi32>, vector<16xi32>], vector<16xf32>,
        %get3A_646 = arith.constant 55 : i32
        %get3A_647 = arith.index_cast %get3A_646 : i32 to index
        %get3A_648 = arith.index_cast %mul3A_29 : i32 to index
        %get3A_649 = tpu.vector_load %arg8[%get3A_647, %get3A_648] {strides = array<i32>} : memref<64x128xf32, #tpu.memory_space<vmem>>, vector<16xf32>,
        %sub3A_650 = arith.subf %get3A_649, %gather3A_645 : vector<16xf32>
        %mul3A_651 = arith.mulf %sub3A_650, %sub3A_650 : vector<16xf32>
        %add3A_652 = arith.addf %add3A_612, %mul3A_651 : vector<16xf32>
        %broadcast_in_dim3A_653 = arith.constant 56 : i32
        %broadcast_in_dim3A_654 = vector.broadcast %broadcast_in_dim3A_653 : i32 to vector<16xi32>
        %gather3A_655 = tpu.vector_load_idx %arg9[%broadcast_in_dim3A_654, %min3A_83] : memref<64x1536xf32, #tpu.memory_space<vmem>>[vector<16xi32>, vector<16xi32>], vector<16xf32>,
        %get3A_656 = arith.constant 56 : i32
        %get3A_657 = arith.index_cast %get3A_656 : i32 to index
        %get3A_658 = arith.index_cast %mul3A_29 : i32 to index
        %get3A_659 = tpu.vector_load %arg8[%get3A_657, %get3A_658] {strides = array<i32>} : memref<64x128xf32, #tpu.memory_space<vmem>>, vector<16xf32>,
        %sub3A_660 = arith.subf %get3A_659, %gather3A_655 : vector<16xf32>
        %mul3A_661 = arith.mulf %sub3A_660, %sub3A_660 : vector<16xf32>
        %add3A_662 = arith.addf %add3A_622, %mul3A_661 : vector<16xf32>
        %broadcast_in_dim3A_663 = arith.constant 57 : i32
        %broadcast_in_dim3A_664 = vector.broadcast %broadcast_in_dim3A_663 : i32 to vector<16xi32>
        %gather3A_665 = tpu.vector_load_idx %arg9[%broadcast_in_dim3A_664, %min3A_83] : memref<64x1536xf32, #tpu.memory_space<vmem>>[vector<16xi32>, vector<16xi32>], vector<16xf32>,
        %get3A_666 = arith.constant 57 : i32
        %get3A_667 = arith.index_cast %get3A_666 : i32 to index
        %get3A_668 = arith.index_cast %mul3A_29 : i32 to index
        %get3A_669 = tpu.vector_load %arg8[%get3A_667, %get3A_668] {strides = array<i32>} : memref<64x128xf32, #tpu.memory_space<vmem>>, vector<16xf32>,
        %sub3A_670 = arith.subf %get3A_669, %gather3A_665 : vector<16xf32>
        %mul3A_671 = arith.mulf %sub3A_670, %sub3A_670 : vector<16xf32>
        %add3A_672 = arith.addf %add3A_632, %mul3A_671 : vector<16xf32>
        %broadcast_in_dim3A_673 = arith.constant 58 : i32
        %broadcast_in_dim3A_674 = vector.broadcast %broadcast_in_dim3A_673 : i32 to vector<16xi32>
        %gather3A_675 = tpu.vector_load_idx %arg9[%broadcast_in_dim3A_674, %min3A_83] : memref<64x1536xf32, #tpu.memory_space<vmem>>[vector<16xi32>, vector<16xi32>], vector<16xf32>,
        %get3A_676 = arith.constant 58 : i32
        %get3A_677 = arith.index_cast %get3A_676 : i32 to index
        %get3A_678 = arith.index_cast %mul3A_29 : i32 to index
        %get3A_679 = tpu.vector_load %arg8[%get3A_677, %get3A_678] {strides = array<i32>} : memref<64x128xf32, #tpu.memory_space<vmem>>, vector<16xf32>,
        %sub3A_680 = arith.subf %get3A_679, %gather3A_675 : vector<16xf32>
        %mul3A_681 = arith.mulf %sub3A_680, %sub3A_680 : vector<16xf32>
        %add3A_682 = arith.addf %add3A_642, %mul3A_681 : vector<16xf32>
        %broadcast_in_dim3A_683 = arith.constant 59 : i32
        %broadcast_in_dim3A_684 = vector.broadcast %broadcast_in_dim3A_683 : i32 to vector<16xi32>
        %gather3A_685 = tpu.vector_load_idx %arg9[%broadcast_in_dim3A_684, %min3A_83] : memref<64x1536xf32, #tpu.memory_space<vmem>>[vector<16xi32>, vector<16xi32>], vector<16xf32>,
        %get3A_686 = arith.constant 59 : i32
        %get3A_687 = arith.index_cast %get3A_686 : i32 to index
        %get3A_688 = arith.index_cast %mul3A_29 : i32 to index
        %get3A_689 = tpu.vector_load %arg8[%get3A_687, %get3A_688] {strides = array<i32>} : memref<64x128xf32, #tpu.memory_space<vmem>>, vector<16xf32>,
        %sub3A_690 = arith.subf %get3A_689, %gather3A_685 : vector<16xf32>
        %mul3A_691 = arith.mulf %sub3A_690, %sub3A_690 : vector<16xf32>
        %add3A_692 = arith.addf %add3A_652, %mul3A_691 : vector<16xf32>
        %broadcast_in_dim3A_693 = arith.constant 60 : i32
        %broadcast_in_dim3A_694 = vector.broadcast %broadcast_in_dim3A_693 : i32 to vector<16xi32>
        %gather3A_695 = tpu.vector_load_idx %arg9[%broadcast_in_dim3A_694, %min3A_83] : memref<64x1536xf32, #tpu.memory_space<vmem>>[vector<16xi32>, vector<16xi32>], vector<16xf32>,
        %get3A_696 = arith.constant 60 : i32
        %get3A_697 = arith.index_cast %get3A_696 : i32 to index
        %get3A_698 = arith.index_cast %mul3A_29 : i32 to index
        %get3A_699 = tpu.vector_load %arg8[%get3A_697, %get3A_698] {strides = array<i32>} : memref<64x128xf32, #tpu.memory_space<vmem>>, vector<16xf32>,
        %sub3A_700 = arith.subf %get3A_699, %gather3A_695 : vector<16xf32>
        %mul3A_701 = arith.mulf %sub3A_700, %sub3A_700 : vector<16xf32>
        %add3A_702 = arith.addf %add3A_662, %mul3A_701 : vector<16xf32>
        %broadcast_in_dim3A_703 = arith.constant 61 : i32
        %broadcast_in_dim3A_704 = vector.broadcast %broadcast_in_dim3A_703 : i32 to vector<16xi32>
        %gather3A_705 = tpu.vector_load_idx %arg9[%broadcast_in_dim3A_704, %min3A_83] : memref<64x1536xf32, #tpu.memory_space<vmem>>[vector<16xi32>, vector<16xi32>], vector<16xf32>,
        %get3A_706 = arith.constant 61 : i32
        %get3A_707 = arith.index_cast %get3A_706 : i32 to index
        %get3A_708 = arith.index_cast %mul3A_29 : i32 to index
        %get3A_709 = tpu.vector_load %arg8[%get3A_707, %get3A_708] {strides = array<i32>} : memref<64x128xf32, #tpu.memory_space<vmem>>, vector<16xf32>,
        %sub3A_710 = arith.subf %get3A_709, %gather3A_705 : vector<16xf32>
        %mul3A_711 = arith.mulf %sub3A_710, %sub3A_710 : vector<16xf32>
        %add3A_712 = arith.addf %add3A_672, %mul3A_711 : vector<16xf32>
        %broadcast_in_dim3A_713 = arith.constant 62 : i32
        %broadcast_in_dim3A_714 = vector.broadcast %broadcast_in_dim3A_713 : i32 to vector<16xi32>
        %gather3A_715 = tpu.vector_load_idx %arg9[%broadcast_in_dim3A_714, %min3A_83] : memref<64x1536xf32, #tpu.memory_space<vmem>>[vector<16xi32>, vector<16xi32>], vector<16xf32>,
        %get3A_716 = arith.constant 62 : i32
        %get3A_717 = arith.index_cast %get3A_716 : i32 to index
        %get3A_718 = arith.index_cast %mul3A_29 : i32 to index
        %get3A_719 = tpu.vector_load %arg8[%get3A_717, %get3A_718] {strides = array<i32>} : memref<64x128xf32, #tpu.memory_space<vmem>>, vector<16xf32>,
        %sub3A_720 = arith.subf %get3A_719, %gather3A_715 : vector<16xf32>
        %mul3A_721 = arith.mulf %sub3A_720, %sub3A_720 : vector<16xf32>
        %add3A_722 = arith.addf %add3A_682, %mul3A_721 : vector<16xf32>
        %broadcast_in_dim3A_723 = arith.constant 63 : i32
        %broadcast_in_dim3A_724 = vector.broadcast %broadcast_in_dim3A_723 : i32 to vector<16xi32>
        %gather3A_725 = tpu.vector_load_idx %arg9[%broadcast_in_dim3A_724, %min3A_83] : memref<64x1536xf32, #tpu.memory_space<vmem>>[vector<16xi32>, vector<16xi32>], vector<16xf32>,
        %get3A_726 = arith.constant 63 : i32
        %get3A_727 = arith.index_cast %get3A_726 : i32 to index
        %get3A_728 = arith.index_cast %mul3A_29 : i32 to index
        %get3A_729 = tpu.vector_load %arg8[%get3A_727, %get3A_728] {strides = array<i32>} : memref<64x128xf32, #tpu.memory_space<vmem>>, vector<16xf32>,
        %sub3A_730 = arith.subf %get3A_729, %gather3A_725 : vector<16xf32>
        %mul3A_731 = arith.mulf %sub3A_730, %sub3A_730 : vector<16xf32>
        %add3A_732 = arith.addf %add3A_692, %mul3A_731 : vector<16xf32>
        %add3A_733 = arith.addf %add3A_702, %add3A_712 : vector<16xf32>
        %add3A_734 = arith.addf %add3A_722, %add3A_732 : vector<16xf32>
        %add3A_735 = arith.addf %add3A_733, %add3A_734 : vector<16xf32>
        %jit3A_736 = arith.constant 0.000000e+00 : f32
        %broadcast_in_dim3A_737 = vector.broadcast %jit3A_736 : f32 to vector<16xf32>
        %select_n3A_738 = arith.select %and3A, %add3A_735, %broadcast_in_dim3A_737 : vector<16xi1>, vector<16xf32>
        %add3A_739 = arith.addf %get3A_85, %select_n3A_738 : vector<16xf32>
        %swap3A_740 = arith.constant 0 : index
        %swap3A_741 = tpu.vector_load %arg11[%swap3A_740] {strides = array<i32>} : memref<16xf32, #tpu.memory_space<vmem>>, vector<16xf32>,
        tpu.vector_store %arg11[%swap3A_740], %add3A_739 {strides = array<i32>} : memref<16xf32, #tpu.memory_space<vmem>>, vector<16xf32>,
        %jit3A_742 = arith.constant 1073741824 : i32
        %broadcast_in_dim3A_743 = vector.broadcast %jit3A_742 : i32 to vector<16xi32>
        %select_n3A_744 = arith.select %and3A, %broadcast_in_dim3A_743, %while3A_50 : vector<16xi1>, vector<16xi32>
        scf.yield %select_n3A_744 : vector<16xi32>
      }
      %scan3A_49 = arith.constant 0 : i32
      scf.yield %scan3A_49 : i32
    }
    %scan3A_14 = arith.constant 32 : i32
    %get3A = arith.constant 0 : index
    %get3A_15 = tpu.vector_load %arg11[%get3A] {strides = array<i32>} : memref<16xf32, #tpu.memory_space<vmem>>, vector<16xf32>,
    %mul3A_16 = arith.constant 9.53674316E-7 : f32
    %mul3A_17 = vector.broadcast %mul3A_16 : f32 to vector<16xf32>
    %mul3A_18 = arith.mulf %get3A_15, %mul3A_17 : vector<16xf32>
    %swap3A_19 = arith.constant 0 : index
    %swap3A_20 = tpu.vector_load %arg11[%swap3A_19] {strides = array<i32>} : memref<16xf32, #tpu.memory_space<vmem>>, vector<16xf32>,
    tpu.vector_store %arg11[%swap3A_19], %mul3A_18 {strides = array<i32>} : memref<16xf32, #tpu.memory_space<vmem>>, vector<16xf32>,
    "tpu.region"() ({
      %run_scoped3A = tpu.sem_alloc : memref<!tpu.dma_semaphore, #tpu.memory_space<semaphore_mem>>
      %dma_start3A = arith.constant 0 : i32
      %dma_start3A_21 = tpu.memref_slice %arg6[%add3A, %dma_start3A] : memref<32x16xf32, #tpu.memory_space<hbm>> -> memref<1x16xf32, #tpu.memory_space<hbm>>
      %dma_start3A_22 = tpu.memref_squeeze %dma_start3A_21 : memref<1x16xf32, #tpu.memory_space<hbm>> -> memref<16xf32, #tpu.memory_space<hbm>>
      %dma_start3A_23 = arith.constant 0 : i32
      %dma_start3A_24 = tpu.memref_slice %arg6[%add3A, %dma_start3A_23] : memref<32x16xf32, #tpu.memory_space<hbm>> -> memref<1x16xf32, #tpu.memory_space<hbm>>
      %dma_start3A_25 = tpu.memref_squeeze %dma_start3A_24 : memref<1x16xf32, #tpu.memory_space<hbm>> -> memref<16xf32, #tpu.memory_space<hbm>>
      tpu.enqueue_dma source(%arg11 : memref<16xf32, #tpu.memory_space<vmem>>) target(%dma_start3A_25 : memref<16xf32, #tpu.memory_space<hbm>>) target_semaphore(%run_scoped3A : memref<!tpu.dma_semaphore, #tpu.memory_space<semaphore_mem>>)
      %dma_wait3A = arith.constant 0 : i32
      %dma_wait3A_26 = tpu.memref_slice %arg6[%add3A, %dma_wait3A] : memref<32x16xf32, #tpu.memory_space<hbm>> -> memref<1x16xf32, #tpu.memory_space<hbm>>
      %dma_wait3A_27 = tpu.memref_squeeze %dma_wait3A_26 : memref<1x16xf32, #tpu.memory_space<hbm>> -> memref<16xf32, #tpu.memory_space<hbm>>
      %dma_wait3A_28 = arith.constant 0 : i32
      %dma_wait3A_29 = tpu.memref_slice %arg6[%add3A, %dma_wait3A_28] : memref<32x16xf32, #tpu.memory_space<hbm>> -> memref<1x16xf32, #tpu.memory_space<hbm>>
      %dma_wait3A_30 = tpu.memref_squeeze %dma_wait3A_29 : memref<1x16xf32, #tpu.memory_space<hbm>> -> memref<16xf32, #tpu.memory_space<hbm>>
      tpu.wait_dma2 semaphore(%run_scoped3A : memref<!tpu.dma_semaphore, #tpu.memory_space<semaphore_mem>>) src(%arg11 : memref<16xf32, #tpu.memory_space<vmem>>) dst(%dma_wait3A_30 : memref<16xf32, #tpu.memory_space<hbm>>)
      tpu.yield
    }) : () -> ()
    return
  }
}

</mosaic_0001>

<sc_bundles>
// kernel: gather_offload_async_start.1
scs
__scs_entry_jumppad:
0x0: {  	(pc) =	sbr.rel $0x88, $3  }
0x1: {  	(tag) =	ssettag $0x0;
	lr =	simm.s32 $0x1  }
0x2: {  	[smem:$0x3F9E] =	sst lr;
	_ =	strace $0xD0000000  }
0x3: {  	_ = 	snop  }
0x4: {  	_ = 	snop  }
0x5: {  	_ = 	snop  }
0x6: {  	_ = 	snop  }
0x7: {  	_ = 	snop  }
__scs_overlays_trampoline_lowered:
0x8: {  	[smem:$0x3FAD] =	sst s0  }
0x9: {  	[smem:$0x3FAE] =	sst s1  }
0xa: {  	[smem:$0x3FAF] =	sst s2  }
0xb: {  	[smem:$0x3FB0] =	sst s3  }
0xc: {  	[smem:$0x3FB1] =	sst s4  }
0xd: {  	[smem:$0x3FB2] =	sst s5  }
0xe: {  	[smem:$0x3FB3] =	sst s6  }
0xf: {  	[smem:$0x3FB4] =	sst s7  }
0x10: {  	[smem:$0x3FB5] =	sst s8  }
0x11: {  	[smem:$0x3FB6] =	sst s9;
	s0 =	simm.s32 @!p0 $0x0  }
0x12: {  	s1 =	sld [smem:$0x3F9C];
	s0 =	simm.s32 @p0 $0x1  }
0x13: {  	[smem:$0x3FB7] =	sst s0;
	s0 =	simm.s32 @!p1 $0x0  }
0x14: {  	s2 =	sld [smem:$0x3F9B];
	s0 =	simm.s32 @p1 $0x1  }
0x15: {  	[smem:$0x3FB8] =	sst s0;
	s0 =	simm.s32 @!p2 $0x0  }
0x16: {  	s3 =	sld [smem:$0x3FDB];
	s0 =	simm.s32 @p2 $0x1  }
0x17: {  	s4 =	simm.s32 $0x1BF5;
	[smem:$0x3FBA] =	sst s0  }
0x18: {  	s0 =	sld [smem:$0x3F9D];
	_ =	swait.ge [sflag:s4], $0x0  }
0x19: {  	s7 =	sld [smem:$0x3F9E]  }
0x1a: {  	s8 =	sadd.s32 $0xFFFFE003, lr  }
0x1b: {  	s9 =	sadd.s32 $0xFFFFFEF7, lr;
	s5 =	simm.s32 $0xFFFFFFFF;
	p2 =	slt.u32 s8, $0xFFFFF086  }
0x1c: {  	p1 =	slt.u32 s9, $0xF7A;
	s5 =	simm.s32 @!p2 $0x0  }
0x1d: {  	s5 =	simm.s32 @p1 $0x1;
	p0 =	seq.s32 s7, s2  }
0x1e: {  	s7 =	smul.u32 @!p0 $0xF7A, s2;
	p2 =	seq.s32 @!p0 s5, $0x0  }
0x1f: {  	s9 =	smul.u32 $0xF7A, s1;
	s8 =	simm.s32 @!p0 $0x1BF5;
	p2 =	por !p2, p0  }
0x20: {  	[sflag:s8] =	ssyncset.s32 @!p0 $0xFFFFF086;
	s6 =	sadd.s32 @!p0 s3, s7;
	s7 =	simm.s32 @!p0 $0x108  }
0x21: {  	s3 =	sadd.s32 s3, s9;
	s6 =	sadd.s32 @!p0 $0x88, s6;
	s7 =	simm.s32 @p2 $0x1082  }
0x22: {  	[simem:s7], [sflag:s8] =	dma.local @!p0 [hbm:s6], $0xF7A  }
0x23: {  	s9 =	sor.u32 $0xD0000000, s2;
	s6 =	simm.s32 $0x108;
	_ =	swait.ge @!p0 [sflag:s8], $0x0  }
0x24: {  	s3 =	sadd.s32 $0x88, s3;
	s6 =	simm.s32 @!p1 $0x1082;
	[sflag:s4] =	ssyncset.s32 $0xFFFFF086  }
0x25: {  	[simem:s6], [sflag:s4] =	dma.local [hbm:s3], $0xF7A  }
0x26: {  	[smem:$0x3F9E] =	sst s1;
	(tag) =	ssettag s2;
	_ =	strace s9  }
0x27: {  	s1 =	sld [smem:$0x3FAE]  }
0x28: {  	s2 =	sld [smem:$0x3FAF]  }
0x29: {  	s4 =	sld [smem:$0x3FB1]  }
0x2a: {  	p0 =	seq.s32 s5, $0x0;
	s5 =	sld [smem:$0x3FB2]  }
0x2b: {  	s6 =	sld [smem:$0x3FB3]  }
0x2c: {  	s7 =	sld [smem:$0x3FB4]  }
0x2d: {  	s3 =	simm.s32 $0x108;
	s8 =	sld [smem:$0x3FB5]  }
0x2e: {  	s3 =	simm.s32 @!p0 $0x1082;
	s9 =	sld [smem:$0x3FB6]  }
0x2f: {  	lr =	sadd.s32 s0, s3;
	s0 =	sld [smem:$0x3FAD]  }
0x30: {  	s3 =	sld [smem:$0x3FB0]  }
0x31: {  	[smem:$0x3FB9] =	sst s10  }
0x32: {  	s10 =	sld [smem:$0x3FB7];
	_ =	sdelay $0x3  }
0x33: {  	p0 =	seq.s32 s10, $0x1;
	s10 =	sld [smem:$0x3FB9];
	_ =	sdelay $0x3  }
0x34: {  	[smem:$0x3FB9] =	sst s10  }
0x35: {  	s10 =	sld [smem:$0x3FB8];
	_ =	sdelay $0x3  }
0x36: {  	p1 =	seq.s32 s10, $0x1;
	s10 =	sld [smem:$0x3FB9];
	_ =	sdelay $0x3  }
0x37: {  	[smem:$0x3FB9] =	sst s10  }
0x38: {  	s10 =	sld [smem:$0x3FBA]  }
0x39: {  	_ = 	snop;
	(pc) =	sbr.ind lr, $3  }
0x3a: {  	_ = 	snop  }
0x3b: {  	_ = 	snop  }
0x3c: {  	p2 =	seq.s32 s10, $0x1;
	s10 =	sld [smem:$0x3FB9]  }
0x3d: {  	_ =	shalt  }
0x3e: {  	_ =	shalt  }
0x3f: {  	_ =	shalt  }
0x40: {  	_ =	shalt  }
0x41: {  	_ =	shalt  }
0x42: {  	_ =	shalt  }
0x43: {  	_ =	shalt  }
0x44: {  	_ =	shalt  }
0x45: {  	_ =	shalt  }
0x46: {  	_ =	shalt  }
0x47: {  	_ =	shalt  }
0x48: {  	_ =	shalt  }
0x49: {  	_ =	shalt  }
0x4a: {  	_ =	shalt  }
0x4b: {  	_ =	shalt  }
0x4c: {  	_ =	shalt  }
0x4d: {  	_ =	shalt  }
0x4e: {  	_ =	shalt  }
0x4f: {  	_ =	shalt  }
0x50: {  	_ =	shalt  }
0x51: {  	_ =	shalt  }
0x52: {  	_ =	shalt  }
0x53: {  	_ =	shalt  }
0x54: {  	_ =	shalt  }
0x55: {  	_ =	shalt  }
0x56: {  	_ =	shalt  }
0x57: {  	_ =	shalt  }
0x58: {  	_ =	shalt  }
0x59: {  	_ =	shalt  }
0x5a: {  	_ =	shalt  }
0x5b: {  	_ =	shalt  }
0x5c: {  	_ =	shalt  }
0x5d: {  	_ =	shalt  }
0x5e: {  	_ =	shalt  }
0x5f: {  	_ =	shalt  }
0x60: {  	_ =	shalt  }
0x61: {  	_ =	shalt  }
0x62: {  	_ =	shalt  }
0x63: {  	_ =	shalt  }
0x64: {  	_ =	shalt  }
0x65: {  	_ =	shalt  }
0x66: {  	_ =	shalt  }
0x67: {  	_ =	shalt  }
0x68: {  	_ =	shalt  }
0x69: {  	_ =	shalt  }
0x6a: {  	_ =	shalt  }
0x6b: {  	_ =	shalt  }
0x6c: {  	_ =	shalt  }
0x6d: {  	_ =	shalt  }
0x6e: {  	_ =	shalt  }
0x6f: {  	_ =	shalt  }
0x70: {  	_ =	shalt  }
0x71: {  	_ =	shalt  }
0x72: {  	_ =	shalt  }
0x73: {  	_ =	shalt  }
0x74: {  	_ =	shalt  }
0x75: {  	_ =	shalt  }
0x76: {  	_ =	shalt  }
0x77: {  	_ =	shalt  }
0x78: {  	_ =	shalt  }
0x79: {  	_ =	shalt  }
0x7a: {  	_ =	shalt  }
0x7b: {  	_ =	shalt  }
0x7c: {  	_ =	shalt  }
0x7d: {  	_ =	shalt  }
0x7e: {  	_ =	shalt  }
0x7f: {  	_ =	shalt  }
0x80: {  	_ =	shalt  }
0x81: {  	_ =	shalt  }
0x82: {  	_ =	shalt  }
0x83: {  	_ =	shalt  }
0x84: {  	_ =	shalt  }
0x85: {  	_ =	shalt  }
0x86: {  	_ =	shalt  }
0x87: {  	_ =	shalt  }
.Lfunc_end0:
.L_simem_size_0:
called_computation.1_lowered:
.L_overlay_start_0:
0x88: {  	s2 =	sld [smem:$0x3FD9]  }
0x89: {  	s3 =	sld [smem:$0x3FFE];
	_ =	sdelay $0x1  }
0x8a: {  	s1 =	srdreg.scid  }
0x8b: {  	s0 =	sand.u32 $0x1, s1  }
0x8c: {  	s16 =	sshll.u32 s0, $0xA;
	s2 =	sadd.s32 s3, s2  }
0x8d: {  	s2 =	sadd.s32 s2, s16  }
0x8e: {  	[smem:$0x3FC5] =	sst s2  }
0x8f: {  	_ = 	snop  }
0x90: {  	(tm) =	ssettm $0x1  }
0x91: {  	s17 =	sld [smem:$0x3FFB];
	_ =	sdelay $0x3  }
0x92: {  	_ =	strace s17  }
0x93: {  	s2 =	sld [smem:$0x3FFC];
	_ =	sdelay $0x3  }
0x94: {  	_ =	strace s2  }
0x95: {  	s2 =	sld [smem:$0x3FFD];
	_ =	sdelay $0x3  }
0x96: {  	_ =	strace s2  }
0x97: {  	_ =	strace $0x8FFFFFFF  }
0x98: {  	s18 =	sld [smem:$0x3FDB];
	_ =	sdelay $0x1  }
0x99: {  	s19 =	simm.s32 $_scs_section_size  }
0x9a: {  	s4 =	simm.s32 $_size__tile_overlayer_lowered;
	s5 =	simm.s32 $_tile_overlayer_lowered  }
0x9b: {  	s22 =	simm.s32 $0x1BFF;
	s21 =	sshll.u32 s5, $0x1;
	s2 =	sadd.s32 s19, s18  }
0x9c: {  	s6 =	simm.s32 $0x0;
	s20 =	sshll.u32 s4, $0x1;
	s4 =	sadd.s32 s21, s2  }
0x9d: {  	[timem:s6], [sflag:s22] =	dma.local [hbm:s4], s20  }
0x9e: {  	_ =	swait.ge [sflag:s22], s20  }
0x9f: {  	s3 =	ssub.s32 $0x0, s20;
	[sflag:s22] =	ssyncset.done $0x0  }
0xa0: {  	[sflag:s22] =	ssyncadd.s32 s3;
	_ =	sdelay $0x1  }
0xa1: {  	s23 =	simm.s32 $0x1B8B  }
0xa2: {  	_ =	swait.ge [sflag:s23], $0x1  }
0xa3: {  	[sflag:s23] =	ssyncset.done $0x0  }
0xa4: {  	s25 =	simm.s32 $0x1B8E;
	s24 =	sld [smem:$0x3FFE];
	[sflag:s23] =	ssyncadd.s32 $0xFFFFFFFF  }
0xa5: {  	s26 =	simm.s32 $execute0_lowered;
	[smem:$0x3FD2] =	sst s25  }
0xa6: {  	s4 =	sshll.u32 s26, $0x1;
	_ =	strace $0x80000046;
	[dreg:$0x1] =	wrdreg $0xFFFFFFFF  }
0xa7: {  	s28 =	simm.s32 $_size_execute0_lowered;
	s2 =	sadd.s32 s2, s4;
	[dreg:$0x0] =	wrdreg $0x0  }
0xa8: {  	s4 =	sshll.u32 s28, $0x1;
	[dreg:$0x2] =	wrdreg s2  }
0xa9: {  	[dreg:$0x3] =	wrdreg s4  }
0xaa: {  	[dreg:$0x4] =	wrdreg $0xC0  }
0xab: {  	_ =	task [dreg:s6], $0x5FFFF  }
0xac: {  	[dreg:$0x1] =	wrdreg $0xFFFFFFFF  }
0xad: {  	[dreg:$0x0] =	wrdreg $0x60  }
0xae: {  	[dreg:$0x2] =	wrdreg s24  }
0xaf: {  	[dreg:$0x3] =	wrdreg $0xA  }
0xb0: {  	_ =	task.clear_ibuf [dreg:s6], $0x4FFFF;
	_ =	strace $0x90000046  }
0xb1: {  	s29 =	simm.s32 $0xA;
	_ =	strace $0x80000048  }
0xb2: {  	_ =	swait.ge [sflag:s29], $0x1  }
0xb3: {  	[sflag:s29] =	ssyncadd.s32 $0xFFFFFFFF  }
0xb4: {  	_ =	strace $0x90000048  }
0xb5: {  	_ =	sfence  }
0xb6: {  	s30 =	sld [smem:$0x0];
	_ =	sdelay $0x2  }
0xb7: {  	s31 =	sshll.u32 s1, $0xD;
	s1 =	sshrl.u32 s1, $0x2  }
0xb8: {  	s3 =	sand.u32 $0x4000, s31;
	s1 =	sadd.s32 s1, s30  }
0xb9: {  	s0 =	sor.u32 s3, s0;
	s1 =	sshll.u32 s1, $0x11  }
0xba: {  	s0 =	sor.u32 s1, s0  }
0xbb: {  	s0 =	sadd.s32 $0x8F2B, s0  }
0xbc: {  	[sflag:s0] =	ssyncadd.remote.s32 $0x1  }
0xbd: {  	_ =	sfence.sel $0xFFFF  }
0xbe: {  	[dreg:$0x0] =	wrdreg $0xFFFFFFFF;
	(pc) =	sbr.abs _section_cstart, $3  }
0xbf: {  	[dreg:$0x1] =	wrdreg $0xFFFFFFFF  }
0xc0: {  	_ =	task.clear_ibuf [dreg:s6], $0x2FFFF;
	_ =	strace $0x9FFFFFFF  }
0xc1: {  	(tm) =	ssettm $0x7FFFFFFF  }
tec
execute0_lowered:
.L_overlay_start_1:
0x0: {  	(tag) =	ssettag $0x1  }
0x1: {  	s2 =	rddreg [dreg:$0x0]  }
0x2: {  	s0 =	rddreg [dreg:$0x1]  }
0x3: {  	s1 =	srdreg.scid;
	_ =	strace $0x80000047;
	s4 =	simm.s32 $0x1  }
0x4: {  	s9 =	simm.s32 $0x3;
	s11 =	simm.s32 $0x0;
	s5 =	sshll.u32 s1, $0x4  }
.Ltmp0:
0x5: {  	s1 =	stileid.u32;
	s5 =	sand.u32 $0x10, s5;
	(pc) =	sbr.rel .LBB2_1-.Ltmp0, $4  }
0x6: {  	p0 =	por $0x0, $0x0;
	s3 =	sadd.s32 $0x800, s2;
	s6 =	sor.u32 s1, s5  }
0x7: {  	[sflag:s4] =	ssyncpa.u1 $0x0;
	s5 =	simm.s32 $0x2;
	s6 =	sshll.u32 s6, $0x9  }
0x8: {  	s7 =	sadd.s32 $0x40800, s2;
	[sflag:s5] =	ssyncpa.u1 $0x0;
	s8 =	sadd.s32 $0x200, s6  }
0x9: {  	vm0 =	vmmov $0xff;
	vm1 =	vcmask $0x3F20;
	[sflag:s9] =	ssyncpa.u1 $0x0;
	s10 =	smov.u32 s6;
	s9 =	simm.s32 $0x0  }
.LBB2_7:
0xa: {  	p1 =	slt.u32 s9, $0x2;
	s11 =	sadd.s32 $0x100, s10  }
0xb: {  	s13 =	smov.u32 s6;
	s9 =	sadd.s32 $0x1, s9;
	p2 =	slt.s32 s11, s8  }
0xc: {  	s13 =	smov.u32 @p2 s11;
	p2 =	sne.s32 s9, $0x4  }
.Ltmp1:
0xd: {  	_ = 	snop;
	(pc) =	sbr.rel @!p2 .LBB2_8-.Ltmp1, $4  }
0xe: {  	s12 =	simm.s32 @!p1 $0x3  }
0xf: {  	_ =	swait.ge @!p1 [sflag:s12], $0x8000  }
0x10: {  	p0 =	por !p0, !p0;
	[sflag:s12] =	ssyncset.done @!p1 $0x0  }
0x11: {  	s11 =	smov.u32 s10;
	s10 =	smov.u32 s13;
	[sflag:s12] =	ssyncadd.s32 @!p1 $0xFFFF8000  }
.LBB2_1:
0x12: {  	p1 =	sgt.u32 s9, $0x1  }
0x13: {  	s12 =	sshll.u32 @!p1 s9, $0x8;
	s13 =	sshrl.u32 @!p1 s10, $0x3  }
0x14: {  	s14 =	sand.u32 @!p1 $0x7, s10;
	s12 =	sxor.u32 @!p1 $0x100, s12;
	s13 =	sadd.s32 @!p1 s2, s13  }
0x15: {  	[tilespmem:s12], [sflag:$0x2] =	stream.linear.gather @!p1 [hbm4b:s13+s14], $0x100, $0x38;
	[tilespmem:$0x10200] =	vst v63  }
0x16: {  	p1 =	seq.s32 s9, $0x0  }
0x17: {  	p2 =	seq.s32 @!p1 s9, $0x3  }
0x18: {  	p1 =	por p1, p2  }
.Ltmp2:
0x19: {  	_ = 	snop;
	(pc) =	sbr.rel @p1 .LBB2_7-.Ltmp2, $1  }
0x1a: {  	_ =	sdelay $0x3  }
0x1b: {  	s12 =	simm.s32 $0x1  }
0x1c: {  	_ =	swait.ge [sflag:s5], $0x100;
	s12 =	simm.s32 @!p0 $0x0  }
0x1d: {  	[sflag:s5] =	ssyncset.done $0x0;
	s14 =	sshll.u32 s12, $0x8  }
0x1e: {  	[sflag:s5] =	ssyncadd.s32 $0xFFFFFF00;
	s13 =	sadd.s32 $0x0, s14  }
0x1f: {  	v0 =	vld.msk [tilespmem:s13+$0x0 ss:$0x1], $0xffff;
	_ =	sdelay $0x4  }
0x20: {  	vm2 =	vgt.s32 v0, $0x0  }
0x21: {  	v0 =	vnsel vm2, $0x0, v0  }
0x22: {  	v0 =	vmin.u32 v0, $0x3FFF  }
0x23: {  	v0 =	vshll.u32 v0, $0x4;
	_ =	sdelay $0x2  }
0x24: {  	s12 =	sshll.u32 s12, $0xF  }
0x25: {  	s12 =	sor.u32 $0x200, s12  }
0x26: {  	[tilespmem:s12], [sflag:$0x1] =	stream.indirect_vreg.gather [hbm:s3], $0x80, v0, vm0, $0x38;
	[tilespmem:$0x10200] =	vst v63  }
0x27: {  	s15 =	sadd.s32 $0x10, s14;
	s13 =	sadd.s32 $0x400, s12  }
0x28: {  	[tilespmem:s13], [sflag:$0x1] =	stream.indirect_vreg.gather [hbm:s3], $0x80, v0, vm1, $0x38;
	[tilespmem:$0x10200] =	vst v63  }
0x29: {  	s16 =	simm.s32 $0x80;
	v0 =	vld.msk [tilespmem:s15+$0x0 ss:$0x1], $0xffff;
	s15 =	smov.u32 s12  }
.LBB2_3:
0x2a: {  	p1 =	sne.s32 s16, $0x3C0;
	_ =	sdelay $0x4  }
0x2b: {  	vm2 =	vgt.s32 v0, $0x0  }
0x2c: {  	v0 =	vnsel vm2, $0x0, v0  }
0x2d: {  	v0 =	vmin.u32 v0, $0x3FFF  }
0x2e: {  	v0 =	vshll.u32 v0, $0x4;
	_ =	sdelay $0x3  }
.Ltmp3:
0x2f: {  	s17 =	sshra.s32 s16, $0x2;
	s15 =	sadd.s32 $0x800, s15;
	(pc) =	sbr.rel @p1 .LBB2_3-.Ltmp3, $4  }
0x30: {  	[tilespmem:s15], [sflag:$0x1] =	stream.indirect_vreg.gather [hbm:s3], $0x80, v0, vm0, $0x38;
	[tilespmem:$0x10200] =	vst v63  }
0x31: {  	s17 =	sadd.s32 s17, s14;
	s18 =	sadd.s32 $0x400, s15  }
0x32: {  	[tilespmem:s18], [sflag:$0x1] =	stream.indirect_vreg.gather [hbm:s3], $0x80, v0, vm1, $0x38;
	[tilespmem:$0x10200] =	vst v63  }
0x33: {  	s16 =	sadd.s32 $0x40, s16;
	v0 =	vld.msk [tilespmem:s17+$0x0 ss:$0x1], $0xffff  }
0x34: {  	_ =	sdelay $0x3  }
0x35: {  	vm2 =	vgt.s32 v0, $0x0  }
0x36: {  	v0 =	vnsel vm2, $0x0, v0  }
0x37: {  	v0 =	vmin.u32 v0, $0x3FFF  }
0x38: {  	v0 =	vshll.u32 v0, $0x4;
	_ =	sdelay $0x3  }
0x39: {  	s14 =	sadd.s32 $0x800, s15  }
0x3a: {  	[tilespmem:s14], [sflag:$0x1] =	stream.indirect_vreg.gather [hbm:s3], $0x80, v0, vm0, $0x38;
	[tilespmem:$0x10200] =	vst v63  }
0x3b: {  	s14 =	sadd.s32 $0x400, s14  }
0x3c: {  	[tilespmem:s14], [sflag:$0x1] =	stream.indirect_vreg.gather [hbm:s3], $0x80, v0, vm1, $0x38;
	[tilespmem:$0x10200] =	vst v63  }
0x3d: {  	s11 =	sshll.u32 s11, $0x4;
	_ =	swait.ge [sflag:s4], $0x8000  }
0x3e: {  	s11 =	sadd.s32 s11, s7;
	[sflag:s4] =	ssyncset.done $0x0  }
0x3f: {  	s15 =	sadd.s32 $0x0, s11;
	s14 =	simm.s32 $0x80;
	[sflag:s4] =	ssyncadd.s32 $0xFFFF8000  }
.LBB2_5:
0x40: {  	[hbm:s15] =	stream.linear.scatter [tilespmem:s12], [sflag:$0x3], $0x400, $0x38;
	[tilespmem:$0x10200] =	vst v63  }
0x41: {  	s15 =	smov.u32 s14;
	s12 =	smov.u32 s13;
	p1 =	sne.s32 s14, $0xF80  }
.Ltmp4:
0x42: {  	s14 =	sadd.s32 $0x80, s14;
	(pc) =	sbr.rel @p1 .LBB2_5-.Ltmp4, $2  }
0x43: {  	_ =	sdelay $0x2  }
0x44: {  	s13 =	sadd.s32 $0x400, s13;
	s15 =	sadd.s32 s15, s11  }
.Ltmp5:
0x45: {  	(pc) =	sbr.rel .LBB2_7-.Ltmp5, $2  }
0x46: {  	_ =	sdelay $0x2  }
0x47: {  	[hbm:s15] =	stream.linear.scatter [tilespmem:s12], [sflag:$0x3], $0x400, $0x38;
	[tilespmem:$0x10200] =	vst v63  }
.LBB2_8:
0x48: {  	_ =	sfence.sel $0x180000  }
0x49: {  	s2 =	simm.s32 $0x2;
	[bflag:$0x0] =	sbarrier.arrive $0xFFFF  }
0x4a: {  	s30 =	simm.s32 $0x3;
	[sflag:s2] =	ssyncpa.u1 $0x1  }
0x4b: {  	s31 =	simm.s32 $0x1;
	[sflag:s30] =	ssyncpa.u1 $0x1  }
0x4c: {  	[sflag:s31] =	ssyncpa.u1 $0x1  }
0x4d: {  	p0 =	sne.s32 s1, $0x0;
	_ =	strace $0x90000047  }
0x4e: {  	s0 =	sadd.s32 @!p0 $0x100000, s0;
	[bflag:$0x2] =	sbarrier.arrive $0xFFFF  }
0x4f: {  	[sflag:s0] =	ssyncadd.tile.s32 @!p0 $0x1;
	_ =	shalt  }
.Lfunc_end2:
_tile_overlayer_lowered:
.L_overlay_start_2:
0x50: {  	(tag) =	ssettag $0x2  }
0x51: {  	s0 =	rddreg [dreg:$0x0];
	s2 =	stileid.u32  }
0x52: {  	s1 =	rddreg [dreg:$0x1];
	p0 =	sne.s32 s2, $0x0  }
0x53: {  	s3 =	rddreg [dreg:$0x2];
	[bflag:$0x3] =	sbarrier.arrive $0xFFFF;
	s2 =	simm.s32 @!p0 $0x1C01  }
0x54: {  	[timem:s3], [sflag:s2] =	dma.local @!p0 [hbm:s0], s1  }
0x55: {  	s0 =	simm.s32 @!p0 $0x1  }
0x56: {  	_ =	swait.ge @!p0 [sflag:s0], s1  }
0x57: {  	s1 =	ssub.s32 @!p0 $0x0, s1;
	[sflag:s0] =	ssyncset.done @!p0 $0x0  }
0x58: {  	[sflag:s0] =	ssyncadd.s32 @!p0 s1  }
0x59: {  	[bflag:$0x3] =	sbarrier.arrive $0xFFFF  }
0x5a: {  	_ =	shalt  }

// kernel: gather_offload_async_start
scs
__scs_entry_jumppad:
0x0: {  	(pc) =	sbr.rel $0x88, $3  }
0x1: {  	(tag) =	ssettag $0x0;
	lr =	simm.s32 $0x1  }
0x2: {  	[smem:$0x3F9E] =	sst lr;
	_ =	strace $0xD0000000  }
0x3: {  	_ = 	snop  }
0x4: {  	_ = 	snop  }
0x5: {  	_ = 	snop  }
0x6: {  	_ = 	snop  }
0x7: {  	_ = 	snop  }
__scs_overlays_trampoline_lowered:
0x8: {  	[smem:$0x3FAD] =	sst s0  }
0x9: {  	[smem:$0x3FAE] =	sst s1  }
0xa: {  	[smem:$0x3FAF] =	sst s2  }
0xb: {  	[smem:$0x3FB0] =	sst s3  }
0xc: {  	[smem:$0x3FB1] =	sst s4  }
0xd: {  	[smem:$0x3FB2] =	sst s5  }
0xe: {  	[smem:$0x3FB3] =	sst s6  }
0xf: {  	[smem:$0x3FB4] =	sst s7  }
0x10: {  	[smem:$0x3FB5] =	sst s8  }
0x11: {  	[smem:$0x3FB6] =	sst s9;
	s0 =	simm.s32 @!p0 $0x0  }
0x12: {  	s1 =	sld [smem:$0x3F9C];
	s0 =	simm.s32 @p0 $0x1  }
0x13: {  	[smem:$0x3FB7] =	sst s0;
	s0 =	simm.s32 @!p1 $0x0  }
0x14: {  	s2 =	sld [smem:$0x3F9B];
	s0 =	simm.s32 @p1 $0x1  }
0x15: {  	[smem:$0x3FB8] =	sst s0;
	s0 =	simm.s32 @!p2 $0x0  }
0x16: {  	s3 =	sld [smem:$0x3FDB];
	s0 =	simm.s32 @p2 $0x1  }
0x17: {  	s4 =	simm.s32 $0x1BF5;
	[smem:$0x3FBA] =	sst s0  }
0x18: {  	s0 =	sld [smem:$0x3F9D];
	_ =	swait.ge [sflag:s4], $0x0  }
0x19: {  	s7 =	sld [smem:$0x3F9E]  }
0x1a: {  	s8 =	sadd.s32 $0xFFFFE003, lr  }
0x1b: {  	s9 =	sadd.s32 $0xFFFFFEF7, lr;
	s5 =	simm.s32 $0xFFFFFFFF;
	p2 =	slt.u32 s8, $0xFFFFF086  }
0x1c: {  	p1 =	slt.u32 s9, $0xF7A;
	s5 =	simm.s32 @!p2 $0x0  }
0x1d: {  	s5 =	simm.s32 @p1 $0x1;
	p0 =	seq.s32 s7, s2  }
0x1e: {  	s7 =	smul.u32 @!p0 $0xF7A, s2;
	p2 =	seq.s32 @!p0 s5, $0x0  }
0x1f: {  	s9 =	smul.u32 $0xF7A, s1;
	s8 =	simm.s32 @!p0 $0x1BF5;
	p2 =	por !p2, p0  }
0x20: {  	[sflag:s8] =	ssyncset.s32 @!p0 $0xFFFFF086;
	s6 =	sadd.s32 @!p0 s3, s7;
	s7 =	simm.s32 @!p0 $0x108  }
0x21: {  	s3 =	sadd.s32 s3, s9;
	s6 =	sadd.s32 @!p0 $0x88, s6;
	s7 =	simm.s32 @p2 $0x1082  }
0x22: {  	[simem:s7], [sflag:s8] =	dma.local @!p0 [hbm:s6], $0xF7A  }
0x23: {  	s9 =	sor.u32 $0xD0000000, s2;
	s6 =	simm.s32 $0x108;
	_ =	swait.ge @!p0 [sflag:s8], $0x0  }
0x24: {  	s3 =	sadd.s32 $0x88, s3;
	s6 =	simm.s32 @!p1 $0x1082;
	[sflag:s4] =	ssyncset.s32 $0xFFFFF086  }
0x25: {  	[simem:s6], [sflag:s4] =	dma.local [hbm:s3], $0xF7A  }
0x26: {  	[smem:$0x3F9E] =	sst s1;
	(tag) =	ssettag s2;
	_ =	strace s9  }
0x27: {  	s1 =	sld [smem:$0x3FAE]  }
0x28: {  	s2 =	sld [smem:$0x3FAF]  }
0x29: {  	s4 =	sld [smem:$0x3FB1]  }
0x2a: {  	p0 =	seq.s32 s5, $0x0;
	s5 =	sld [smem:$0x3FB2]  }
0x2b: {  	s6 =	sld [smem:$0x3FB3]  }
0x2c: {  	s7 =	sld [smem:$0x3FB4]  }
0x2d: {  	s3 =	simm.s32 $0x108;
	s8 =	sld [smem:$0x3FB5]  }
0x2e: {  	s3 =	simm.s32 @!p0 $0x1082;
	s9 =	sld [smem:$0x3FB6]  }
0x2f: {  	lr =	sadd.s32 s0, s3;
	s0 =	sld [smem:$0x3FAD]  }
0x30: {  	s3 =	sld [smem:$0x3FB0]  }
0x31: {  	[smem:$0x3FB9] =	sst s10  }
0x32: {  	s10 =	sld [smem:$0x3FB7];
	_ =	sdelay $0x3  }
0x33: {  	p0 =	seq.s32 s10, $0x1;
	s10 =	sld [smem:$0x3FB9];
	_ =	sdelay $0x3  }
0x34: {  	[smem:$0x3FB9] =	sst s10  }
0x35: {  	s10 =	sld [smem:$0x3FB8];
	_ =	sdelay $0x3  }
0x36: {  	p1 =	seq.s32 s10, $0x1;
	s10 =	sld [smem:$0x3FB9];
	_ =	sdelay $0x3  }
0x37: {  	[smem:$0x3FB9] =	sst s10  }
0x38: {  	s10 =	sld [smem:$0x3FBA]  }
0x39: {  	_ = 	snop;
	(pc) =	sbr.ind lr, $3  }
0x3a: {  	_ = 	snop  }
0x3b: {  	_ = 	snop  }
0x3c: {  	p2 =	seq.s32 s10, $0x1;
	s10 =	sld [smem:$0x3FB9]  }
0x3d: {  	_ =	shalt  }
0x3e: {  	_ =	shalt  }
0x3f: {  	_ =	shalt  }
0x40: {  	_ =	shalt  }
0x41: {  	_ =	shalt  }
0x42: {  	_ =	shalt  }
0x43: {  	_ =	shalt  }
0x44: {  	_ =	shalt  }
0x45: {  	_ =	shalt  }
0x46: {  	_ =	shalt  }
0x47: {  	_ =	shalt  }
0x48: {  	_ =	shalt  }
0x49: {  	_ =	shalt  }
0x4a: {  	_ =	shalt  }
0x4b: {  	_ =	shalt  }
0x4c: {  	_ =	shalt  }
0x4d: {  	_ =	shalt  }
0x4e: {  	_ =	shalt  }
0x4f: {  	_ =	shalt  }
0x50: {  	_ =	shalt  }
0x51: {  	_ =	shalt  }
0x52: {  	_ =	shalt  }
0x53: {  	_ =	shalt  }
0x54: {  	_ =	shalt  }
0x55: {  	_ =	shalt  }
0x56: {  	_ =	shalt  }
0x57: {  	_ =	shalt  }
0x58: {  	_ =	shalt  }
0x59: {  	_ =	shalt  }
0x5a: {  	_ =	shalt  }
0x5b: {  	_ =	shalt  }
0x5c: {  	_ =	shalt  }
0x5d: {  	_ =	shalt  }
0x5e: {  	_ =	shalt  }
0x5f: {  	_ =	shalt  }
0x60: {  	_ =	shalt  }
0x61: {  	_ =	shalt  }
0x62: {  	_ =	shalt  }
0x63: {  	_ =	shalt  }
0x64: {  	_ =	shalt  }
0x65: {  	_ =	shalt  }
0x66: {  	_ =	shalt  }
0x67: {  	_ =	shalt  }
0x68: {  	_ =	shalt  }
0x69: {  	_ =	shalt  }
0x6a: {  	_ =	shalt  }
0x6b: {  	_ =	shalt  }
0x6c: {  	_ =	shalt  }
0x6d: {  	_ =	shalt  }
0x6e: {  	_ =	shalt  }
0x6f: {  	_ =	shalt  }
0x70: {  	_ =	shalt  }
0x71: {  	_ =	shalt  }
0x72: {  	_ =	shalt  }
0x73: {  	_ =	shalt  }
0x74: {  	_ =	shalt  }
0x75: {  	_ =	shalt  }
0x76: {  	_ =	shalt  }
0x77: {  	_ =	shalt  }
0x78: {  	_ =	shalt  }
0x79: {  	_ =	shalt  }
0x7a: {  	_ =	shalt  }
0x7b: {  	_ =	shalt  }
0x7c: {  	_ =	shalt  }
0x7d: {  	_ =	shalt  }
0x7e: {  	_ =	shalt  }
0x7f: {  	_ =	shalt  }
0x80: {  	_ =	shalt  }
0x81: {  	_ =	shalt  }
0x82: {  	_ =	shalt  }
0x83: {  	_ =	shalt  }
0x84: {  	_ =	shalt  }
0x85: {  	_ =	shalt  }
0x86: {  	_ =	shalt  }
0x87: {  	_ =	shalt  }
.Lfunc_end0:
.L_simem_size_0:
called_computation_lowered:
.L_overlay_start_0:
0x88: {  	s2 =	sld [smem:$0x3FD9]  }
0x89: {  	s3 =	sld [smem:$0x3FFE];
	_ =	sdelay $0x1  }
0x8a: {  	s1 =	srdreg.scid  }
0x8b: {  	s0 =	sand.u32 $0x1, s1  }
0x8c: {  	s17 =	sshll.u32 s0, $0xA;
	s2 =	sadd.s32 s3, s2  }
0x8d: {  	s2 =	sadd.s32 s2, s17  }
0x8e: {  	[smem:$0x3FC5] =	sst s2  }
0x8f: {  	_ = 	snop  }
0x90: {  	s18 =	sld [smem:$0x3FC8];
	(tm) =	ssettm $0x1  }
0x91: {  	s19 =	sld [smem:$0x3FFB];
	_ =	sdelay $0x3  }
0x92: {  	_ =	strace s19  }
0x93: {  	s2 =	sld [smem:$0x3FFC];
	_ =	sdelay $0x3  }
0x94: {  	_ =	strace s2  }
0x95: {  	s2 =	sld [smem:$0x3FFD];
	_ =	sdelay $0x3  }
0x96: {  	_ =	strace s2  }
0x97: {  	_ =	strace $0x8FFFFFFF  }
0x98: {  	s20 =	sld [smem:$0x3FDB];
	_ =	sdelay $0x1  }
0x99: {  	s4 =	simm.s32 $_scs_section_size  }
0x9a: {  	s5 =	simm.s32 $_size__tile_overlayer_lowered;
	s6 =	simm.s32 $_tile_overlayer_lowered  }
0x9b: {  	s7 =	simm.s32 $0x1BFF;
	s21 =	sshll.u32 s6, $0x1;
	s4 =	sadd.s32 s4, s20  }
0x9c: {  	s22 =	simm.s32 $0x0;
	s5 =	sshll.u32 s5, $0x1;
	s6 =	sadd.s32 s21, s4  }
0x9d: {  	[timem:s22], [sflag:s7] =	dma.local [hbm:s6], s5  }
0x9e: {  	_ =	swait.ge [sflag:s7], s5  }
0x9f: {  	s5 =	ssub.s32 $0x0, s5;
	[sflag:s7] =	ssyncset.done $0x0  }
0xa0: {  	[sflag:s7] =	ssyncadd.s32 s5;
	_ =	sdelay $0x1  }
0xa1: {  	s23 =	simm.s32 $0x1B8B  }
0xa2: {  	_ =	swait.ge [sflag:s23], $0x1  }
0xa3: {  	[sflag:s23] =	ssyncset.done $0x0  }
0xa4: {  	[sflag:s23] =	ssyncadd.s32 $0xFFFFFFFF  }
0xa5: {  	s5 =	sld [smem:$0x0]  }
0xa6: {  	s6 =	sand.u32 $0xFFFFFFFE, s1  }
0xa7: {  	p0 =	sne.s32 s1, s6  }
0xa8: {  	s6 =	sshll.u32 @p0 s6, $0xE  }
0xa9: {  	s6 =	sadd.s32 @p0 $0x11B8D, s6;
	s7 =	sshll.u32 @p0 s5, $0x11  }
0xaa: {  	s6 =	sor.u32 @p0 s7, s6  }
0xab: {  	[sflag:s6] =	ssyncadd.remote.s32 @p0 $0x1;
	_ =	sdelay $0x1  }
0xac: {  	s6 =	simm.s32 @p0 $0x1B8D  }
0xad: {  	_ =	swait.eq @p0 [sflag:s6], $0x1  }
0xae: {  	[sflag:s6] =	ssyncadd.s32 @p0 $0xFFFFFFFF  }
0xaf: {  	s7 =	sshll.u32 @!p0 s1, $0xE  }
0xb0: {  	s7 =	sor.u32 @!p0 $0x4000, s7;
	s6 =	simm.s32 @!p0 $0x1B8D  }
0xb1: {  	s5 =	sshll.u32 @!p0 s5, $0x11;
	s7 =	sadd.s32 @!p0 $0x11B8D, s7;
	_ =	swait.eq @!p0 [sflag:s6], $0x1  }
0xb2: {  	s5 =	sor.u32 @!p0 s5, s7;
	[sflag:s6] =	ssyncadd.s32 @!p0 $0xFFFFFFFF  }
0xb3: {  	s25 =	simm.s32 $0x1B8E;
	s24 =	sld [smem:$0x3FFE];
	[sflag:s5] =	ssyncadd.remote.s32 @!p0 $0x1  }
0xb4: {  	s26 =	simm.s32 $execute0_lowered;
	[smem:$0x3FD2] =	sst s25  }
0xb5: {  	s6 =	sshll.u32 s26, $0x1;
	_ =	strace $0x80000049;
	[dreg:$0x1] =	wrdreg $0xFFFFFFFF  }
0xb6: {  	s28 =	simm.s32 $_size_execute0_lowered;
	s4 =	sadd.s32 s4, s6;
	[dreg:$0x0] =	wrdreg $0x0  }
0xb7: {  	s6 =	sshll.u32 s28, $0x1;
	[dreg:$0x2] =	wrdreg s4  }
0xb8: {  	[dreg:$0x3] =	wrdreg s6  }
0xb9: {  	[dreg:$0x4] =	wrdreg $0xC0  }
0xba: {  	_ =	task [dreg:s22], $0x5FFFF  }
0xbb: {  	[dreg:$0x1] =	wrdreg $0xFFFFFFFF  }
0xbc: {  	[dreg:$0x0] =	wrdreg $0x60  }
0xbd: {  	[dreg:$0x2] =	wrdreg s18  }
0xbe: {  	[dreg:$0x3] =	wrdreg s24  }
0xbf: {  	[dreg:$0x4] =	wrdreg $0x9  }
0xc0: {  	_ =	task.clear_ibuf [dreg:s22], $0x5FFFF;
	_ =	strace $0x90000049  }
0xc1: {  	s29 =	simm.s32 $0x9;
	_ =	strace $0x8000004B  }
0xc2: {  	_ =	swait.ge [sflag:s29], $0x1  }
0xc3: {  	[sflag:s29] =	ssyncadd.s32 $0xFFFFFFFF  }
0xc4: {  	_ =	strace $0x9000004B  }
0xc5: {  	_ =	sfence  }
0xc6: {  	s30 =	sld [smem:$0x0];
	_ =	sdelay $0x2  }
0xc7: {  	s31 =	sshll.u32 s1, $0xD;
	s1 =	sshrl.u32 s1, $0x2  }
0xc8: {  	s4 =	sand.u32 $0x4000, s31;
	s1 =	sadd.s32 s1, s30  }
0xc9: {  	s0 =	sor.u32 s4, s0;
	s1 =	sshll.u32 s1, $0x11  }
0xca: {  	s0 =	sor.u32 s1, s0  }
0xcb: {  	s0 =	sadd.s32 $0x8F2B, s0  }
0xcc: {  	[sflag:s0] =	ssyncadd.remote.s32 $0x1  }
0xcd: {  	_ =	sfence.sel $0xFFFF  }
0xce: {  	[dreg:$0x0] =	wrdreg $0xFFFFFFFF;
	(pc) =	sbr.abs _section_cstart, $3  }
0xcf: {  	[dreg:$0x1] =	wrdreg $0xFFFFFFFF  }
0xd0: {  	_ =	task.clear_ibuf [dreg:s22], $0x2FFFF;
	_ =	strace $0x9FFFFFFF  }
0xd1: {  	(tm) =	ssettm $0x7FFFFFFF  }
tec
execute0_lowered:
.L_overlay_start_1:
0x0: {  	(tag) =	ssettag $0x1  }
0x1: {  	s1 =	srdreg.scid;
	s2 =	rddreg [dreg:$0x0]  }
0x2: {  	s0 =	stileid.u32;
	s3 =	rddreg [dreg:$0x1]  }
0x3: {  	s6 =	simm.s32 $0x1;
	s9 =	simm.s32 $0x1;
	s1 =	sshll.u32 s1, $0x8  }
0x4: {  	s10 =	simm.s32 $0x3;
	s4 =	sshll.u32 s0, $0x9;
	s5 =	sand.u32 $0x100, s1  }
0x5: {  	s13 =	simm.s32 $0x0;
	s12 =	simm.s32 $0x0;
	s4 =	sor.u32 s4, s5  }
0x6: {  	s1 =	rddreg [dreg:$0x2];
	_ =	strace $0x8000004A;
	s8 =	ssub.s32 $0x4000, s4  }
.Ltmp0:
0x7: {  	s5 =	sadd.s32 $0x80C00, s3;
	s7 =	sand.u32 $0x1F00, s8;
	(pc) =	sbr.rel .LBB2_1-.Ltmp0, $4  }
0x8: {  	[sflag:s6] =	ssyncpa.u1 $0x0;
	s11 =	smov.u32 s4;
	p0 =	sne.s32 s7, $0x0  }
0x9: {  	s8 =	sshrl.u32 s8, $0xD;
	s7 =	simm.s32 $0x2;
	s9 =	simm.s32 @!p0 $0x0  }
0xa: {  	[sflag:s7] =	ssyncpa.u1 $0x0;
	p0 =	por $0x0, $0x0;
	s8 =	sadd.s32 s9, s8  }
0xb: {  	vm0 =	vmmov $0xffff;
	[sflag:s10] =	ssyncpa.u1 $0x0;
	s10 =	simm.s32 $0x0;
	s9 =	sadd.s32 $0x1, s8  }
.LBB2_4:
0xc: {  	v2 =	vnsel vm1, $0x0, v2  }
0xd: {  	vm1 =	vgt.s32 v0, $0x0;
	v2 =	vmin.u32 v2, $0x3FFF  }
0xe: {  	v0 =	vnsel vm1, $0x0, v0  }
0xf: {  	v0 =	vmin.u32 v0, $0x3FFF  }
0x10: {  	[tilespmem:s15], [sflag:$0x1] =	stream.indirect_vreg.gather [hbm4b:s2+s10], $0x1, v1, vm0, $0x4038;
	[tilespmem:$0x400] =	vst v63  }
0x11: {  	(ifvalue) =	ssetifvalue $0x7FFFFFFF  }
0x12: {  	[tilespmem:s16], [sflag:$0x1] =	stream.indirect_vreg.gather [hbm4b:s2+s10], $0x1, v2, vm0, $0x4038;
	[tilespmem:$0x400] =	vst v63  }
0x13: {  	s29 =	sadd.s32 $0x10, s16;
	(ifvalue) =	ssetifvalue $0x7FFFFFFF  }
0x14: {  	[tilespmem:s29], [sflag:$0x1] =	stream.indirect_vreg.gather [hbm4b:s2+s10], $0x1, v0, vm0, $0x4038;
	[tilespmem:$0x400] =	vst v63  }
0x15: {  	_ =	swait.ge [sflag:s6], $0x100  }
0x16: {  	s30 =	sshrl.u32 s13, $0x3;
	[sflag:s6] =	ssyncset.done $0x0  }
0x17: {  	s31 =	sand.u32 $0x7, s13;
	s15 =	sadd.s32 s5, s30;
	[sflag:s6] =	ssyncadd.s32 $0xFFFFFF00  }
0x18: {  	[hbm4b:s15+s31] =	stream.linear.scatter [tilespmem:s14], [sflag:$0x3], $0x100, $0x38;
	[tilespmem:$0x400] =	vst v63  }
.LBB2_5:
0x19: {  	s15 =	sadd.s32 $0x2000, s11  }
0x1a: {  	p2 =	sgt.s32 s15, $0x3FFF  }
0x1b: {  	s15 =	smov.u32 @p2 s4;
	p2 =	sne.s32 s12, s9  }
.Ltmp1:
0x1c: {  	p1 =	slt.u32 s12, $0x2;
	(pc) =	sbr.rel @!p2 .LBB2_6-.Ltmp1, $4  }
0x1d: {  	s14 =	simm.s32 @!p1 $0x3  }
0x1e: {  	s16 =	sadd.s32 $0x1, s12;
	_ =	swait.ge @!p1 [sflag:s14], $0x100  }
0x1f: {  	s13 =	smov.u32 s11;
	p0 =	por !p0, !p0;
	[sflag:s14] =	ssyncset.done @!p1 $0x0  }
0x20: {  	s12 =	smov.u32 s16;
	s11 =	smov.u32 s15;
	[sflag:s14] =	ssyncadd.s32 @!p1 $0xFFFFFF00  }
.LBB2_1:
0x21: {  	p1 =	sge.u32 s12, s8  }
0x22: {  	s14 =	sxor.u32 @!p1 $0xFFFFFFFF, s12  }
0x23: {  	s31 =	sadd.s32 $0xFFFFFFFF, s12;
	s15 =	sshrl.u32 @!p1 s11, $0x3;
	s14 =	sshll.u32 @!p1 s14, $0x8  }
0x24: {  	s16 =	sand.u32 @!p1 $0x7, s11;
	s15 =	sadd.s32 @!p1 s3, s15;
	s14 =	sand.u32 @!p1 $0x100, s14  }
0x25: {  	[tilespmem:s14], [sflag:$0x2] =	stream.linear.gather @!p1 [hbm4b:s15+s16], $0x100, $0x38;
	[tilespmem:$0x400] =	vst v63  }
0x26: {  	p1 =	sge.u32 s31, s8  }
.Ltmp2:
0x27: {  	_ = 	snop;
	(pc) =	sbr.rel @p1 .LBB2_5-.Ltmp2, $1  }
0x28: {  	_ =	sdelay $0x3  }
0x29: {  	s14 =	simm.s32 $0x1  }
0x2a: {  	_ =	swait.ge [sflag:s7], $0x100;
	s14 =	simm.s32 @!p0 $0x0  }
0x2b: {  	[sflag:s7] =	ssyncset.done $0x0;
	s14 =	sshll.u32 s14, $0x8  }
0x2c: {  	[sflag:s7] =	ssyncadd.s32 $0xFFFFFF00;
	(ifvalue) =	ssetifvalue $0x7FFFFFFF;
	v0 =	vld.msk [tilespmem:s14+$0x0 ss:$0x1], $0xffff;
	_ =	sdelay $0x4  }
0x2d: {  	s15 =	sadd.s32 $0x10, s14;
	vm1 =	vgt.s32 v0, $0x0  }
0x2e: {  	v2 =	vld.msk [tilespmem:s15+$0x0 ss:$0x1], $0xffff;
	v1 =	vnsel vm1, $0x0, v0  }
0x2f: {  	v1 =	vmin.u32 v1, $0x3FFF;
	_ =	sdelay $0x1  }
0x30: {  	s16 =	sshll.u32 s12, $0x8;
	s18 =	simm.s32 $0x20  }
0x31: {  	s16 =	sand.u32 $0x100, s16;
	s17 =	sadd.s32 $0x10, s15;
	s15 =	sor.u32 $0x200, s14  }
0x32: {  	s14 =	sor.u32 $0x200, s16;
	s16 =	sadd.s32 $0x10, s15;
	v0 =	vld.msk [tilespmem:s17+$0x0 ss:$0x1], $0xffff;
	vm1 =	vgt.s32 v2, $0x0;
	(ifvalue) =	ssetifvalue $0x7FFFFFFF  }
.LBB2_3:
0x33: {  	[tilespmem:s15], [sflag:$0x1] =	stream.indirect_vreg.gather [hbm4b:s2+s10], $0x1, v1, vm0, $0x4038;
	[tilespmem:$0x400] =	vst v63  }
0x34: {  	s18 =	sadd.s32 $0x10, s18  }
0x35: {  	v2 =	vnsel vm1, $0x0, v2;
	p1 =	slt.u32 s18, $0xF0  }
.Ltmp3:
0x36: {  	s15 =	smov.u32 s16;
	v1 =	vmin.u32 v2, $0x3FFF;
	(pc) =	sbr.rel @p1 .LBB2_3-.Ltmp3, $3  }
0x37: {  	_ =	sdelay $0x1  }
0x38: {  	s17 =	sadd.s32 $0x10, s17  }
0x39: {  	vm1 =	vgt.s32 v0, $0x0;
	s16 =	sadd.s32 $0x10, s16;
	v2 =	vmov v0;
	(ifvalue) =	ssetifvalue $0x7FFFFFFF;
	v0 =	vld.msk [tilespmem:s17+$0x0 ss:$0x1], $0xffff  }
.Ltmp4:
0x3a: {  	_ = 	snop;
	(pc) =	sbr.rel .LBB2_4-.Ltmp4, $1  }
0x3b: {  	_ =	sdelay $0x3  }
.LBB2_6:
0x3c: {  	_ =	sfence.sel $0x180000  }
0x3d: {  	s2 =	simm.s32 $0x2;
	[bflag:$0x0] =	sbarrier.arrive $0xFFFF  }
0x3e: {  	s30 =	simm.s32 $0x3;
	[sflag:s2] =	ssyncpa.u1 $0x1  }
0x3f: {  	s31 =	simm.s32 $0x1;
	[sflag:s30] =	ssyncpa.u1 $0x1  }
0x40: {  	[sflag:s31] =	ssyncpa.u1 $0x1  }
0x41: {  	p0 =	sne.s32 s0, $0x0;
	_ =	strace $0x9000004A  }
0x42: {  	s0 =	sadd.s32 @!p0 $0x100000, s1;
	[bflag:$0x2] =	sbarrier.arrive $0xFFFF  }
0x43: {  	[sflag:s0] =	ssyncadd.tile.s32 @!p0 $0x1;
	_ =	shalt  }
.Lfunc_end2:
_tile_overlayer_lowered:
.L_overlay_start_2:
0x44: {  	(tag) =	ssettag $0x2  }
0x45: {  	s0 =	rddreg [dreg:$0x0];
	s2 =	stileid.u32  }
0x46: {  	s1 =	rddreg [dreg:$0x1];
	p0 =	sne.s32 s2, $0x0  }
0x47: {  	s3 =	rddreg [dreg:$0x2];
	[bflag:$0x3] =	sbarrier.arrive $0xFFFF;
	s2 =	simm.s32 @!p0 $0x1C01  }
0x48: {  	[timem:s3], [sflag:s2] =	dma.local @!p0 [hbm:s0], s1  }
0x49: {  	s0 =	simm.s32 @!p0 $0x1  }
0x4a: {  	_ =	swait.ge @!p0 [sflag:s0], s1  }
0x4b: {  	s1 =	ssub.s32 @!p0 $0x0, s1;
	[sflag:s0] =	ssyncset.done @!p0 $0x0  }
0x4c: {  	[sflag:s0] =	ssyncadd.s32 @!p0 s1  }
0x4d: {  	[bflag:$0x3] =	sbarrier.arrive $0xFFFF  }
0x4e: {  	_ =	shalt  }

// kernel: kernel.3.cloned.1.call-start
scs
__scs_entry_jumppad:
0x0: {  	(pc) =	sbr.rel $0x88, $3  }
0x1: {  	(tag) =	ssettag $0x0;
	lr =	simm.s32 $0x1  }
0x2: {  	[smem:$0x3F9E] =	sst lr;
	_ =	strace $0xD0000000  }
0x3: {  	_ = 	snop  }
0x4: {  	_ = 	snop  }
0x5: {  	_ = 	snop  }
0x6: {  	_ = 	snop  }
0x7: {  	_ = 	snop  }
__scs_overlays_trampoline_lowered:
0x8: {  	[smem:$0x3FAD] =	sst s0  }
0x9: {  	[smem:$0x3FAE] =	sst s1  }
0xa: {  	[smem:$0x3FAF] =	sst s2  }
0xb: {  	[smem:$0x3FB0] =	sst s3  }
0xc: {  	[smem:$0x3FB1] =	sst s4  }
0xd: {  	[smem:$0x3FB2] =	sst s5  }
0xe: {  	[smem:$0x3FB3] =	sst s6  }
0xf: {  	[smem:$0x3FB4] =	sst s7  }
0x10: {  	[smem:$0x3FB5] =	sst s8  }
0x11: {  	[smem:$0x3FB6] =	sst s9;
	s0 =	simm.s32 @!p0 $0x0  }
0x12: {  	s1 =	sld [smem:$0x3F9C];
	s0 =	simm.s32 @p0 $0x1  }
0x13: {  	[smem:$0x3FB7] =	sst s0;
	s0 =	simm.s32 @!p1 $0x0  }
0x14: {  	s2 =	sld [smem:$0x3F9B];
	s0 =	simm.s32 @p1 $0x1  }
0x15: {  	[smem:$0x3FB8] =	sst s0;
	s0 =	simm.s32 @!p2 $0x0  }
0x16: {  	s3 =	sld [smem:$0x3FDB];
	s0 =	simm.s32 @p2 $0x1  }
0x17: {  	s4 =	simm.s32 $0x1BF5;
	[smem:$0x3FBA] =	sst s0  }
0x18: {  	s0 =	sld [smem:$0x3F9D];
	_ =	swait.ge [sflag:s4], $0x0  }
0x19: {  	s7 =	sld [smem:$0x3F9E]  }
0x1a: {  	s8 =	sadd.s32 $0xFFFFE003, lr  }
0x1b: {  	s9 =	sadd.s32 $0xFFFFFEF7, lr;
	s5 =	simm.s32 $0xFFFFFFFF;
	p2 =	slt.u32 s8, $0xFFFFF086  }
0x1c: {  	p1 =	slt.u32 s9, $0xF7A;
	s5 =	simm.s32 @!p2 $0x0  }
0x1d: {  	s5 =	simm.s32 @p1 $0x1;
	p0 =	seq.s32 s7, s2  }
0x1e: {  	s7 =	smul.u32 @!p0 $0xF7A, s2;
	p2 =	seq.s32 @!p0 s5, $0x0  }
0x1f: {  	s9 =	smul.u32 $0xF7A, s1;
	s8 =	simm.s32 @!p0 $0x1BF5;
	p2 =	por !p2, p0  }
0x20: {  	[sflag:s8] =	ssyncset.s32 @!p0 $0xFFFFF086;
	s6 =	sadd.s32 @!p0 s3, s7;
	s7 =	simm.s32 @!p0 $0x108  }
0x21: {  	s3 =	sadd.s32 s3, s9;
	s6 =	sadd.s32 @!p0 $0x88, s6;
	s7 =	simm.s32 @p2 $0x1082  }
0x22: {  	[simem:s7], [sflag:s8] =	dma.local @!p0 [hbm:s6], $0xF7A  }
0x23: {  	s9 =	sor.u32 $0xD0000000, s2;
	s6 =	simm.s32 $0x108;
	_ =	swait.ge @!p0 [sflag:s8], $0x0  }
0x24: {  	s3 =	sadd.s32 $0x88, s3;
	s6 =	simm.s32 @!p1 $0x1082;
	[sflag:s4] =	ssyncset.s32 $0xFFFFF086  }
0x25: {  	[simem:s6], [sflag:s4] =	dma.local [hbm:s3], $0xF7A  }
0x26: {  	[smem:$0x3F9E] =	sst s1;
	(tag) =	ssettag s2;
	_ =	strace s9  }
0x27: {  	s1 =	sld [smem:$0x3FAE]  }
0x28: {  	s2 =	sld [smem:$0x3FAF]  }
0x29: {  	s4 =	sld [smem:$0x3FB1]  }
0x2a: {  	p0 =	seq.s32 s5, $0x0;
	s5 =	sld [smem:$0x3FB2]  }
0x2b: {  	s6 =	sld [smem:$0x3FB3]  }
0x2c: {  	s7 =	sld [smem:$0x3FB4]  }
0x2d: {  	s3 =	simm.s32 $0x108;
	s8 =	sld [smem:$0x3FB5]  }
0x2e: {  	s3 =	simm.s32 @!p0 $0x1082;
	s9 =	sld [smem:$0x3FB6]  }
0x2f: {  	lr =	sadd.s32 s0, s3;
	s0 =	sld [smem:$0x3FAD]  }
0x30: {  	s3 =	sld [smem:$0x3FB0]  }
0x31: {  	[smem:$0x3FB9] =	sst s10  }
0x32: {  	s10 =	sld [smem:$0x3FB7];
	_ =	sdelay $0x3  }
0x33: {  	p0 =	seq.s32 s10, $0x1;
	s10 =	sld [smem:$0x3FB9];
	_ =	sdelay $0x3  }
0x34: {  	[smem:$0x3FB9] =	sst s10  }
0x35: {  	s10 =	sld [smem:$0x3FB8];
	_ =	sdelay $0x3  }
0x36: {  	p1 =	seq.s32 s10, $0x1;
	s10 =	sld [smem:$0x3FB9];
	_ =	sdelay $0x3  }
0x37: {  	[smem:$0x3FB9] =	sst s10  }
0x38: {  	s10 =	sld [smem:$0x3FBA]  }
0x39: {  	_ = 	snop;
	(pc) =	sbr.ind lr, $3  }
0x3a: {  	_ = 	snop  }
0x3b: {  	_ = 	snop  }
0x3c: {  	p2 =	seq.s32 s10, $0x1;
	s10 =	sld [smem:$0x3FB9]  }
0x3d: {  	_ =	shalt  }
0x3e: {  	_ =	shalt  }
0x3f: {  	_ =	shalt  }
0x40: {  	_ =	shalt  }
0x41: {  	_ =	shalt  }
0x42: {  	_ =	shalt  }
0x43: {  	_ =	shalt  }
0x44: {  	_ =	shalt  }
0x45: {  	_ =	shalt  }
0x46: {  	_ =	shalt  }
0x47: {  	_ =	shalt  }
0x48: {  	_ =	shalt  }
0x49: {  	_ =	shalt  }
0x4a: {  	_ =	shalt  }
0x4b: {  	_ =	shalt  }
0x4c: {  	_ =	shalt  }
0x4d: {  	_ =	shalt  }
0x4e: {  	_ =	shalt  }
0x4f: {  	_ =	shalt  }
0x50: {  	_ =	shalt  }
0x51: {  	_ =	shalt  }
0x52: {  	_ =	shalt  }
0x53: {  	_ =	shalt  }
0x54: {  	_ =	shalt  }
0x55: {  	_ =	shalt  }
0x56: {  	_ =	shalt  }
0x57: {  	_ =	shalt  }
0x58: {  	_ =	shalt  }
0x59: {  	_ =	shalt  }
0x5a: {  	_ =	shalt  }
0x5b: {  	_ =	shalt  }
0x5c: {  	_ =	shalt  }
0x5d: {  	_ =	shalt  }
0x5e: {  	_ =	shalt  }
0x5f: {  	_ =	shalt  }
0x60: {  	_ =	shalt  }
0x61: {  	_ =	shalt  }
0x62: {  	_ =	shalt  }
0x63: {  	_ =	shalt  }
0x64: {  	_ =	shalt  }
0x65: {  	_ =	shalt  }
0x66: {  	_ =	shalt  }
0x67: {  	_ =	shalt  }
0x68: {  	_ =	shalt  }
0x69: {  	_ =	shalt  }
0x6a: {  	_ =	shalt  }
0x6b: {  	_ =	shalt  }
0x6c: {  	_ =	shalt  }
0x6d: {  	_ =	shalt  }
0x6e: {  	_ =	shalt  }
0x6f: {  	_ =	shalt  }
0x70: {  	_ =	shalt  }
0x71: {  	_ =	shalt  }
0x72: {  	_ =	shalt  }
0x73: {  	_ =	shalt  }
0x74: {  	_ =	shalt  }
0x75: {  	_ =	shalt  }
0x76: {  	_ =	shalt  }
0x77: {  	_ =	shalt  }
0x78: {  	_ =	shalt  }
0x79: {  	_ =	shalt  }
0x7a: {  	_ =	shalt  }
0x7b: {  	_ =	shalt  }
0x7c: {  	_ =	shalt  }
0x7d: {  	_ =	shalt  }
0x7e: {  	_ =	shalt  }
0x7f: {  	_ =	shalt  }
0x80: {  	_ =	shalt  }
0x81: {  	_ =	shalt  }
0x82: {  	_ =	shalt  }
0x83: {  	_ =	shalt  }
0x84: {  	_ =	shalt  }
0x85: {  	_ =	shalt  }
0x86: {  	_ =	shalt  }
0x87: {  	_ =	shalt  }
.Lfunc_end0:
.L_simem_size_0:
called_computation.2_lowered:
.L_overlay_start_0:
0x88: {  	s2 =	sld [smem:$0x3FD9]  }
0x89: {  	s3 =	sld [smem:$0x3FFE];
	_ =	sdelay $0x1  }
0x8a: {  	s1 =	srdreg.scid  }
0x8b: {  	s0 =	sand.u32 $0x1, s1  }
0x8c: {  	s17 =	sshll.u32 s0, $0xA;
	s2 =	sadd.s32 s3, s2  }
0x8d: {  	s2 =	sadd.s32 s2, s17  }
0x8e: {  	[smem:$0x3FC5] =	sst s2  }
0x8f: {  	_ = 	snop  }
0x90: {  	s2 =	sld [smem:$0x3FC7];
	(tm) =	ssettm $0x1  }
0x91: {  	s18 =	sld [smem:$0x3FFB];
	_ =	sdelay $0x3  }
0x92: {  	_ =	strace s18  }
0x93: {  	s3 =	sld [smem:$0x3FFC];
	_ =	sdelay $0x3  }
0x94: {  	_ =	strace s3  }
0x95: {  	s3 =	sld [smem:$0x3FFD];
	_ =	sdelay $0x3  }
0x96: {  	_ =	strace s3  }
0x97: {  	_ =	strace $0x8FFFFFFF  }
0x98: {  	s19 =	sld [smem:$0x3FDB];
	_ =	sdelay $0x1  }
0x99: {  	s4 =	simm.s32 $_scs_section_size  }
0x9a: {  	s5 =	simm.s32 $_size__tile_overlayer_lowered;
	s6 =	simm.s32 $_tile_overlayer_lowered  }
0x9b: {  	s22 =	simm.s32 $0x1BFF;
	s21 =	sshll.u32 s6, $0x1;
	s3 =	sadd.s32 s4, s19  }
0x9c: {  	s7 =	simm.s32 $0x0;
	s20 =	sshll.u32 s5, $0x1;
	s5 =	sadd.s32 s21, s3  }
0x9d: {  	[timem:s7], [sflag:s22] =	dma.local [hbm:s5], s20  }
0x9e: {  	_ =	swait.ge [sflag:s22], s20  }
0x9f: {  	s4 =	ssub.s32 $0x0, s20;
	[sflag:s22] =	ssyncset.done $0x0  }
0xa0: {  	[sflag:s22] =	ssyncadd.s32 s4;
	_ =	sdelay $0x1  }
0xa1: {  	s23 =	simm.s32 $0x1B8B  }
0xa2: {  	_ =	swait.ge [sflag:s23], $0x1  }
0xa3: {  	[sflag:s23] =	ssyncset.done $0x0  }
0xa4: {  	s25 =	simm.s32 $0x1B8E;
	s24 =	sld [smem:$0x3FFE];
	[sflag:s23] =	ssyncadd.s32 $0xFFFFFFFF  }
0xa5: {  	s26 =	simm.s32 $execute0_lowered;
	[smem:$0x3FD2] =	sst s25  }
0xa6: {  	s5 =	sshll.u32 s26, $0x1;
	_ =	strace $0x8000004C;
	[dreg:$0x1] =	wrdreg $0xFFFFFFFF  }
0xa7: {  	s28 =	simm.s32 $_size_execute0_lowered;
	s3 =	sadd.s32 s3, s5;
	[dreg:$0x0] =	wrdreg $0x0  }
0xa8: {  	s5 =	sshll.u32 s28, $0x1;
	[dreg:$0x2] =	wrdreg s3  }
0xa9: {  	[dreg:$0x3] =	wrdreg s5  }
0xaa: {  	[dreg:$0x4] =	wrdreg $0xC0  }
0xab: {  	_ =	task [dreg:s7], $0x5FFFF  }
0xac: {  	[dreg:$0x1] =	wrdreg $0xFFFFFFFF  }
0xad: {  	[dreg:$0x0] =	wrdreg $0x60  }
0xae: {  	[dreg:$0x2] =	wrdreg s24  }
0xaf: {  	[dreg:$0x3] =	wrdreg s2  }
0xb0: {  	[dreg:$0x4] =	wrdreg $0x9  }
0xb1: {  	_ =	task.clear_ibuf [dreg:s7], $0x5FFFF;
	_ =	strace $0x9000004C  }
0xb2: {  	s29 =	simm.s32 $0x9;
	_ =	strace $0x8000004E  }
0xb3: {  	_ =	swait.ge [sflag:s29], $0x1  }
0xb4: {  	[sflag:s29] =	ssyncadd.s32 $0xFFFFFFFF  }
0xb5: {  	_ =	strace $0x9000004E  }
0xb6: {  	_ =	sfence  }
0xb7: {  	s30 =	sld [smem:$0x0];
	_ =	sdelay $0x2  }
0xb8: {  	s31 =	sshll.u32 s1, $0xD;
	s1 =	sshrl.u32 s1, $0x2  }
0xb9: {  	s3 =	sand.u32 $0x4000, s31;
	s1 =	sadd.s32 s1, s30  }
0xba: {  	s0 =	sor.u32 s3, s0;
	s1 =	sshll.u32 s1, $0x11  }
0xbb: {  	s0 =	sor.u32 s1, s0  }
0xbc: {  	s0 =	sadd.s32 $0x8F2B, s0  }
0xbd: {  	[sflag:s0] =	ssyncadd.remote.s32 $0x1  }
0xbe: {  	_ =	sfence.sel $0xFFFF  }
0xbf: {  	[dreg:$0x0] =	wrdreg $0xFFFFFFFF;
	(pc) =	sbr.abs _section_cstart, $3  }
0xc0: {  	[dreg:$0x1] =	wrdreg $0xFFFFFFFF  }
0xc1: {  	_ =	task.clear_ibuf [dreg:s7], $0x2FFFF;
	_ =	strace $0x9FFFFFFF  }
0xc2: {  	(tm) =	ssettm $0x7FFFFFFF  }
0xc3: {  	_ =	shalt  }
tec
execute0_lowered:
.L_overlay_start_1:
0x0: {  	(tag) =	ssettag $0x1  }
0x1: {  	s0 =	rddreg [dreg:$0x0]  }
0x2: {  	s6 =	simm.s32 $0x0;
	s1 =	srdreg.scid;
	s2 =	stileid.u32  }
0x3: {  	[smem:$0x7FF] =	sst s6;
	s1 =	sand.u32 $0x1, s1;
	s2 =	sshll.u32 s2, $0x1  }
0x4: {  	s7 =	sadd.s32 $0x80800, s0;
	_ =	strace $0x8000004D;
	s2 =	sor.u32 s1, s2  }
0x5: {  	s1 =	ssub.s32 $0x2, s1;
	[dreg:$0x3] =	wrdreg s7;
	s3 =	sshll.u32 s2, $0x9  }
0x6: {  	s4 =	sshll.u32 s2, $0x6;
	s2 =	sshll.u32 s2, $0x4;
	s3 =	sadd.s32 s3, s0  }
.Ltmp0:
0x7: {  	s4 =	sadd.s32 s4, s0;
	s0 =	sadd.s32 s0, s2;
	(pc) =	sbr.rel .LBB2_1-.Ltmp0, $4  }
0x8: {  	s5 =	sshrl.u32 s1, $0x1;
	s4 =	sadd.s32 $0x80C00, s4;
	[dreg:$0x6] =	wrdreg s0  }
0x9: {  	s1 =	ssub.s32 s1, s5;
	s3 =	sadd.s32 $0x800, s3;
	[dreg:$0x4] =	wrdreg s4  }
0xa: {  	s14 =	simm.s32 $0x2200;
	s31 =	smax.u32 s1, $0x1;
	[dreg:$0x5] =	wrdreg s3  }
0xb: {  	v0 =	vimm.f32 $0.0e+00;
	s2 =	simm.s32 $0x0;
	s1 =	simm.s32 $0x1;
	[dreg:$0x7] =	wrdreg s31  }
.LBB2_10:
0xc: {  	v1 =	vld [tilespmem:$0x1C200];
	_ =	sdelay $0x4  }
0xd: {  	v1 =	vmul.f32 $9.536743160e-07, v1;
	_ =	sdelay $0x1  }
0xe: {  	s6 =	simm.s32 $0x0;
	s0 =	rddreg [dreg:$0x6];
	s1 =	simm.s32 $0x1C200;
	[tilespmem:$0x1C200] =	vst v1  }
0xf: {  	[hbm4b:s0+s6] =	stream.linear.scatter [tilespmem:s1], [sflag:$0x1], $0x80, $0x38;
	[tilespmem:$0x1C280] =	vst v63  }
0x10: {  	s1 =	simm.s32 $0x1  }
0x11: {  	_ =	swait.ge [sflag:s1], $0x80  }
0x12: {  	s2 =	rddreg [dreg:$0x8]  }
0x13: {  	s31 =	rddreg [dreg:$0x7];
	s2 =	sadd.s32 $0x1, s2  }
0x14: {  	p0 =	sne.s32 s2, s31  }
.Ltmp1:
0x15: {  	_ = 	snop;
	(pc) =	sbr.rel @!p0 .LBB2_11-.Ltmp1, $3  }
0x16: {  	_ =	sdelay $0x1  }
0x17: {  	[sflag:s1] =	ssyncset.done $0x0  }
0x18: {  	[sflag:s1] =	ssyncadd.s32 $0xFFFFFF80  }
.LBB2_1:
0x19: {  	[dreg:$0x8] =	wrdreg s2  }
0x1a: {  	s0 =	rddreg [dreg:$0x4]  }
0x1b: {  	[tilespmem:s6], [sflag:$0x1] =	stream.linear.gather [hbm4b:s0+s6], $0x200, $0x38;
	[tilespmem:$0x1C280] =	vst v63  }
0x1c: {  	_ =	swait.ge [sflag:s1], $0x200  }
0x1d: {  	[sflag:s1] =	ssyncset.done $0x0  }
0x1e: {  	s30 =	simm.s32 $0x1A200;
	s29 =	rddreg [dreg:$0x3];
	[sflag:s1] =	ssyncadd.s32 $0xFFFFFE00  }
0x1f: {  	[tilespmem:s30], [sflag:$0x1] =	stream.linear.gather [hbm4b:s29+s6], $0x2000, $0x38;
	[tilespmem:$0x1C280] =	vst v63  }
.Ltmp2:
0x20: {  	_ = 	snop;
	(pc) =	sbr.rel .LBB2_2-.Ltmp2, $4  }
0x21: {  	_ =	swait.ge [sflag:s1], $0x2000  }
0x22: {  	[sflag:s1] =	ssyncset.done $0x0  }
0x23: {  	s31 =	simm.s32 $0xFFFFF400;
	[sflag:s1] =	ssyncadd.s32 $0xFFFFE000  }
0x24: {  	s5 =	simm.s32 $0x0;
	[tilespmem:$0x1C200] =	vst v0;
	[smem:$0x0] =	sst s31  }
.LBB2_9:
0x25: {  	s5 =	rddreg [dreg:$0x9]  }
0x26: {  	s5 =	sadd.s32 $0x1, s5  }
0x27: {  	p0 =	sne.s32 s5, $0x20  }
.Ltmp3:
0x28: {  	_ = 	snop;
	(pc) =	sbr.rel @!p0 .LBB2_10-.Ltmp3, $1  }
0x29: {  	_ =	sdelay $0x3  }
.LBB2_2:
0x2a: {  	s0 =	sand.u32 $0x7, s5  }
0x2b: {  	p0 =	sne.s32 s0, $0x0  }
0x2c: {  	s2 =	rddreg [dreg:$0x5];
	s1 =	sshll.u32 @!p0 s5, $0x4;
	s3 =	simm.s32 @!p0 $0x20000  }
0x2d: {  	s4 =	simm.s32 @!p0 $0x200;
	s1 =	sadd.s32 @!p0 s1, s2;
	s2 =	simm.s32 @!p0 $0x400  }
0x2e: {  	[tilespmem:s4], [sflag:$0x1] =	stream.strided.gather @!p0 [hbm4b:s1+s2], $0x2000, s3, s2, $0x38;
	[tilespmem:$0x1C280] =	vst v63  }
0x2f: {  	s1 =	simm.s32 @!p0 $0x1  }
0x30: {  	_ =	swait.ge @!p0 [sflag:s1], $0x2000  }
0x31: {  	s29 =	sshll.u32 s5, $0x4;
	[sflag:s1] =	ssyncset.done @!p0 $0x0  }
0x32: {  	s30 =	sand.u32 $0x3FFFFFF0, s29;
	[sflag:s1] =	ssyncadd.s32 @!p0 $0xFFFFE000  }
0x33: {  	v1 =	vld [tilespmem:s30+$0x0];
	_ =	sdelay $0x4  }
0x34: {  	v2 =	vxor.u32 $0x80000000, v1  }
0x35: {  	(xrf0) =	vmax.scan.msk.u32 $0xffff, v2;
	_ =	sdelay $0x5  }
0x36: {  	v2, _, _ =	vpop (xrf0)  }
0x37: {  	(v2sf) =	vpush v2, $0xF;
	_ =	sdelay $0xe  }
0x38: {  	s31 =	spop (v2sf)  }
0x39: {  	p0 =	slt.u32 s31, $0x800F4200  }
.Ltmp4:
0x3a: {  	_ = 	snop;
	(pc) =	sbr.rel @p0 .LBB2_4-.Ltmp4, $2  }
0x3b: {  	_ =	sdelay $0x2  }
0x3c: {  	s24 =	sshll.u32 s0, $0x4;
	[dreg:$0x9] =	wrdreg s5;
	vm0 =	vgt.s32 v1, $0xF41FF  }
0x3d: {  	v6 =	vld [tilespmem:s24+$0x200]  }
0x3e: {  	v8 =	vld [tilespmem:s24+$0x280]  }
0x3f: {  	v10 =	vld [tilespmem:s24+$0x300]  }
0x40: {  	v12 =	vld [tilespmem:s24+$0x380]  }
0x41: {  	v14 =	vld [tilespmem:s24+$0x400]  }
0x42: {  	v16 =	vld [tilespmem:s24+$0x480]  }
0x43: {  	v18 =	vld [tilespmem:s24+$0x500]  }
0x44: {  	v20 =	vld [tilespmem:s24+$0x580]  }
0x45: {  	v22 =	vld [tilespmem:s24+$0x600]  }
0x46: {  	v24 =	vld [tilespmem:s24+$0x680]  }
0x47: {  	v26 =	vld [tilespmem:s24+$0x700]  }
0x48: {  	v28 =	vld [tilespmem:s24+$0x780]  }
0x49: {  	v30 =	vld [tilespmem:s24+$0x800]  }
0x4a: {  	v32 =	vld [tilespmem:s24+$0x880]  }
0x4b: {  	v34 =	vld [tilespmem:s24+$0x900]  }
0x4c: {  	v36 =	vld [tilespmem:s24+$0x980]  }
0x4d: {  	v38 =	vld [tilespmem:s24+$0xA00]  }
0x4e: {  	v40 =	vld [tilespmem:s24+$0xA80]  }
0x4f: {  	v42 =	vld [tilespmem:s24+$0xB00]  }
0x50: {  	v44 =	vld [tilespmem:s24+$0xB80]  }
0x51: {  	v2 =	vadd.s32 $0xFFF0BE00, v1;
	v46 =	vld [tilespmem:s24+$0xC00]  }
0x52: {  	v48 =	vld [tilespmem:s24+$0xC80];
	vm1 =	vgt.s32 v2, $0x0  }
0x53: {  	v50 =	vld [tilespmem:s24+$0xD00];
	v2 =	vnsel vm1, $0x0, v2  }
0x54: {  	v52 =	vld [tilespmem:s24+$0xD80];
	v2 =	vmin.u32 v2, $0x3F  }
0x55: {  	v54 =	vld [tilespmem:s24+$0xE00];
	v3 =	vor.u32 $0x80, v2  }
0x56: {  	v56 =	vld [tilespmem:s24+$0xE80];
	v4 =	vor.u32 $0x100, v2  }
0x57: {  	v58 =	vld [tilespmem:s24+$0xF00];
	v7 =	vor.u32 $0x180, v2  }
0x58: {  	s0 =	simm.s32 $0x1A200;
	v60 =	vld [tilespmem:s24+$0xF80];
	v9 =	vor.u32 $0x200, v2  }
0x59: {  	v11 =	vor.u32 $0x280, v2;
	v5 =	vld.idx.msk [tilespmem:v2+s0+$0x0], $0xffff  }
0x5a: {  	v13 =	vor.u32 $0x300, v2;
	v3 =	vld.idx.msk [tilespmem:v3+s0+$0x0], $0xffff  }
0x5b: {  	v15 =	vor.u32 $0x380, v2;
	v4 =	vld.idx.msk [tilespmem:v4+s0+$0x0], $0xffff  }
0x5c: {  	v17 =	vor.u32 $0x400, v2;
	v7 =	vld.idx.msk [tilespmem:v7+s0+$0x0], $0xffff  }
0x5d: {  	v19 =	vor.u32 $0x480, v2;
	v9 =	vld.idx.msk [tilespmem:v9+s0+$0x0], $0xffff  }
0x5e: {  	v21 =	vor.u32 $0x500, v2;
	v11 =	vld.idx.msk [tilespmem:v11+s0+$0x0], $0xffff  }
0x5f: {  	v23 =	vor.u32 $0x580, v2;
	v13 =	vld.idx.msk [tilespmem:v13+s0+$0x0], $0xffff  }
0x60: {  	v25 =	vor.u32 $0x600, v2;
	v15 =	vld.idx.msk [tilespmem:v15+s0+$0x0], $0xffff  }
0x61: {  	v27 =	vor.u32 $0x680, v2;
	v17 =	vld.idx.msk [tilespmem:v17+s0+$0x0], $0xffff  }
0x62: {  	v29 =	vor.u32 $0x700, v2;
	v19 =	vld.idx.msk [tilespmem:v19+s0+$0x0], $0xffff  }
0x63: {  	v31 =	vor.u32 $0x780, v2;
	v21 =	vld.idx.msk [tilespmem:v21+s0+$0x0], $0xffff  }
0x64: {  	v33 =	vor.u32 $0x800, v2;
	v23 =	vld.idx.msk [tilespmem:v23+s0+$0x0], $0xffff  }
0x65: {  	v35 =	vor.u32 $0x880, v2;
	v25 =	vld.idx.msk [tilespmem:v25+s0+$0x0], $0xffff  }
0x66: {  	v37 =	vor.u32 $0x900, v2;
	v27 =	vld.idx.msk [tilespmem:v27+s0+$0x0], $0xffff  }
0x67: {  	v39 =	vor.u32 $0x980, v2;
	v29 =	vld.idx.msk [tilespmem:v29+s0+$0x0], $0xffff  }
0x68: {  	v41 =	vor.u32 $0xA00, v2;
	v31 =	vld.idx.msk [tilespmem:v31+s0+$0x0], $0xffff  }
0x69: {  	v43 =	vor.u32 $0xA80, v2;
	v33 =	vld.idx.msk [tilespmem:v33+s0+$0x0], $0xffff  }
0x6a: {  	v45 =	vor.u32 $0xB00, v2;
	v35 =	vld.idx.msk [tilespmem:v35+s0+$0x0], $0xffff  }
0x6b: {  	v47 =	vor.u32 $0xB80, v2;
	v37 =	vld.idx.msk [tilespmem:v37+s0+$0x0], $0xffff  }
0x6c: {  	v49 =	vor.u32 $0xC00, v2;
	v39 =	vld.idx.msk [tilespmem:v39+s0+$0x0], $0xffff  }
0x6d: {  	v51 =	vor.u32 $0xC80, v2;
	v41 =	vld.idx.msk [tilespmem:v41+s0+$0x0], $0xffff  }
0x6e: {  	v53 =	vor.u32 $0xD00, v2;
	v43 =	vld.idx.msk [tilespmem:v43+s0+$0x0], $0xffff  }
0x6f: {  	v55 =	vor.u32 $0xD80, v2;
	v45 =	vld.idx.msk [tilespmem:v45+s0+$0x0], $0xffff  }
0x70: {  	v57 =	vor.u32 $0xE00, v2;
	v47 =	vld.idx.msk [tilespmem:v47+s0+$0x0], $0xffff  }
0x71: {  	v49 =	vld.idx.msk [tilespmem:v49+s0+$0x0], $0xffff  }
0x72: {  	v59 =	vor.u32 $0xE80, v2;
	v51 =	vld.idx.msk [tilespmem:v51+s0+$0x0], $0xffff  }
0x73: {  	v53 =	vld.idx.msk [tilespmem:v53+s0+$0x0], $0xffff  }
0x74: {  	v61 =	vor.u32 $0xF00, v2;
	v55 =	vld.idx.msk [tilespmem:v55+s0+$0x0], $0xffff  }
0x75: {  	v5 =	vsub.f32 v6, v5;
	v6 =	vld.idx.msk [tilespmem:v57+s0+$0x0], $0xffff  }
0x76: {  	v62 =	vor.u32 $0xF80, v2;
	v9 =	vsub.f32 v14, v9;
	v14 =	vld [tilespmem:s24+$0x1000]  }
0x77: {  	v3 =	vsub.f32 v8, v3;
	v8 =	vld.idx.msk [tilespmem:v59+s0+$0x0], $0xffff  }
0x78: {  	v63 =	vor.u32 $0x1000, v2;
	v4 =	vsub.f32 v10, v4;
	v10 =	vld [tilespmem:s24+$0x1080]  }
0x79: {  	v11 =	vsub.f32 v16, v11;
	v16 =	vld.idx.msk [tilespmem:v61+s0+$0x0], $0xffff  }
0x7a: {  	v59 =	vsub.f32 v18, v13;
	v13 =	vld [tilespmem:s24+$0x1100]  }
0x7b: {  	v15 =	vsub.f32 v20, v15;
	v20 =	vld.idx.msk [tilespmem:v62+s0+$0x0], $0xffff  }
0x7c: {  	v7 =	vsub.f32 v12, v7;
	v17 =	vsub.f32 v22, v17;
	v22 =	vld [tilespmem:s24+$0x1180]  }
0x7d: {  	v19 =	vsub.f32 v24, v19;
	v24 =	vor.u32 $0x1100, v2;
	v12 =	vld.idx.msk [tilespmem:v63+s0+$0x0], $0xffff;
	v5 =	vmul.f32 v5, v5  }
0x7e: {  	v50 =	vsub.f32 v50, v45;
	v45 =	vld [tilespmem:s24+$0x1800];
	v3 =	vmul.f32 v3, v3;
	v11 =	vmul.f32 v11, v11  }
0x7f: {  	v18 =	vor.u32 $0x1080, v2;
	v9 =	vmul.f32 v9, v9;
	v63 =	vmul.f32 v19, v19;
	v19 =	vld [tilespmem:s24+$0x1200]  }
0x80: {  	v7 =	vmul.f32 v7, v7;
	v61 =	vmul.f32 v15, v15;
	v3 =	vadd.f32 v11, v3;
	v11 =	vld [tilespmem:s24+$0x1280]  }
0x81: {  	v5 =	vadd.f32 v9, v5;
	v9 =	vmul.f32 v59, v59;
	v59 =	vsub.f32 v34, v29;
	v29 =	vld [tilespmem:s24+$0x1380]  }
0x82: {  	v57 =	vor.u32 $0x1180, v2;
	v4 =	vmul.f32 v4, v4;
	v34 =	vld [tilespmem:s24+$0x1600]  }
0x83: {  	v62 =	vmul.f32 v17, v17;
	v7 =	vadd.f32 v61, v7;
	v61 =	vsub.f32 v26, v21;
	v21 =	vld.idx.msk [tilespmem:v24+s0+$0x0], $0xffff  }
0x84: {  	v32 =	vsub.f32 v32, v27;
	v15 =	vor.u32 $0x1200, v2;
	v13 =	vsub.f32 v13, v16;
	v16 =	vld [tilespmem:s24+$0x1980]  }
0x85: {  	v4 =	vadd.f32 v9, v4;
	v9 =	vld.idx.msk [tilespmem:v18+s0+$0x0], $0xffff;
	v5 =	vadd.f32 v62, v5  }
0x86: {  	v3 =	vadd.f32 v63, v3;
	v63 =	vsub.f32 v30, v25;
	v25 =	vld [tilespmem:s24+$0x1300]  }
0x87: {  	v26 =	vor.u32 $0x1280, v2;
	v62 =	vsub.f32 v28, v23;
	v28 =	vld.idx.msk [tilespmem:v57+s0+$0x0], $0xffff;
	v57 =	vsub.f32 v44, v39  }
0x88: {  	v44 =	vsub.f32 v46, v41;
	v46 =	vsub.f32 v48, v43;
	v43 =	vld [tilespmem:s24+$0x1780]  }
0x89: {  	v24 =	vmul.f32 v32, v32;
	v17 =	vmul.f32 v61, v61;
	v61 =	vor.u32 $0x1300, v2;
	v15 =	vld.idx.msk [tilespmem:v15+s0+$0x0], $0xffff  }
0x8a: {  	v48 =	vor.u32 $0x1580, v2;
	v23 =	vmul.f32 v63, v63;
	v63 =	vsub.f32 v36, v31;
	v31 =	vld [tilespmem:s24+$0x1480]  }
0x8b: {  	v18 =	vmul.f32 v62, v62;
	v36 =	vsub.f32 v38, v33;
	v38 =	vsub.f32 v40, v35;
	v35 =	vld [tilespmem:s24+$0x1500]  }
0x8c: {  	v4 =	vadd.f32 v17, v4;
	v62 =	vmul.f32 v59, v59;
	v3 =	vadd.f32 v24, v3;
	v24 =	vld.idx.msk [tilespmem:v26+s0+$0x0], $0xffff  }
0x8d: {  	v7 =	vadd.f32 v18, v7;
	v18 =	vld [tilespmem:s24+$0x1400]  }
0x8e: {  	v4 =	vadd.f32 v62, v4;
	v62 =	vmul.f32 v57, v57;
	v57 =	vsub.f32 v52, v47;
	v47 =	vld [tilespmem:s24+$0x1B80]  }
0x8f: {  	v42 =	vsub.f32 v42, v37;
	v40 =	vor.u32 $0x1400, v2;
	v30 =	vld.idx.msk [tilespmem:v61+s0+$0x0], $0xffff  }
0x90: {  	v59 =	vor.u32 $0x1480, v2;
	v5 =	vadd.f32 v23, v5;
	v37 =	vld.idx.msk [tilespmem:v48+s0+$0x0], $0xffff;
	v48 =	vsub.f32 v56, v51  }
0x91: {  	v26 =	vmul.f32 v36, v36;
	v51 =	vsub.f32 v60, v55;
	v55 =	vsub.f32 v22, v20;
	v20 =	vld [tilespmem:s24+$0x1900]  }
0x92: {  	v17 =	vmul.f32 v63, v63;
	v22 =	vld [tilespmem:s24+$0x1B00]  }
0x93: {  	v6 =	vsub.f32 v14, v6;
	v32 =	vmul.f32 v44, v44;
	v5 =	vadd.f32 v26, v5;
	v26 =	vld [tilespmem:s24+$0x1580]  }
0x94: {  	v27 =	vmul.f32 v38, v38;
	v61 =	vmul.f32 v42, v42;
	v7 =	vadd.f32 v17, v7;
	v17 =	vld.idx.msk [tilespmem:v40+s0+$0x0], $0xffff  }
0x95: {  	v33 =	vmul.f32 v46, v46;
	v44 =	vor.u32 $0x1A80, v2;
	v23 =	vor.u32 $0x1380, v2;
	v36 =	vld.idx.msk [tilespmem:v59+s0+$0x0], $0xffff  }
0x96: {  	v63 =	vor.u32 $0x1500, v2;
	v3 =	vadd.f32 v27, v3;
	v4 =	vadd.f32 v61, v4;
	v40 =	vld [tilespmem:s24+$0x1680]  }
0x97: {  	v61 =	vsub.f32 v54, v49;
	v49 =	vsub.f32 v58, v53;
	v58 =	vmul.f32 v55, v55;
	v55 =	vld [tilespmem:s24+$0x1D00]  }
0x98: {  	v38 =	vmul.f32 v50, v50;
	v50 =	vor.u32 $0x1700, v2;
	v5 =	vadd.f32 v32, v5;
	v32 =	vld [tilespmem:s24+$0x1700]  }
0x99: {  	v8 =	vsub.f32 v10, v8;
	v3 =	vadd.f32 v33, v3;
	v33 =	vld [tilespmem:s24+$0x1880]  }
0x9a: {  	v12 =	vsub.f32 v19, v12;
	v56 =	vor.u32 $0x1880, v2;
	v46 =	vsub.f32 v31, v24;
	v24 =	vld.idx.msk [tilespmem:v44+s0+$0x0], $0xffff  }
0x9b: {  	v6 =	vmul.f32 v6, v6;
	v8 =	vmul.f32 v8, v8;
	v60 =	vor.u32 $0x1980, v2;
	v23 =	vld.idx.msk [tilespmem:v23+s0+$0x0], $0xffff  }
0x9c: {  	v12 =	vmul.f32 v12, v12;
	v52 =	vor.u32 $0x1780, v2;
	v9 =	vsub.f32 v11, v9;
	v27 =	vld.idx.msk [tilespmem:v63+s0+$0x0], $0xffff  }
0x9d: {  	v39 =	vmul.f32 v57, v57;
	v57 =	vmul.f32 v13, v13;
	v59 =	vor.u32 $0x1600, v2;
	v10 =	vld.idx.msk [tilespmem:v50+s0+$0x0], $0xffff  }
0x9e: {  	v53 =	vmul.f32 v51, v51;
	v54 =	vor.u32 $0x1800, v2;
	v15 =	vsub.f32 v18, v15;
	v18 =	vld [tilespmem:s24+$0x1A80]  }
0x9f: {  	v9 =	vmul.f32 v9, v9;
	v63 =	vmul.f32 v61, v61;
	v61 =	vsub.f32 v25, v21;
	v21 =	vld.idx.msk [tilespmem:v56+s0+$0x0], $0xffff  }
0xa0: {  	v51 =	vor.u32 $0x1B80, v2;
	v7 =	vadd.f32 v62, v7;
	v62 =	vor.u32 $0x1680, v2;
	v13 =	vld.idx.msk [tilespmem:v60+s0+$0x0], $0xffff  }
0xa1: {  	v4 =	vadd.f32 v38, v4;
	v42 =	vmul.f32 v49, v49;
	v38 =	vmul.f32 v61, v61;
	v61 =	vld [tilespmem:s24+$0x1D80]  }
0xa2: {  	v7 =	vadd.f32 v39, v7;
	v39 =	vmul.f32 v48, v48;
	v48 =	vor.u32 $0x1B00, v2;
	v41 =	vld.idx.msk [tilespmem:v59+s0+$0x0], $0xffff  }
0xa3: {  	v49 =	vsub.f32 v35, v30;
	v56 =	vor.u32 $0x1C80, v2;
	v5 =	vadd.f32 v63, v5;
	v11 =	vld.idx.msk [tilespmem:v54+s0+$0x0], $0xffff  }
0xa4: {  	v4 =	vadd.f32 v42, v4;
	v63 =	vor.u32 $0x1A00, v2;
	v7 =	vadd.f32 v53, v7;
	v53 =	vld [tilespmem:s24+$0x1C80]  }
0xa5: {  	v15 =	vmul.f32 v15, v15;
	v3 =	vadd.f32 v39, v3;
	v50 =	vsub.f32 v40, v36;
	v36 =	vld [tilespmem:s24+$0x1E00]  }
0xa6: {  	v59 =	vor.u32 $0x1900, v2;
	v17 =	vsub.f32 v34, v17;
	v54 =	vor.u32 $0x1C00, v2;
	v14 =	vld.idx.msk [tilespmem:v62+s0+$0x0], $0xffff  }
0xa7: {  	v39 =	vor.u32 $0x1E00, v2;
	v5 =	vadd.f32 v6, v5;
	v6 =	vld.idx.msk [tilespmem:v52+s0+$0x0], $0xffff;
	v4 =	vadd.f32 v57, v4  }
0xa8: {  	v62 =	vsub.f32 v29, v28;
	v29 =	vld [tilespmem:s24+$0x1C00];
	v52 =	vmul.f32 v49, v49;
	v3 =	vadd.f32 v8, v3  }
0xa9: {  	v7 =	vadd.f32 v58, v7;
	v8 =	vld [tilespmem:s24+$0x1A00];
	v23 =	vsub.f32 v26, v23;
	v17 =	vmul.f32 v17, v17  }
0xaa: {  	v26 =	vmul.f32 v50, v50;
	v57 =	vsub.f32 v32, v27;
	v58 =	vsub.f32 v43, v37;
	v50 =	vld [tilespmem:s24+$0x2000]  }
0xab: {  	v10 =	vsub.f32 v20, v10;
	v5 =	vadd.f32 v12, v5;
	v42 =	vmul.f32 v62, v62;
	v19 =	vld.idx.msk [tilespmem:v56+s0+$0x0], $0xffff  }
0xac: {  	v37 =	vor.u32 $0x1D80, v2;
	v4 =	vadd.f32 v38, v4;
	v38 =	vld [tilespmem:s24+$0x1E80];
	v13 =	vsub.f32 v47, v13  }
0xad: {  	v43 =	vor.u32 $0x1E80, v2;
	v56 =	vld [tilespmem:s24+$0x2100];
	v3 =	vadd.f32 v9, v3;
	v7 =	vadd.f32 v42, v7  }
0xae: {  	v9 =	vmul.f32 v46, v46;
	v25 =	vld.idx.msk [tilespmem:v63+s0+$0x0], $0xffff;
	v5 =	vadd.f32 v15, v5;
	v4 =	vadd.f32 v52, v4  }
0xaf: {  	v62 =	vor.u32 $0x1D00, v2;
	v12 =	vld.idx.msk [tilespmem:v59+s0+$0x0], $0xffff;
	v60 =	vsub.f32 v45, v41;
	v41 =	vsub.f32 v18, v21  }
0xb0: {  	v23 =	vmul.f32 v23, v23;
	v59 =	vld.idx.msk [tilespmem:v51+s0+$0x0], $0xffff;
	v53 =	vsub.f32 v53, v24;
	v3 =	vadd.f32 v9, v3  }
0xb1: {  	v10 =	vmul.f32 v10, v10;
	v63 =	vld.idx.msk [tilespmem:v54+s0+$0x0], $0xffff;
	v14 =	vsub.f32 v33, v14;
	v6 =	vsub.f32 v16, v6  }
0xb2: {  	v42 =	vld [tilespmem:s24+$0x1F00];
	v7 =	vadd.f32 v23, v7;
	v5 =	vadd.f32 v17, v5;
	v23 =	vmul.f32 v57, v57  }
0xb3: {  	v45 =	vld [tilespmem:s24+$0x1F80];
	v30 =	vmul.f32 v60, v60;
	v8 =	vsub.f32 v8, v11;
	v3 =	vadd.f32 v26, v3  }
0xb4: {  	v9 =	vld.idx.msk [tilespmem:v48+s0+$0x0], $0xffff;
	v26 =	vmul.f32 v58, v58;
	v14 =	vmul.f32 v14, v14;
	v4 =	vadd.f32 v23, v4  }
0xb5: {  	v46 =	vor.u32 $0x1F00, v2;
	v49 =	vld.idx.msk [tilespmem:v39+s0+$0x0], $0xffff;
	v5 =	vadd.f32 v30, v5;
	v52 =	vsub.f32 v29, v25  }
0xb6: {  	v2 =	vor.u32 $0x1F80, v2;
	v54 =	vld [tilespmem:s24+$0x2080];
	v7 =	vadd.f32 v26, v7;
	v3 =	vadd.f32 v14, v3  }
0xb7: {  	v44 =	vld.idx.msk [tilespmem:v37+s0+$0x0], $0xffff;
	v8 =	vmul.f32 v8, v8;
	v12 =	vsub.f32 v22, v12;
	v20 =	vsub.f32 v36, v63  }
0xb8: {  	v48 =	vmul.f32 v13, v13;
	v51 =	vld.idx.msk [tilespmem:v43+s0+$0x0], $0xffff;
	v14 =	vsub.f32 v38, v19;
	v4 =	vadd.f32 v10, v4  }
0xb9: {  	v11 =	vmul.f32 v41, v41;
	v40 =	vld.idx.msk [tilespmem:v62+s0+$0x0], $0xffff;
	v5 =	vadd.f32 v8, v5;
	v9 =	vsub.f32 v55, v9  }
0xba: {  	v6 =	vmul.f32 v6, v6;
	v58 =	vld [tilespmem:s24+$0x2180];
	v55 =	vsub.f32 v61, v59;
	v8 =	vsub.f32 v50, v49  }
0xbb: {  	v2 =	vld.idx.msk [tilespmem:v2+s0+$0x0], $0xffff;
	v47 =	vmul.f32 v12, v12;
	v3 =	vadd.f32 v11, v3;
	v11 =	vmul.f32 v52, v52  }
0xbc: {  	v22 =	vld.idx.msk [tilespmem:v46+s0+$0x0], $0xffff;
	v6 =	vadd.f32 v6, v7;
	v12 =	vmul.f32 v53, v53;
	v57 =	vmul.f32 v20, v20  }
0xbd: {  	v59 =	vmul.f32 v14, v14;
	v60 =	vsub.f32 v45, v44;
	v7 =	vsub.f32 v54, v51  }
0xbe: {  	v9 =	vmul.f32 v9, v9;
	v10 =	vsub.f32 v42, v40;
	v4 =	vadd.f32 v47, v4  }
0xbf: {  	v17 =	vmul.f32 v55, v55;
	v6 =	vadd.f32 v48, v6;
	v5 =	vadd.f32 v11, v5  }
0xc0: {  	v8 =	vmul.f32 v8, v8;
	v3 =	vadd.f32 v12, v3;
	v2 =	vsub.f32 v58, v2  }
0xc1: {  	v7 =	vmul.f32 v7, v7;
	v10 =	vmul.f32 v10, v10;
	v61 =	vsub.f32 v56, v22  }
0xc2: {  	v4 =	vadd.f32 v9, v4;
	v6 =	vadd.f32 v17, v6;
	v9 =	vmul.f32 v60, v60  }
0xc3: {  	v5 =	vadd.f32 v57, v5;
	v3 =	vadd.f32 v59, v3;
	v2 =	vmul.f32 v2, v2  }
0xc4: {  	v62 =	vmul.f32 v61, v61;
	v4 =	vadd.f32 v10, v4;
	v6 =	vadd.f32 v9, v6  }
0xc5: {  	v5 =	vadd.f32 v8, v5;
	v3 =	vadd.f32 v7, v3  }
0xc6: {  	v4 =	vadd.f32 v62, v4;
	v2 =	vadd.f32 v2, v6;
	_ =	sdelay $0x1  }
0xc7: {  	v63 =	vld [tilespmem:$0x1C200];
	v3 =	vadd.f32 v3, v5;
	v2 =	vadd.f32 v2, v4;
	_ =	sdelay $0x1  }
0xc8: {  	v2 =	vadd.f32 v2, v3;
	_ =	sdelay $0x1  }
0xc9: {  	v2 =	vnsel vm0, $0x0, v2  }
0xca: {  	v2 =	vadd.f32 v2, v63;
	_ =	sdelay $0x1  }
0xcb: {  	[tilespmem:$0x1C200] =	vst v2  }
.LBB2_4:
0xcc: {  	v1 =	vsel vm0, $0x40000000, v1  }
0xcd: {  	v2 =	vxor.u32 $0x80000000, v1  }
0xce: {  	(xrf0) =	vmin.scan.msk.u32 $0xffff, v2;
	_ =	sdelay $0x5  }
0xcf: {  	v2, _, _ =	vpop (xrf0)  }
0xd0: {  	(v2sf) =	vpush v2, $0xF;
	_ =	sdelay $0xe  }
0xd1: {  	s26 =	spop (v2sf)  }
0xd2: {  	s25 =	sxor.u32 $0x80000000, s26  }
0xd3: {  	p0 =	sgt.s32 s25, $0x3FFFFFFF  }
.Ltmp5:
0xd4: {  	_ = 	snop;
	(pc) =	sbr.rel @p0 .LBB2_9-.Ltmp5, $1  }
0xd5: {  	_ =	sdelay $0x3  }
0xd6: {  	s0 =	sor.u32 $0x200, s24  }
0xd7: {  	s8 =	sor.u32 $0x280, s24;
	[dreg:$0xa] =	wrdreg s0  }
0xd8: {  	s9 =	sor.u32 $0x300, s24;
	[dreg:$0xb] =	wrdreg s8  }
0xd9: {  	s10 =	sor.u32 $0x380, s24;
	[dreg:$0xc] =	wrdreg s9  }
0xda: {  	s11 =	sor.u32 $0x400, s24;
	[dreg:$0xd] =	wrdreg s10  }
0xdb: {  	s12 =	sor.u32 $0x480, s24;
	[dreg:$0xe] =	wrdreg s11  }
0xdc: {  	s13 =	sor.u32 $0x500, s24;
	[dreg:$0xf] =	wrdreg s12  }
0xdd: {  	s15 =	sor.u32 $0x580, s24;
	[dreg:$0x10] =	wrdreg s13  }
0xde: {  	s16 =	sor.u32 $0x600, s24;
	[dreg:$0x11] =	wrdreg s15  }
0xdf: {  	s17 =	sor.u32 $0x680, s24;
	[dreg:$0x12] =	wrdreg s16  }
0xe0: {  	s18 =	sor.u32 $0x700, s24;
	[dreg:$0x13] =	wrdreg s17  }
0xe1: {  	s19 =	sor.u32 $0x780, s24;
	[dreg:$0x14] =	wrdreg s18  }
0xe2: {  	s20 =	sor.u32 $0x800, s24;
	[dreg:$0x15] =	wrdreg s19  }
0xe3: {  	s21 =	sor.u32 $0x880, s24;
	[dreg:$0x16] =	wrdreg s20  }
0xe4: {  	s22 =	sor.u32 $0x900, s24;
	[dreg:$0x17] =	wrdreg s21  }
0xe5: {  	s23 =	sor.u32 $0x980, s24;
	[dreg:$0x18] =	wrdreg s22  }
0xe6: {  	s1 =	sor.u32 $0xA00, s24;
	[dreg:$0x19] =	wrdreg s23  }
0xe7: {  	s2 =	sor.u32 $0xA80, s24;
	[dreg:$0x1a] =	wrdreg s1  }
0xe8: {  	s3 =	sor.u32 $0xB00, s24;
	[dreg:$0x1b] =	wrdreg s2  }
0xe9: {  	s4 =	sor.u32 $0xB80, s24;
	[dreg:$0x1c] =	wrdreg s3  }
0xea: {  	s5 =	sor.u32 $0xC00, s24;
	[dreg:$0x1d] =	wrdreg s4  }
0xeb: {  	s6 =	sor.u32 $0xC80, s24;
	[dreg:$0x1e] =	wrdreg s5  }
0xec: {  	s7 =	sor.u32 $0xD00, s24;
	[dreg:$0x1f] =	wrdreg s6  }
0xed: {  	[smem:$0x7EE] =	sst s7;
	s8 =	sor.u32 $0xD80, s24  }
0xee: {  	s9 =	sor.u32 $0xE00, s24;
	[smem:$0x7EF] =	sst s8  }
0xef: {  	s10 =	sor.u32 $0xE80, s24;
	[smem:$0x7F0] =	sst s9  }
0xf0: {  	s11 =	sor.u32 $0xF00, s24;
	[smem:$0x7F1] =	sst s10  }
0xf1: {  	s28 =	sor.u32 $0x1500, s24;
	s12 =	sor.u32 $0xF80, s24;
	[smem:$0x7F2] =	sst s11  }
0xf2: {  	s29 =	sor.u32 $0x1580, s24;
	s13 =	sor.u32 $0x1000, s24;
	[smem:$0x7F3] =	sst s12  }
0xf3: {  	s30 =	sor.u32 $0x1600, s24;
	s15 =	sor.u32 $0x1080, s24;
	[smem:$0x7F4] =	sst s13  }
0xf4: {  	s31 =	sor.u32 $0x1680, s24;
	s16 =	sor.u32 $0x1100, s24;
	[smem:$0x7F5] =	sst s15  }
0xf5: {  	s17 =	sor.u32 $0x1180, s24;
	s18 =	sor.u32 $0x1200, s24;
	[smem:$0x7F6] =	sst s16  }
0xf6: {  	s19 =	sor.u32 $0x1280, s24;
	s20 =	sor.u32 $0x1300, s24;
	[smem:$0x7F7] =	sst s17  }
0xf7: {  	s21 =	sor.u32 $0x1380, s24;
	s22 =	sor.u32 $0x1400, s24;
	[smem:$0x7F8] =	sst s18  }
0xf8: {  	s23 =	sor.u32 $0x1480, s24;
	s0 =	sor.u32 $0x1700, s24;
	[smem:$0x7F9] =	sst s19  }
0xf9: {  	s1 =	sor.u32 $0x1780, s24;
	s4 =	sor.u32 $0x1900, s24;
	[smem:$0x7FA] =	sst s20  }
0xfa: {  	s5 =	sor.u32 $0x1980, s24;
	s7 =	sor.u32 $0x1A00, s24;
	[smem:$0x7FB] =	sst s21  }
0xfb: {  	s3 =	sor.u32 $0x1B00, s24;
	s6 =	sor.u32 $0x1C00, s24;
	[smem:$0x7FC] =	sst s22  }
0xfc: {  	s2 =	sor.u32 $0x1C80, s24;
	[smem:$0x7FD] =	sst s23;
	s11 =	sor.u32 $0x1800, s24  }
.Ltmp6:
0xfd: {  	s15 =	sor.u32 $0x1880, s24;
	s8 =	sor.u32 $0x1A80, s24;
	(pc) =	sbr.rel .LBB2_6-.Ltmp6, $4  }
0xfe: {  	s16 =	sor.u32 $0x1B80, s24;
	s12 =	sor.u32 $0x1D00, s24;
	s13 =	sor.u32 $0x1D80, s24  }
0xff: {  	s9 =	sor.u32 $0x1E00, s24;
	s17 =	sor.u32 $0x1E80, s24;
	s10 =	sor.u32 $0x1F00, s24  }
0x100: {  	s18 =	sor.u32 $0x1F80, s24;
	s19 =	sor.u32 $0x2000, s24;
	s20 =	sor.u32 $0x2080, s24  }
0x101: {  	s21 =	sor.u32 $0x2100, s24;
	s24 =	sor.u32 $0x2180, s24;
	s22 =	sld [smem:$0x0]  }
.LBB2_8:
0x102: {  	s25 =	rddreg [dreg:$0xa]  }
0x103: {  	s26 =	rddreg [dreg:$0xb];
	v6 =	vld [tilespmem:s25+$0x0]  }
0x104: {  	v8 =	vld [tilespmem:s26+$0x0];
	s26 =	rddreg [dreg:$0xc]  }
0x105: {  	v2 =	vmov s22;
	v10 =	vld [tilespmem:s26+$0x0];
	s26 =	rddreg [dreg:$0xd]  }
0x106: {  	v2 =	vsub.s32 v1, v2;
	v12 =	vld [tilespmem:s26+$0x0];
	s26 =	rddreg [dreg:$0xe]  }
0x107: {  	vm0 =	vgt.s32 v2, $0x0;
	v14 =	vld [tilespmem:s26+$0x0];
	s26 =	rddreg [dreg:$0xf]  }
0x108: {  	v2 =	vnsel vm0, $0x0, v2;
	v16 =	vld [tilespmem:s26+$0x0];
	s26 =	rddreg [dreg:$0x10]  }
0x109: {  	v2 =	vmin.u32 v2, $0x5FF;
	v18 =	vld [tilespmem:s26+$0x0];
	s26 =	rddreg [dreg:$0x11]  }
0x10a: {  	v3 =	vshll.u32 v2, $0x3;
	v20 =	vld [tilespmem:s26+$0x0];
	s26 =	rddreg [dreg:$0x12]  }
0x10b: {  	v2 =	vand.u32 $0x7F, v2;
	v3 =	vand.u32 $0x3C00, v3;
	v22 =	vld [tilespmem:s26+$0x0];
	s26 =	rddreg [dreg:$0x13]  }
0x10c: {  	v2 =	vor.u32 v2, v3;
	v24 =	vld [tilespmem:s26+$0x0];
	s26 =	rddreg [dreg:$0x14]  }
0x10d: {  	v26 =	vld [tilespmem:s26+$0x0];
	s26 =	rddreg [dreg:$0x15]  }
0x10e: {  	v3 =	vor.u32 $0x80, v2;
	v28 =	vld [tilespmem:s26+$0x0];
	s26 =	rddreg [dreg:$0x16]  }
0x10f: {  	v4 =	vor.u32 $0x100, v2;
	v30 =	vld [tilespmem:s26+$0x0];
	s26 =	rddreg [dreg:$0x17]  }
0x110: {  	v7 =	vor.u32 $0x180, v2;
	v32 =	vld [tilespmem:s26+$0x0]  }
0x111: {  	v9 =	vor.u32 $0x200, v2;
	s26 =	rddreg [dreg:$0x18];
	v5 =	vld.idx.msk [tilespmem:v2+s14+$0x0], $0xffff  }
0x112: {  	v11 =	vor.u32 $0x280, v2;
	v34 =	vld [tilespmem:s26+$0x0]  }
0x113: {  	v13 =	vor.u32 $0x300, v2;
	v3 =	vld.idx.msk [tilespmem:v3+s14+$0x0], $0xffff  }
0x114: {  	v15 =	vor.u32 $0x380, v2;
	v4 =	vld.idx.msk [tilespmem:v4+s14+$0x0], $0xffff  }
0x115: {  	v17 =	vadd.s32 $0x3000, v2;
	v7 =	vld.idx.msk [tilespmem:v7+s14+$0x0], $0xffff  }
0x116: {  	v19 =	vadd.s32 $0x3080, v2;
	v9 =	vld.idx.msk [tilespmem:v9+s14+$0x0], $0xffff  }
0x117: {  	v21 =	vadd.s32 $0x3100, v2;
	v11 =	vld.idx.msk [tilespmem:v11+s14+$0x0], $0xffff  }
0x118: {  	v23 =	vadd.s32 $0x3180, v2;
	v13 =	vld.idx.msk [tilespmem:v13+s14+$0x0], $0xffff  }
0x119: {  	v25 =	vadd.s32 $0x3200, v2;
	v15 =	vld.idx.msk [tilespmem:v15+s14+$0x0], $0xffff  }
0x11a: {  	v27 =	vadd.s32 $0x3280, v2;
	v17 =	vld.idx.msk [tilespmem:v17+s14+$0x0], $0xffff  }
0x11b: {  	v29 =	vadd.s32 $0x3300, v2;
	v19 =	vld.idx.msk [tilespmem:v19+s14+$0x0], $0xffff  }
0x11c: {  	v31 =	vadd.s32 $0x3380, v2;
	v21 =	vld.idx.msk [tilespmem:v21+s14+$0x0], $0xffff  }
0x11d: {  	v23 =	vld.idx.msk [tilespmem:v23+s14+$0x0], $0xffff  }
0x11e: {  	v33 =	vadd.s32 $0x6000, v2;
	v25 =	vld.idx.msk [tilespmem:v25+s14+$0x0], $0xffff  }
0x11f: {  	v35 =	vadd.s32 $0x6080, v2;
	v27 =	vld.idx.msk [tilespmem:v27+s14+$0x0], $0xffff  }
0x120: {  	v37 =	vadd.s32 $0x6100, v2;
	v29 =	vld.idx.msk [tilespmem:v29+s14+$0x0], $0xffff  }
0x121: {  	v39 =	vadd.s32 $0x6180, v2;
	s26 =	rddreg [dreg:$0x19];
	v31 =	vld.idx.msk [tilespmem:v31+s14+$0x0], $0xffff  }
0x122: {  	v41 =	vadd.s32 $0x6200, v2;
	v36 =	vld [tilespmem:s26+$0x0]  }
0x123: {  	v43 =	vadd.s32 $0x6280, v2;
	v33 =	vld.idx.msk [tilespmem:v33+s14+$0x0], $0xffff  }
0x124: {  	v45 =	vadd.s32 $0x6300, v2;
	v35 =	vld.idx.msk [tilespmem:v35+s14+$0x0], $0xffff  }
0x125: {  	v47 =	vadd.s32 $0x6380, v2;
	v37 =	vld.idx.msk [tilespmem:v37+s14+$0x0], $0xffff  }
0x126: {  	v49 =	vadd.s32 $0x9000, v2;
	v39 =	vld.idx.msk [tilespmem:v39+s14+$0x0], $0xffff  }
0x127: {  	v51 =	vadd.s32 $0x9080, v2;
	v41 =	vld.idx.msk [tilespmem:v41+s14+$0x0], $0xffff  }
0x128: {  	v53 =	vadd.s32 $0x9100, v2;
	v43 =	vld.idx.msk [tilespmem:v43+s14+$0x0], $0xffff  }
0x129: {  	v55 =	vadd.s32 $0x9180, v2;
	v45 =	vld.idx.msk [tilespmem:v45+s14+$0x0], $0xffff  }
0x12a: {  	v47 =	vld.idx.msk [tilespmem:v47+s14+$0x0], $0xffff  }
0x12b: {  	v49 =	vld.idx.msk [tilespmem:v49+s14+$0x0], $0xffff  }
0x12c: {  	v51 =	vld.idx.msk [tilespmem:v51+s14+$0x0], $0xffff  }
0x12d: {  	v53 =	vld.idx.msk [tilespmem:v53+s14+$0x0], $0xffff  }
0x12e: {  	s26 =	rddreg [dreg:$0x1a];
	v55 =	vld.idx.msk [tilespmem:v55+s14+$0x0], $0xffff  }
0x12f: {  	v57 =	vadd.s32 $0x9200, v2;
	v38 =	vld [tilespmem:s26+$0x0];
	s26 =	rddreg [dreg:$0x1b]  }
0x130: {  	v59 =	vadd.s32 $0x9280, v2;
	v40 =	vld [tilespmem:s26+$0x0];
	s26 =	rddreg [dreg:$0x1c]  }
0x131: {  	v42 =	vld [tilespmem:s26+$0x0];
	s26 =	rddreg [dreg:$0x1d]  }
0x132: {  	v61 =	vor.u32 $0xC000, v2;
	v44 =	vld [tilespmem:s26+$0x0];
	s26 =	rddreg [dreg:$0x1e];
	v5 =	vsub.f32 v6, v5  }
0x133: {  	v46 =	vld [tilespmem:s26+$0x0];
	v3 =	vsub.f32 v8, v3;
	v63 =	vsub.f32 v14, v9  }
0x134: {  	v60 =	vadd.s32 $0x9300, v2;
	v9 =	vld.idx.msk [tilespmem:v57+s14+$0x0], $0xffff;
	v11 =	vsub.f32 v16, v11;
	v4 =	vsub.f32 v10, v4  }
0x135: {  	s26 =	rddreg [dreg:$0x1f];
	v16 =	vadd.s32 $0x9380, v2;
	v10 =	vld.idx.msk [tilespmem:v59+s14+$0x0], $0xffff;
	v13 =	vsub.f32 v18, v13;
	v7 =	vsub.f32 v12, v7  }
0x136: {  	v15 =	vsub.f32 v20, v15;
	v17 =	vsub.f32 v22, v17;
	v59 =	vor.u32 $0xC100, v2;
	v48 =	vld [tilespmem:s26+$0x0];
	s26 =	sld [smem:$0x7EE]  }
0x137: {  	v22 =	vld.idx.msk [tilespmem:v61+s14+$0x0], $0xffff;
	v5 =	vmul.f32 v5, v5;
	v57 =	vsub.f32 v38, v33;
	v8 =	vmul.f32 v63, v63  }
0x138: {  	v4 =	vmul.f32 v4, v4;
	v62 =	vmul.f32 v13, v13;
	v38 =	vsub.f32 v40, v35;
	v35 =	vld [tilespmem:s28+$0x0]  }
0x139: {  	v23 =	vsub.f32 v28, v23;
	v7 =	vmul.f32 v7, v7;
	v15 =	vmul.f32 v15, v15;
	v50 =	vld [tilespmem:s26+$0x0]  }
0x13a: {  	v63 =	vor.u32 $0xC080, v2;
	v5 =	vadd.f32 v8, v5;
	v8 =	vld.idx.msk [tilespmem:v60+s14+$0x0], $0xffff  }
0x13b: {  	v4 =	vadd.f32 v62, v4;
	v7 =	vadd.f32 v15, v7;
	v62 =	vmul.f32 v23, v23;
	v16 =	vld.idx.msk [tilespmem:v16+s14+$0x0], $0xffff  }
0x13c: {  	v40 =	vadd.s32 $0xF000, v2;
	s26 =	sld [smem:$0x7EF];
	v20 =	vld.idx.msk [tilespmem:v59+s14+$0x0], $0xffff  }
0x13d: {  	v7 =	vadd.f32 v62, v7;
	v62 =	vmul.f32 v57, v57;
	v57 =	vsub.f32 v44, v39;
	v39 =	vld [tilespmem:s0+$0x0]  }
0x13e: {  	v24 =	vsub.f32 v24, v19;
	v30 =	vsub.f32 v30, v25;
	v25 =	vor.u32 $0xC280, v2;
	v44 =	vld [tilespmem:s6+$0x0]  }
0x13f: {  	v21 =	vsub.f32 v26, v21;
	v17 =	vmul.f32 v17, v17;
	v60 =	vor.u32 $0xC180, v2;
	v52 =	vld [tilespmem:s26+$0x0]  }
0x140: {  	v32 =	vsub.f32 v32, v27;
	v34 =	vsub.f32 v34, v29;
	v3 =	vmul.f32 v3, v3;
	v13 =	vld.idx.msk [tilespmem:v63+s14+$0x0], $0xffff  }
0x141: {  	v11 =	vmul.f32 v11, v11;
	v15 =	vmul.f32 v30, v30;
	v5 =	vadd.f32 v17, v5;
	v27 =	vld.idx.msk [tilespmem:v40+s14+$0x0], $0xffff  }
0x142: {  	v36 =	vsub.f32 v36, v31;
	v61 =	vmul.f32 v21, v21;
	v59 =	vor.u32 $0xC300, v2;
	s26 =	sld [smem:$0x7F0];
	v40 =	vld [tilespmem:s31+$0x0]  }
0x143: {  	v3 =	vadd.f32 v11, v3;
	v11 =	vmul.f32 v24, v24;
	v5 =	vadd.f32 v15, v5;
	v15 =	vld.idx.msk [tilespmem:v25+s14+$0x0], $0xffff  }
0x144: {  	v42 =	vsub.f32 v42, v37;
	v4 =	vadd.f32 v61, v4;
	v61 =	vmul.f32 v36, v36;
	v26 =	vld.idx.msk [tilespmem:v60+s14+$0x0], $0xffff  }
0x145: {  	v3 =	vadd.f32 v11, v3;
	v11 =	vmul.f32 v32, v32;
	v63 =	vor.u32 $0xC200, v2;
	v54 =	vld [tilespmem:s26+$0x0];
	s26 =	sld [smem:$0x7F1]  }
0x146: {  	v7 =	vadd.f32 v61, v7;
	v33 =	vmul.f32 v57, v57;
	v60 =	vmul.f32 v34, v34;
	v34 =	vld [tilespmem:s29+$0x0]  }
0x147: {  	v61 =	vsub.f32 v48, v43;
	v48 =	vsub.f32 v50, v45;
	v50 =	vadd.s32 $0xF180, v2;
	v31 =	vld.idx.msk [tilespmem:v59+s14+$0x0], $0xffff  }
0x148: {  	v3 =	vadd.f32 v11, v3;
	v11 =	vmul.f32 v38, v38;
	v56 =	vld [tilespmem:s26+$0x0];
	s26 =	sld [smem:$0x7F2]  }
0x149: {  	v32 =	vmul.f32 v42, v42;
	v7 =	vadd.f32 v33, v7;
	v33 =	vld [tilespmem:s30+$0x0];
	v4 =	vadd.f32 v60, v4  }
0x14a: {  	v59 =	vsub.f32 v46, v41;
	v3 =	vadd.f32 v11, v3;
	v60 =	vadd.s32 $0xF080, v2;
	v21 =	vld.idx.msk [tilespmem:v63+s14+$0x0], $0xffff  }
0x14b: {  	v11 =	vmul.f32 v48, v48;
	v63 =	vor.u32 $0xC380, v2;
	v4 =	vadd.f32 v32, v4;
	v58 =	vld [tilespmem:s26+$0x0];
	s26 =	sld [smem:$0x7F3]  }
0x14c: {  	v5 =	vadd.f32 v62, v5;
	v62 =	vmul.f32 v59, v59;
	v37 =	vld.idx.msk [tilespmem:v50+s14+$0x0], $0xffff  }
0x14d: {  	v59 =	vadd.s32 $0xF200, v2;
	v57 =	vsub.f32 v54, v49;
	v4 =	vadd.f32 v11, v4;
	v11 =	vld [tilespmem:s1+$0x0]  }
0x14e: {  	v52 =	vsub.f32 v52, v47;
	v6 =	vld [tilespmem:s26+$0x0];
	s26 =	sld [smem:$0x7F4]  }
0x14f: {  	v5 =	vadd.f32 v62, v5;
	v36 =	vld.idx.msk [tilespmem:v60+s14+$0x0], $0xffff;
	v62 =	vmul.f32 v57, v57  }
0x150: {  	v32 =	vmul.f32 v52, v52;
	v29 =	vld.idx.msk [tilespmem:v63+s14+$0x0], $0xffff  }
0x151: {  	v63 =	vadd.s32 $0xF100, v2;
	v5 =	vadd.f32 v62, v5;
	v62 =	vsub.f32 v35, v31;
	v14 =	vld [tilespmem:s26+$0x0];
	s26 =	sld [smem:$0x7F5]  }
0x152: {  	v7 =	vadd.f32 v32, v7;
	v32 =	vld.idx.msk [tilespmem:v59+s14+$0x0], $0xffff  }
0x153: {  	v35 =	vmul.f32 v62, v62;
	v62 =	vld [tilespmem:s17+$0x0]  }
0x154: {  	v18 =	vld [tilespmem:s26+$0x0];
	s26 =	sld [smem:$0x7F6]  }
0x155: {  	v43 =	vsub.f32 v40, v36;
	v40 =	vld [tilespmem:s18+$0x0]  }
0x156: {  	v50 =	vadd.s32 $0x12000, v2;
	v38 =	vld.idx.msk [tilespmem:v63+s14+$0x0], $0xffff  }
0x157: {  	v46 =	vmul.f32 v61, v61;
	v63 =	vadd.s32 $0xF280, v2;
	v9 =	vsub.f32 v14, v9;
	v12 =	vld [tilespmem:s26+$0x0];
	s26 =	sld [smem:$0x7F7]  }
0x158: {  	v60 =	vsub.f32 v56, v51;
	v14 =	vld [tilespmem:s11+$0x0]  }
0x159: {  	v48 =	vadd.s32 $0xF380, v2;
	v3 =	vadd.f32 v46, v3;
	v49 =	vmul.f32 v9, v9;
	v9 =	vld [tilespmem:s15+$0x0]  }
0x15a: {  	v47 =	vadd.s32 $0xF300, v2;
	v45 =	vmul.f32 v60, v60;
	v10 =	vsub.f32 v18, v10;
	v19 =	vld [tilespmem:s26+$0x0];
	s26 =	sld [smem:$0x7F8]  }
0x15b: {  	v18 =	vld.idx.msk [tilespmem:v50+s14+$0x0], $0xffff  }
0x15c: {  	v3 =	vadd.f32 v45, v3;
	v10 =	vmul.f32 v10, v10;
	v8 =	vsub.f32 v12, v8;
	v12 =	vld.idx.msk [tilespmem:v63+s14+$0x0], $0xffff  }
0x15d: {  	v24 =	vld [tilespmem:s26+$0x0]  }
0x15e: {  	s26 =	sld [smem:$0x7F9];
	v3 =	vadd.f32 v10, v3;
	v10 =	vld.idx.msk [tilespmem:v48+s14+$0x0], $0xffff  }
0x15f: {  	v52 =	vadd.s32 $0x12080, v2;
	v16 =	vsub.f32 v19, v16;
	v19 =	vld.idx.msk [tilespmem:v47+s14+$0x0], $0xffff  }
0x160: {  	v6 =	vsub.f32 v6, v55;
	v47 =	vld [tilespmem:s2+$0x0]  }
0x161: {  	v45 =	vadd.s32 $0x12380, v2;
	v17 =	vld [tilespmem:s26+$0x0]  }
0x162: {  	v61 =	vsub.f32 v58, v53;
	v6 =	vmul.f32 v6, v6;
	s26 =	sld [smem:$0x7FA];
	v53 =	vmul.f32 v16, v16;
	v16 =	vld [tilespmem:s5+$0x0]  }
0x163: {  	vm1 =	vlt.s32 v1, s23;
	v54 =	vadd.s32 $0x12100, v2;
	v51 =	vsub.f32 v24, v22;
	v22 =	vld [tilespmem:s4+$0x0]  }
0x164: {  	vm15 =	vge.s32 v1, s22;
	v36 =	vadd.s32 $0x15280, v2;
	v6 =	vadd.f32 v6, v7;
	v24 =	vld.idx.msk [tilespmem:v52+s14+$0x0], $0xffff  }
0x165: {  	vm0 =	vmand vm15, vm1;
	v27 =	vsub.f32 v33, v27;
	v23 =	vld [tilespmem:s26+$0x0]  }
0x166: {  	v1 =	vsel vm0, $0x40000000, v1;
	v6 =	vadd.f32 v53, v6;
	v53 =	vld.idx.msk [tilespmem:v45+s14+$0x0], $0xffff  }
0x167: {  	v41 =	vadd.s32 $0x12300, v2;
	v57 =	vadd.s32 $0x12180, v2;
	v27 =	vmul.f32 v27, v27;
	s26 =	sld [smem:$0x7FB];
	v45 =	vld [tilespmem:s19+$0x0]  }
0x168: {  	v11 =	vsub.f32 v11, v37;
	v46 =	vmul.f32 v61, v61;
	v13 =	vsub.f32 v17, v13;
	v17 =	vld.idx.msk [tilespmem:v54+s14+$0x0], $0xffff  }
0x169: {  	v60 =	vadd.s32 $0x12200, v2;
	v42 =	vsub.f32 v34, v29;
	v54 =	vsub.f32 v9, v12;
	v12 =	vld.idx.msk [tilespmem:v36+s14+$0x0], $0xffff  }
0x16a: {  	v4 =	vadd.f32 v46, v4;
	v46 =	vsub.f32 v39, v38;
	v50 =	vmul.f32 v11, v11;
	v30 =	vld [tilespmem:s26+$0x0];
	s26 =	sld [smem:$0x7FC]  }
0x16b: {  	v5 =	vadd.f32 v49, v5;
	v8 =	vmul.f32 v8, v8;
	v56 =	vmul.f32 v13, v13;
	v13 =	vld [tilespmem:s7+$0x0]  }
0x16c: {  	v49 =	vmul.f32 v46, v46;
	v14 =	vsub.f32 v14, v32;
	v55 =	vsub.f32 v23, v20;
	v20 =	vld [tilespmem:s16+$0x0]  }
0x16d: {  	v48 =	vadd.s32 $0x15000, v2;
	v4 =	vadd.f32 v8, v4;
	v7 =	vmul.f32 v51, v51;
	v28 =	vld [tilespmem:s26+$0x0];
	s26 =	sld [smem:$0x7FD]  }
0x16e: {  	v23 =	vmul.f32 v42, v42;
	v42 =	vxor.u32 $0x80000000, v1;
	v8 =	vmul.f32 v55, v55;
	v55 =	vld [tilespmem:s13+$0x0]  }
0x16f: {  	v63 =	vadd.s32 $0x12280, v2;
	v10 =	vsub.f32 v16, v10;
	(xrf0) =	vmin.scan.msk.u32 $0xffff, v42;
	v58 =	vsub.f32 v30, v26;
	v26 =	vld [tilespmem:s3+$0x0]  }
0x170: {  	v14 =	vmul.f32 v14, v14;
	v52 =	vadd.s32 $0x15080, v2;
	v5 =	vadd.f32 v7, v5;
	v25 =	vld [tilespmem:s26+$0x0]  }
0x171: {  	v19 =	vsub.f32 v22, v19;
	v10 =	vmul.f32 v10, v10;
	v4 =	vadd.f32 v8, v4;
	v8 =	vld.idx.msk [tilespmem:v57+s14+$0x0], $0xffff  }
0x172: {  	v3 =	vadd.f32 v56, v3;
	v57 =	vld.idx.msk [tilespmem:v48+s14+$0x0], $0xffff;
	v13 =	vsub.f32 v13, v18;
	v61 =	vmul.f32 v58, v58  }
0x173: {  	v56 =	vadd.s32 $0x15100, v2;
	v58 =	vld [tilespmem:s9+$0x0];
	v21 =	vsub.f32 v28, v21;
	v4 =	vadd.f32 v35, v4  }
0x174: {  	v28 =	vld.idx.msk [tilespmem:v63+s14+$0x0], $0xffff;
	v13 =	vmul.f32 v13, v13;
	v6 =	vadd.f32 v61, v6;
	v9 =	vsub.f32 v55, v53  }
0x175: {  	v63 =	vadd.s32 $0x15200, v2;
	v61 =	vld.idx.msk [tilespmem:v52+s14+$0x0], $0xffff;
	v52, _, _ =	vpop (xrf0);
	v4 =	vadd.f32 v49, v4;
	v38 =	vsub.f32 v26, v17  }
0x176: {  	v48 =	vld [tilespmem:s20+$0x0];
	v21 =	vmul.f32 v21, v21;
	(v2sf) =	vpush v52, $0xF;
	v59 =	vsub.f32 v25, v15  }
0x177: {  	v25 =	vld.idx.msk [tilespmem:v60+s14+$0x0], $0xffff;
	v6 =	vadd.f32 v23, v6;
	v60 =	vmul.f32 v19, v19;
	v8 =	vsub.f32 v20, v8  }
0x178: {  	v9 =	vmul.f32 v9, v9;
	v5 =	vadd.f32 v21, v5;
	v21 =	vld.idx.msk [tilespmem:v41+s14+$0x0], $0xffff;
	v41 =	vadd.s32 $0x15300, v2  }
0x179: {  	v15 =	vld [tilespmem:s8+$0x0];
	v7 =	vmul.f32 v59, v59;
	v6 =	vadd.f32 v50, v6;
	v4 =	vadd.f32 v60, v4  }
0x17a: {  	v51 =	vld [tilespmem:s12+$0x0];
	v59 =	vadd.s32 $0x15180, v2;
	v47 =	vsub.f32 v47, v28;
	v50 =	vsub.f32 v58, v57  }
0x17b: {  	v34 =	vld.idx.msk [tilespmem:v56+s14+$0x0], $0xffff;
	v8 =	vmul.f32 v8, v8;
	v58 =	vsub.f32 v48, v12;
	v5 =	vadd.f32 v27, v5  }
0x17c: {  	v35 =	vld [tilespmem:s10+$0x0];
	v2 =	vadd.s32 $0x15380, v2;
	v19 =	vsub.f32 v62, v61;
	v3 =	vadd.f32 v7, v3  }
0x17d: {  	v7 =	vmul.f32 v43, v43;
	v6 =	vadd.f32 v10, v6;
	v43 =	vld.idx.msk [tilespmem:v63+s14+$0x0], $0xffff;
	v49 =	vmul.f32 v47, v47  }
0x17e: {  	v53 =	vmul.f32 v50, v50;
	v5 =	vadd.f32 v14, v5;
	v37 =	vsub.f32 v15, v24;
	v18 =	vld.idx.msk [tilespmem:v41+s14+$0x0], $0xffff  }
0x17f: {  	v14 =	vmul.f32 v38, v38;
	v44 =	vsub.f32 v44, v25;
	v11 =	vsub.f32 v51, v21;
	v51 =	vld [tilespmem:s21+$0x0]  }
0x180: {  	v3 =	vadd.f32 v7, v3;
	v7 =	vmul.f32 v54, v54;
	v6 =	vadd.f32 v8, v6;
	v39 =	vld.idx.msk [tilespmem:v59+s14+$0x0], $0xffff  }
0x181: {  	v54 =	vld [tilespmem:s24+$0x0];
	v5 =	vadd.f32 v13, v5;
	v4 =	vadd.f32 v14, v4;
	v46 =	vmul.f32 v44, v44  }
0x182: {  	v13 =	vmul.f32 v37, v37;
	v2 =	vld.idx.msk [tilespmem:v2+s14+$0x0], $0xffff;
	v3 =	vadd.f32 v7, v3;
	v6 =	vadd.f32 v9, v6  }
0x183: {  	v11 =	vmul.f32 v11, v11;
	v7 =	vsub.f32 v35, v34;
	v5 =	vadd.f32 v46, v5  }
0x184: {  	v61 =	vmul.f32 v58, v58;
	v57 =	vsub.f32 v45, v43;
	v3 =	vadd.f32 v13, v3  }
0x185: {  	v55 =	vmul.f32 v19, v19;
	v4 =	vadd.f32 v11, v4;
	v56 =	vsub.f32 v40, v39  }
0x186: {  	v7 =	vmul.f32 v7, v7;
	v5 =	vadd.f32 v53, v5;
	v59 =	vsub.f32 v51, v18  }
0x187: {  	v3 =	vadd.f32 v49, v3;
	v2 =	vsub.f32 v54, v2;
	v8 =	vmul.f32 v56, v56  }
0x188: {  	v60 =	vmul.f32 v57, v57;
	v4 =	vadd.f32 v7, v4;
	v62 =	vmul.f32 v59, v59  }
0x189: {  	v3 =	vadd.f32 v55, v3;
	v2 =	vmul.f32 v2, v2;
	v6 =	vadd.f32 v8, v6  }
0x18a: {  	v5 =	vadd.f32 v60, v5;
	v4 =	vadd.f32 v62, v4  }
0x18b: {  	v3 =	vadd.f32 v61, v3;
	v2 =	vadd.f32 v2, v6;
	_ =	sdelay $0x1  }
0x18c: {  	v63 =	vld [tilespmem:$0x1C200];
	s26 =	spop (v2sf);
	v3 =	vadd.f32 v3, v5;
	v2 =	vadd.f32 v2, v4  }
0x18d: {  	s25 =	sxor.u32 $0x80000000, s26  }
0x18e: {  	p0 =	slt.s32 s25, $0x40000000;
	v2 =	vadd.f32 v2, v3  }
.Ltmp7:
0x18f: {  	_ = 	snop;
	(pc) =	sbr.rel @!p0 .LBB2_9-.Ltmp7, $3  }
0x190: {  	v2 =	vnsel vm0, $0x0, v2  }
0x191: {  	v2 =	vadd.f32 v2, v63;
	_ =	sdelay $0x1  }
0x192: {  	[tilespmem:$0x1C200] =	vst v2  }
.LBB2_6:
0x193: {  	_ =	sdelay $0x1  }
0x194: {  	p0 =	slt.s32 s25, s22;
	s23 =	sadd.s32 $0x600, s22  }
0x195: {  	p1 =	slt.s32 @!p0 s25, s23  }
0x196: {  	p0 =	por p0, !p1  }
.Ltmp8:
0x197: {  	_ = 	snop;
	(pc) =	sbr.rel @!p0 .LBB2_8-.Ltmp8, $1  }
0x198: {  	_ =	sdelay $0x3  }
0x199: {  	p0 =	slt.s32 s25, $0x1;
	p1 =	sgt.s32 s26, $0xFFFFFFFF;
	s22 =	sand.u32 $0x7F, s26  }
0x19a: {  	s23 =	sshra.s32 s25, $0x1F;
	p0 =	por p1, p0;
	p6 =	sne.s32 s22, $0x0  }
0x19b: {  	s23 =	sshrl.u32 s23, $0x19;
	p0 =	por !p6, !p0  }
0x19c: {  	s22 =	sadd.s32 s23, s25;
	s23 =	simm.s32 $0x1;
	p0 =	por !p0, !p0  }
0x19d: {  	s22 =	sshrl.u32 s22, $0x7;
	s23 =	simm.s32 @!p0 $0x0  }
0x19e: {  	s22 =	ssub.s32 s22, s23  }
0x19f: {  	s22 =	sshll.u32 s22, $0x7  }
0x1a0: {  	p0 =	slt.s32 s22, $0xF3C00  }
0x1a1: {  	s25 =	rddreg [dreg:$0x1];
	s22 =	simm.s32 @!p0 $0xF3C00  }
0x1a2: {  	s26 =	simm.s32 $0x7A1400;
	s23 =	sadd.s32 s25, s22;
	s25 =	simm.s32 $0x3000  }
0x1a3: {  	[tilespmem:s14], [sflag:$0x1] =	stream.strided.gather [hbm4b:s23+s25], $0x18000, s26, s25, $0x38;
	[tilespmem:$0x1C280] =	vst v63  }
.Ltmp9:
0x1a4: {  	_ = 	snop;
	(pc) =	sbr.rel .LBB2_8-.Ltmp9, $4  }
0x1a5: {  	[smem:$0x0] =	sst s22;
	s26 =	simm.s32 $0x1  }
0x1a6: {  	_ =	swait.ge [sflag:s26], $0x18000  }
0x1a7: {  	[sflag:s26] =	ssyncset.done $0x0  }
0x1a8: {  	s23 =	sadd.s32 $0x600, s22;
	[sflag:s26] =	ssyncadd.s32 $0xFFFE8000  }
.LBB2_11:
0x1a9: {  	_ =	sfence.sel $0x180000  }
0x1aa: {  	[bflag:$0x0] =	sbarrier.arrive $0xFFFF  }
0x1ab: {  	_ =	strace $0x9000004D  }
0x1ac: {  	s0 =	stileid.u32;
	[bflag:$0x2] =	sbarrier.arrive $0xFFFF  }
0x1ad: {  	p0 =	sne.s32 s0, $0x0;
	s0 =	rddreg [dreg:$0x2]  }
0x1ae: {  	s0 =	sadd.s32 @!p0 $0x100000, s0  }
0x1af: {  	[sflag:s0] =	ssyncadd.tile.s32 @!p0 $0x1;
	_ =	shalt  }
.Lfunc_end2:
_tile_overlayer_lowered:
.L_overlay_start_2:
0x1b0: {  	(tag) =	ssettag $0x2  }
0x1b1: {  	s0 =	rddreg [dreg:$0x0];
	s2 =	stileid.u32  }
0x1b2: {  	s1 =	rddreg [dreg:$0x1];
	p0 =	sne.s32 s2, $0x0  }
0x1b3: {  	s3 =	rddreg [dreg:$0x2];
	[bflag:$0x3] =	sbarrier.arrive $0xFFFF;
	s2 =	simm.s32 @!p0 $0x1C01  }
0x1b4: {  	[timem:s3], [sflag:s2] =	dma.local @!p0 [hbm:s0], s1  }
0x1b5: {  	s0 =	simm.s32 @!p0 $0x1  }
0x1b6: {  	_ =	swait.ge @!p0 [sflag:s0], s1  }
0x1b7: {  	s1 =	ssub.s32 @!p0 $0x0, s1;
	[sflag:s0] =	ssyncset.done @!p0 $0x0  }
0x1b8: {  	[sflag:s0] =	ssyncadd.s32 @!p0 s1  }
0x1b9: {  	[bflag:$0x3] =	sbarrier.arrive $0xFFFF  }
0x1ba: {  	_ =	shalt  }

</sc_bundles>
